<compile_context>
chip_gen: v7x
topology: tpu7x:2x2x1
jax: 0.10.2.dev20260603
libtpu: 0.0.44.dev20260713+nightly
codegen_flags: <defaults>
</compile_context>

<pallas_src>
import functools
import jax
import jax.numpy as jnp
from jax import lax
from jax.experimental import pallas as pl
from jax.experimental.pallas import tpu as pltpu, tpu_sc as plsc

SEQ = 8192
BATCH = 4
D = 1024
NW = 32
ROWS_PER_W = SEQ // NW
CHUNK = 4
NCHUNK = ROWS_PER_W // CHUNK
NBUF = 2
NGROUP = D // 16


def _sc_body(x_hbm, pos_hbm, out_hbm,
             xin0, xin1, pin0, pin1, xout0, xout1, insems, outsems):
    c = lax.axis_index("c")
    s = lax.axis_index("s")
    wid = s * 2 + c
    base = wid * ROWS_PER_W

    xins = [xin0, xin1]
    pins = [pin0, pin1]
    xouts = [xout0, xout1]

    def start_in(chunk, slot):
        row = base + chunk * CHUNK
        pltpu.async_copy(x_hbm.at[pl.ds(row, CHUNK)], xins[slot], insems.at[slot])
        pltpu.async_copy(pos_hbm.at[pl.ds(row, CHUNK)], pins[slot], insems.at[slot])

    def wait_in(slot):
        pltpu.make_async_copy(x_hbm.at[pl.ds(0, CHUNK)], xins[slot], insems.at[slot]).wait()
        pltpu.make_async_copy(pos_hbm.at[pl.ds(0, CHUNK)], pins[slot], insems.at[slot]).wait()

    def start_out(chunk, slot):
        row = base + chunk * CHUNK
        pltpu.async_copy(xouts[slot], out_hbm.at[pl.ds(row, CHUNK)], outsems.at[slot])

    def wait_out(slot):
        pltpu.make_async_copy(xouts[slot], out_hbm.at[pl.ds(0, CHUNK)], outsems.at[slot]).wait()

    def compute(slot):
        xb = xins[slot]
        pb = pins[slot]
        ob = xouts[slot]

        def body(j, carry):
            poff = j * 16
            for sr in range(CHUNK):
                pvec = pb[sr, pl.ds(poff, 16)]
                for b in range(BATCH):
                    ob[sr, b, pl.ds(poff, 16)] = xb[sr, b, pl.ds(poff, 16)] + pvec
            return carry

        lax.fori_loop(0, NGROUP, body, 0, unroll=4)

    for b in range(NBUF):
        start_in(b, b)

    def loop(i, carry):
        for b in range(NBUF):
            chunk = i * NBUF + b
            wait_in(b)
            @pl.when(chunk >= NBUF)
            def drain_prev():
                wait_out(b)
            compute(b)
            start_out(chunk, b)

            @pl.when(chunk + NBUF < NCHUNK)
            def refill():
                start_in(chunk + NBUF, b)
        return carry

    lax.fori_loop(0, NCHUNK // NBUF, loop, 0)
    for b in range(NBUF):
        wait_out(b)


def kernel(x, pos_embedding):
    mesh = plsc.VectorSubcoreMesh(core_axis_name="c", subcore_axis_name="s")
    k = functools.partial(
        pl.kernel,
        mesh=mesh,
        out_type=jax.ShapeDtypeStruct((SEQ, BATCH, D), jnp.float32),
        scratch_types=[
            pltpu.VMEM((CHUNK, BATCH, D), jnp.float32),
            pltpu.VMEM((CHUNK, BATCH, D), jnp.float32),
            pltpu.VMEM((CHUNK, D), jnp.float32),
            pltpu.VMEM((CHUNK, D), jnp.float32),
            pltpu.VMEM((CHUNK, BATCH, D), jnp.float32),
            pltpu.VMEM((CHUNK, BATCH, D), jnp.float32),
            pltpu.SemaphoreType.DMA((NBUF,)),
            pltpu.SemaphoreType.DMA((NBUF,)),
        ],
    )(_sc_body)
    return k(x, pos_embedding[:SEQ])

# --- scband reference (transcript-rebuilt; emitter-appended) ---
"""Pipeline reference for scband-learned-positional-encoding-27075473834099 (READ-ONLY COPY).

The authoritative reference and input builder live on the scoring server;
editing this copy changes nothing except your own understanding.
"""

import jax, jax.numpy as jnp
import numpy as np

SEQ = 8192
BATCH = 4
D_MODEL = 1024
MAX_LEN = 8192

def setup_inputs(seed: int = 0) -> dict:
    key = jax.random.key(seed)
    k1, k2 = jax.random.split(key)
    x = jax.random.normal(k1, (SEQ, BATCH, D_MODEL), dtype=jnp.float32)
    pos_embedding = jax.random.normal(k2, (MAX_LEN, D_MODEL), dtype=jnp.float32) * 0.02
    return {"x": x, "pos_embedding": pos_embedding}

def reference(x, pos_embedding):
    seq_length = x.shape[0]
    position_ids = jnp.arange(MAX_LEN)
    # embedding lookup: gather rows of the position table
    position_embeddings = jnp.take(pos_embedding, position_ids[:seq_length], axis=0)
    position_embeddings = position_embeddings[:, None, :]  # unsqueeze(1)
    return x + position_embeddings

if __name__ == "__main__":
    import jax
    _d = setup_inputs()
    print(jax.jit(kernel)(*tuple(_d.values())))

</pallas_src>

<mosaic_0001>
#map = affine_map<(d0, d1) -> (0, 0, 0)>
#map1 = affine_map<(d0, d1) -> (0, 0)>
module attributes {stable_mosaic.version = 14 : i64} {
  func.func @_sc_body(%arg0: i32, %arg1: i32, %arg2: memref<8192x4x1024xf32, #tpu.memory_space<hbm>>, %arg3: memref<8192x1024xf32, #tpu.memory_space<hbm>>, %arg4: memref<8192x4x1024xf32, #tpu.memory_space<hbm>>, %arg5: memref<4x4x1024xf32, #tpu.memory_space<vmem>>, %arg6: memref<4x4x1024xf32, #tpu.memory_space<vmem>>, %arg7: memref<4x1024xf32, #tpu.memory_space<vmem>>, %arg8: memref<4x1024xf32, #tpu.memory_space<vmem>>, %arg9: memref<4x4x1024xf32, #tpu.memory_space<vmem>>, %arg10: memref<4x4x1024xf32, #tpu.memory_space<vmem>>, %arg11: memref<2x!tpu.dma_semaphore, #tpu.memory_space<semaphore_mem>>, %arg12: memref<2x!tpu.dma_semaphore, #tpu.memory_space<semaphore_mem>>) attributes {dimension_semantics = [#tpu.dimension_semantics<core_parallel>, #tpu.dimension_semantics<subcore_parallel>], iteration_bounds = array<i64: 2, 16>, scalar_prefetch = 0 : i64, scratch_operands = 8 : i64, tpu.core_type = #tpu.core_type<sc_vector_subcore>, window_params = [{transform_indices = #map}, {transform_indices = #map1}, {transform_indices = #map}]} {
    %mul3A = arith.constant 2 : i32
    %mul3A_0 = arith.muli %arg1, %mul3A : i32
    %add3A = arith.addi %mul3A_0, %arg0 : i32
    %mul3A_1 = arith.constant 256 : i32
    %mul3A_2 = arith.muli %add3A, %mul3A_1 : i32
    %add3A_3 = arith.constant 0 : i32
    %add3A_4 = arith.addi %mul3A_2, %add3A_3 : i32
    %dma_start3A = arith.constant 0 : i32
    %dma_start3A_5 = arith.constant 0 : i32
    %dma_start3A_6 = arith.constant 0 : i32
    %dma_start3A_7 = tpu.memref_slice %arg2[%add3A_4, %dma_start3A_5, %dma_start3A_6] : memref<8192x4x1024xf32, #tpu.memory_space<hbm>> -> memref<4x4x1024xf32, #tpu.memory_space<hbm>>
    %dma_start3A_8 = tpu.memref_slice %arg11[%dma_start3A] : memref<2x!tpu.dma_semaphore, #tpu.memory_space<semaphore_mem>> -> memref<1x!tpu.dma_semaphore, #tpu.memory_space<semaphore_mem>>
    %dma_start3A_9 = tpu.memref_squeeze %dma_start3A_8 : memref<1x!tpu.dma_semaphore, #tpu.memory_space<semaphore_mem>> -> memref<!tpu.dma_semaphore, #tpu.memory_space<semaphore_mem>>
    %dma_start3A_10 = arith.constant 0 : i32
    %dma_start3A_11 = arith.constant 0 : i32
    %dma_start3A_12 = tpu.memref_slice %arg2[%add3A_4, %dma_start3A_10, %dma_start3A_11] : memref<8192x4x1024xf32, #tpu.memory_space<hbm>> -> memref<4x4x1024xf32, #tpu.memory_space<hbm>>
    tpu.enqueue_dma source(%dma_start3A_12 : memref<4x4x1024xf32, #tpu.memory_space<hbm>>) target(%arg5 : memref<4x4x1024xf32, #tpu.memory_space<vmem>>) target_semaphore(%dma_start3A_9 : memref<!tpu.dma_semaphore, #tpu.memory_space<semaphore_mem>>)
    %dma_start3A_13 = arith.constant 0 : i32
    %dma_start3A_14 = arith.constant 0 : i32
    %dma_start3A_15 = tpu.memref_slice %arg3[%add3A_4, %dma_start3A_14] : memref<8192x1024xf32, #tpu.memory_space<hbm>> -> memref<4x1024xf32, #tpu.memory_space<hbm>>
    %dma_start3A_16 = tpu.memref_slice %arg11[%dma_start3A_13] : memref<2x!tpu.dma_semaphore, #tpu.memory_space<semaphore_mem>> -> memref<1x!tpu.dma_semaphore, #tpu.memory_space<semaphore_mem>>
    %dma_start3A_17 = tpu.memref_squeeze %dma_start3A_16 : memref<1x!tpu.dma_semaphore, #tpu.memory_space<semaphore_mem>> -> memref<!tpu.dma_semaphore, #tpu.memory_space<semaphore_mem>>
    %dma_start3A_18 = arith.constant 0 : i32
    %dma_start3A_19 = tpu.memref_slice %arg3[%add3A_4, %dma_start3A_18] : memref<8192x1024xf32, #tpu.memory_space<hbm>> -> memref<4x1024xf32, #tpu.memory_space<hbm>>
    tpu.enqueue_dma source(%dma_start3A_19 : memref<4x1024xf32, #tpu.memory_space<hbm>>) target(%arg7 : memref<4x1024xf32, #tpu.memory_space<vmem>>) target_semaphore(%dma_start3A_17 : memref<!tpu.dma_semaphore, #tpu.memory_space<semaphore_mem>>)
    %add3A_20 = arith.constant 4 : i32
    %add3A_21 = arith.addi %mul3A_2, %add3A_20 : i32
    %dma_start3A_22 = arith.constant 1 : i32
    %dma_start3A_23 = arith.constant 0 : i32
    %dma_start3A_24 = arith.constant 0 : i32
    %dma_start3A_25 = tpu.memref_slice %arg2[%add3A_21, %dma_start3A_23, %dma_start3A_24] : memref<8192x4x1024xf32, #tpu.memory_space<hbm>> -> memref<4x4x1024xf32, #tpu.memory_space<hbm>>
    %dma_start3A_26 = tpu.memref_slice %arg11[%dma_start3A_22] : memref<2x!tpu.dma_semaphore, #tpu.memory_space<semaphore_mem>> -> memref<1x!tpu.dma_semaphore, #tpu.memory_space<semaphore_mem>>
    %dma_start3A_27 = tpu.memref_squeeze %dma_start3A_26 : memref<1x!tpu.dma_semaphore, #tpu.memory_space<semaphore_mem>> -> memref<!tpu.dma_semaphore, #tpu.memory_space<semaphore_mem>>
    %dma_start3A_28 = arith.constant 0 : i32
    %dma_start3A_29 = arith.constant 0 : i32
    %dma_start3A_30 = tpu.memref_slice %arg2[%add3A_21, %dma_start3A_28, %dma_start3A_29] : memref<8192x4x1024xf32, #tpu.memory_space<hbm>> -> memref<4x4x1024xf32, #tpu.memory_space<hbm>>
    tpu.enqueue_dma source(%dma_start3A_30 : memref<4x4x1024xf32, #tpu.memory_space<hbm>>) target(%arg6 : memref<4x4x1024xf32, #tpu.memory_space<vmem>>) target_semaphore(%dma_start3A_27 : memref<!tpu.dma_semaphore, #tpu.memory_space<semaphore_mem>>)
    %dma_start3A_31 = arith.constant 1 : i32
    %dma_start3A_32 = arith.constant 0 : i32
    %dma_start3A_33 = tpu.memref_slice %arg3[%add3A_21, %dma_start3A_32] : memref<8192x1024xf32, #tpu.memory_space<hbm>> -> memref<4x1024xf32, #tpu.memory_space<hbm>>
    %dma_start3A_34 = tpu.memref_slice %arg11[%dma_start3A_31] : memref<2x!tpu.dma_semaphore, #tpu.memory_space<semaphore_mem>> -> memref<1x!tpu.dma_semaphore, #tpu.memory_space<semaphore_mem>>
    %dma_start3A_35 = tpu.memref_squeeze %dma_start3A_34 : memref<1x!tpu.dma_semaphore, #tpu.memory_space<semaphore_mem>> -> memref<!tpu.dma_semaphore, #tpu.memory_space<semaphore_mem>>
    %dma_start3A_36 = arith.constant 0 : i32
    %dma_start3A_37 = tpu.memref_slice %arg3[%add3A_21, %dma_start3A_36] : memref<8192x1024xf32, #tpu.memory_space<hbm>> -> memref<4x1024xf32, #tpu.memory_space<hbm>>
    tpu.enqueue_dma source(%dma_start3A_37 : memref<4x1024xf32, #tpu.memory_space<hbm>>) target(%arg8 : memref<4x1024xf32, #tpu.memory_space<vmem>>) target_semaphore(%dma_start3A_35 : memref<!tpu.dma_semaphore, #tpu.memory_space<semaphore_mem>>)
    %scan3A = arith.constant 0 : i32
    %scan3A_38 = arith.constant 0 : i32
    %scan3A_39 = arith.constant 32 : i32
    %scan3A_40 = arith.addi %scan3A_38, %scan3A_39 : i32
    %scan3A_41 = arith.constant 1 : i32
    scf.for %scan3A_64 = %scan3A_38 to %scan3A_40 step %scan3A_41  : i32 {
      %mul3A_65 = arith.constant 2 : i32
      %mul3A_66 = arith.muli %scan3A_64, %mul3A_65 : i32
      %add3A_67 = arith.constant 0 : i32
      %add3A_68 = arith.addi %mul3A_66, %add3A_67 : i32
      %dma_wait3A_69 = arith.constant 0 : i32
      %dma_wait3A_70 = arith.constant 0 : i32
      %dma_wait3A_71 = arith.constant 0 : i32
      %dma_wait3A_72 = arith.constant 0 : i32
      %dma_wait3A_73 = tpu.memref_slice %arg2[%dma_wait3A_70, %dma_wait3A_71, %dma_wait3A_72] : memref<8192x4x1024xf32, #tpu.memory_space<hbm>> -> memref<4x4x1024xf32, #tpu.memory_space<hbm>>
      %dma_wait3A_74 = tpu.memref_slice %arg11[%dma_wait3A_69] : memref<2x!tpu.dma_semaphore, #tpu.memory_space<semaphore_mem>> -> memref<1x!tpu.dma_semaphore, #tpu.memory_space<semaphore_mem>>
      %dma_wait3A_75 = tpu.memref_squeeze %dma_wait3A_74 : memref<1x!tpu.dma_semaphore, #tpu.memory_space<semaphore_mem>> -> memref<!tpu.dma_semaphore, #tpu.memory_space<semaphore_mem>>
      %dma_wait3A_76 = arith.constant 0 : i32
      %dma_wait3A_77 = arith.constant 0 : i32
      %dma_wait3A_78 = arith.constant 0 : i32
      %dma_wait3A_79 = tpu.memref_slice %arg2[%dma_wait3A_76, %dma_wait3A_77, %dma_wait3A_78] : memref<8192x4x1024xf32, #tpu.memory_space<hbm>> -> memref<4x4x1024xf32, #tpu.memory_space<hbm>>
      tpu.wait_dma2 semaphore(%dma_wait3A_75 : memref<!tpu.dma_semaphore, #tpu.memory_space<semaphore_mem>>) src(%dma_wait3A_79 : memref<4x4x1024xf32, #tpu.memory_space<hbm>>) dst(%arg5 : memref<4x4x1024xf32, #tpu.memory_space<vmem>>)
      %dma_wait3A_80 = arith.constant 0 : i32
      %dma_wait3A_81 = arith.constant 0 : i32
      %dma_wait3A_82 = arith.constant 0 : i32
      %dma_wait3A_83 = tpu.memref_slice %arg3[%dma_wait3A_81, %dma_wait3A_82] : memref<8192x1024xf32, #tpu.memory_space<hbm>> -> memref<4x1024xf32, #tpu.memory_space<hbm>>
      %dma_wait3A_84 = tpu.memref_slice %arg11[%dma_wait3A_80] : memref<2x!tpu.dma_semaphore, #tpu.memory_space<semaphore_mem>> -> memref<1x!tpu.dma_semaphore, #tpu.memory_space<semaphore_mem>>
      %dma_wait3A_85 = tpu.memref_squeeze %dma_wait3A_84 : memref<1x!tpu.dma_semaphore, #tpu.memory_space<semaphore_mem>> -> memref<!tpu.dma_semaphore, #tpu.memory_space<semaphore_mem>>
      %dma_wait3A_86 = arith.constant 0 : i32
      %dma_wait3A_87 = arith.constant 0 : i32
      %dma_wait3A_88 = tpu.memref_slice %arg3[%dma_wait3A_86, %dma_wait3A_87] : memref<8192x1024xf32, #tpu.memory_space<hbm>> -> memref<4x1024xf32, #tpu.memory_space<hbm>>
      tpu.wait_dma2 semaphore(%dma_wait3A_85 : memref<!tpu.dma_semaphore, #tpu.memory_space<semaphore_mem>>) src(%dma_wait3A_88 : memref<4x1024xf32, #tpu.memory_space<hbm>>) dst(%arg7 : memref<4x1024xf32, #tpu.memory_space<vmem>>)
      %ge3A = arith.constant 2 : i32
      %ge3A_89 = arith.cmpi sge, %add3A_68, %ge3A : i32
      %convert_element_type3A = arith.extui %ge3A_89 : i1 to i32
      %cond3A = arith.constant 0 : i32
      %cond3A_90 = arith.cmpi ne, %convert_element_type3A, %cond3A : i32
      scf.if %cond3A_90 {
        %dma_wait3A_169 = arith.constant 0 : i32
        %dma_wait3A_170 = arith.constant 0 : i32
        %dma_wait3A_171 = arith.constant 0 : i32
        %dma_wait3A_172 = arith.constant 0 : i32
        %dma_wait3A_173 = tpu.memref_slice %arg4[%dma_wait3A_170, %dma_wait3A_171, %dma_wait3A_172] : memref<8192x4x1024xf32, #tpu.memory_space<hbm>> -> memref<4x4x1024xf32, #tpu.memory_space<hbm>>
        %dma_wait3A_174 = tpu.memref_slice %arg12[%dma_wait3A_169] : memref<2x!tpu.dma_semaphore, #tpu.memory_space<semaphore_mem>> -> memref<1x!tpu.dma_semaphore, #tpu.memory_space<semaphore_mem>>
        %dma_wait3A_175 = tpu.memref_squeeze %dma_wait3A_174 : memref<1x!tpu.dma_semaphore, #tpu.memory_space<semaphore_mem>> -> memref<!tpu.dma_semaphore, #tpu.memory_space<semaphore_mem>>
        %dma_wait3A_176 = arith.constant 0 : i32
        %dma_wait3A_177 = arith.constant 0 : i32
        %dma_wait3A_178 = arith.constant 0 : i32
        %dma_wait3A_179 = tpu.memref_slice %arg4[%dma_wait3A_176, %dma_wait3A_177, %dma_wait3A_178] : memref<8192x4x1024xf32, #tpu.memory_space<hbm>> -> memref<4x4x1024xf32, #tpu.memory_space<hbm>>
        tpu.wait_dma2 semaphore(%dma_wait3A_175 : memref<!tpu.dma_semaphore, #tpu.memory_space<semaphore_mem>>) src(%arg9 : memref<4x4x1024xf32, #tpu.memory_space<vmem>>) dst(%dma_wait3A_179 : memref<4x4x1024xf32, #tpu.memory_space<hbm>>)
      } else {
      }
      %scan3A_91 = arith.constant 0 : i32
      %scan3A_92 = arith.constant 0 : i32
      %scan3A_93 = arith.constant 64 : i32
      %scan3A_94 = arith.addi %scan3A_92, %scan3A_93 : i32
      %scan3A_95 = arith.constant 4 : i32
      scf.for %scan3A_169 = %scan3A_92 to %scan3A_94 step %scan3A_95  : i32 {
        %mul3A_170 = arith.constant 16 : i32
        %mul3A_171 = arith.muli %scan3A_169, %mul3A_170 : i32
        %get3A = arith.constant 0 : i32
        %get3A_172 = arith.index_cast %get3A : i32 to index
        %get3A_173 = arith.index_cast %mul3A_171 : i32 to index
        %get3A_174 = tpu.vector_load %arg7[%get3A_172, %get3A_173] {strides = array<i32>} : memref<4x1024xf32, #tpu.memory_space<vmem>>, vector<1x16xf32>,
        %get3A_175 = vector.shape_cast %get3A_174 : vector<1x16xf32> to vector<16xf32>
        %get3A_176 = arith.constant 0 : i32
        %get3A_177 = arith.constant 0 : i32
        %get3A_178 = arith.index_cast %get3A_176 : i32 to index
        %get3A_179 = arith.index_cast %get3A_177 : i32 to index
        %get3A_180 = arith.index_cast %mul3A_171 : i32 to index
        %get3A_181 = tpu.vector_load %arg5[%get3A_178, %get3A_179, %get3A_180] {strides = array<i32>} : memref<4x4x1024xf32, #tpu.memory_space<vmem>>, vector<1x1x16xf32>,
        %get3A_182 = vector.shape_cast %get3A_181 : vector<1x1x16xf32> to vector<16xf32>
        %add3A_183 = arith.addf %get3A_182, %get3A_175 : vector<16xf32>
        %swap3A = arith.constant 0 : i32
        %swap3A_184 = arith.constant 0 : i32
        %swap3A_185 = arith.index_cast %swap3A : i32 to index
        %swap3A_186 = arith.index_cast %swap3A_184 : i32 to index
        %swap3A_187 = arith.index_cast %mul3A_171 : i32 to index
        %swap3A_188 = tpu.vector_load %arg9[%swap3A_185, %swap3A_186, %swap3A_187] {strides = array<i32>} : memref<4x4x1024xf32, #tpu.memory_space<vmem>>, vector<1x1x16xf32>,
        %swap3A_189 = vector.shape_cast %swap3A_188 : vector<1x1x16xf32> to vector<16xf32>
        %swap3A_190 = vector.shape_cast %add3A_183 : vector<16xf32> to vector<1x1x16xf32>
        tpu.vector_store %arg9[%swap3A_185, %swap3A_186, %swap3A_187], %swap3A_190 {strides = array<i32>} : memref<4x4x1024xf32, #tpu.memory_space<vmem>>, vector<1x1x16xf32>,
        %get3A_191 = arith.constant 0 : i32
        %get3A_192 = arith.constant 1 : i32
        %get3A_193 = arith.index_cast %get3A_191 : i32 to index
        %get3A_194 = arith.index_cast %get3A_192 : i32 to index
        %get3A_195 = arith.index_cast %mul3A_171 : i32 to index
        %get3A_196 = tpu.vector_load %arg5[%get3A_193, %get3A_194, %get3A_195] {strides = array<i32>} : memref<4x4x1024xf32, #tpu.memory_space<vmem>>, vector<1x1x16xf32>,
        %get3A_197 = vector.shape_cast %get3A_196 : vector<1x1x16xf32> to vector<16xf32>
        %add3A_198 = arith.addf %get3A_197, %get3A_175 : vector<16xf32>
        %swap3A_199 = arith.constant 0 : i32
        %swap3A_200 = arith.constant 1 : i32
        %swap3A_201 = arith.index_cast %swap3A_199 : i32 to index
        %swap3A_202 = arith.index_cast %swap3A_200 : i32 to index
        %swap3A_203 = arith.index_cast %mul3A_171 : i32 to index
        %swap3A_204 = tpu.vector_load %arg9[%swap3A_201, %swap3A_202, %swap3A_203] {strides = array<i32>} : memref<4x4x1024xf32, #tpu.memory_space<vmem>>, vector<1x1x16xf32>,
        %swap3A_205 = vector.shape_cast %swap3A_204 : vector<1x1x16xf32> to vector<16xf32>
        %swap3A_206 = vector.shape_cast %add3A_198 : vector<16xf32> to vector<1x1x16xf32>
        tpu.vector_store %arg9[%swap3A_201, %swap3A_202, %swap3A_203], %swap3A_206 {strides = array<i32>} : memref<4x4x1024xf32, #tpu.memory_space<vmem>>, vector<1x1x16xf32>,
        %get3A_207 = arith.constant 0 : i32
        %get3A_208 = arith.constant 2 : i32
        %get3A_209 = arith.index_cast %get3A_207 : i32 to index
        %get3A_210 = arith.index_cast %get3A_208 : i32 to index
        %get3A_211 = arith.index_cast %mul3A_171 : i32 to index
        %get3A_212 = tpu.vector_load %arg5[%get3A_209, %get3A_210, %get3A_211] {strides = array<i32>} : memref<4x4x1024xf32, #tpu.memory_space<vmem>>, vector<1x1x16xf32>,
        %get3A_213 = vector.shape_cast %get3A_212 : vector<1x1x16xf32> to vector<16xf32>
        %add3A_214 = arith.addf %get3A_213, %get3A_175 : vector<16xf32>
        %swap3A_215 = arith.constant 0 : i32
        %swap3A_216 = arith.constant 2 : i32
        %swap3A_217 = arith.index_cast %swap3A_215 : i32 to index
        %swap3A_218 = arith.index_cast %swap3A_216 : i32 to index
        %swap3A_219 = arith.index_cast %mul3A_171 : i32 to index
        %swap3A_220 = tpu.vector_load %arg9[%swap3A_217, %swap3A_218, %swap3A_219] {strides = array<i32>} : memref<4x4x1024xf32, #tpu.memory_space<vmem>>, vector<1x1x16xf32>,
        %swap3A_221 = vector.shape_cast %swap3A_220 : vector<1x1x16xf32> to vector<16xf32>
        %swap3A_222 = vector.shape_cast %add3A_214 : vector<16xf32> to vector<1x1x16xf32>
        tpu.vector_store %arg9[%swap3A_217, %swap3A_218, %swap3A_219], %swap3A_222 {strides = array<i32>} : memref<4x4x1024xf32, #tpu.memory_space<vmem>>, vector<1x1x16xf32>,
        %get3A_223 = arith.constant 0 : i32
        %get3A_224 = arith.constant 3 : i32
        %get3A_225 = arith.index_cast %get3A_223 : i32 to index
        %get3A_226 = arith.index_cast %get3A_224 : i32 to index
        %get3A_227 = arith.index_cast %mul3A_171 : i32 to index
        %get3A_228 = tpu.vector_load %arg5[%get3A_225, %get3A_226, %get3A_227] {strides = array<i32>} : memref<4x4x1024xf32, #tpu.memory_space<vmem>>, vector<1x1x16xf32>,
        %get3A_229 = vector.shape_cast %get3A_228 : vector<1x1x16xf32> to vector<16xf32>
        %add3A_230 = arith.addf %get3A_229, %get3A_175 : vector<16xf32>
        %swap3A_231 = arith.constant 0 : i32
        %swap3A_232 = arith.constant 3 : i32
        %swap3A_233 = arith.index_cast %swap3A_231 : i32 to index
        %swap3A_234 = arith.index_cast %swap3A_232 : i32 to index
        %swap3A_235 = arith.index_cast %mul3A_171 : i32 to index
        %swap3A_236 = tpu.vector_load %arg9[%swap3A_233, %swap3A_234, %swap3A_235] {strides = array<i32>} : memref<4x4x1024xf32, #tpu.memory_space<vmem>>, vector<1x1x16xf32>,
        %swap3A_237 = vector.shape_cast %swap3A_236 : vector<1x1x16xf32> to vector<16xf32>
        %swap3A_238 = vector.shape_cast %add3A_230 : vector<16xf32> to vector<1x1x16xf32>
        tpu.vector_store %arg9[%swap3A_233, %swap3A_234, %swap3A_235], %swap3A_238 {strides = array<i32>} : memref<4x4x1024xf32, #tpu.memory_space<vmem>>, vector<1x1x16xf32>,
        %get3A_239 = arith.constant 1 : i32
        %get3A_240 = arith.index_cast %get3A_239 : i32 to index
        %get3A_241 = arith.index_cast %mul3A_171 : i32 to index
        %get3A_242 = tpu.vector_load %arg7[%get3A_240, %get3A_241] {strides = array<i32>} : memref<4x1024xf32, #tpu.memory_space<vmem>>, vector<1x16xf32>,
        %get3A_243 = vector.shape_cast %get3A_242 : vector<1x16xf32> to vector<16xf32>
        %get3A_244 = arith.constant 1 : i32
        %get3A_245 = arith.constant 0 : i32
        %get3A_246 = arith.index_cast %get3A_244 : i32 to index
        %get3A_247 = arith.index_cast %get3A_245 : i32 to index
        %get3A_248 = arith.index_cast %mul3A_171 : i32 to index
        %get3A_249 = tpu.vector_load %arg5[%get3A_246, %get3A_247, %get3A_248] {strides = array<i32>} : memref<4x4x1024xf32, #tpu.memory_space<vmem>>, vector<1x1x16xf32>,
        %get3A_250 = vector.shape_cast %get3A_249 : vector<1x1x16xf32> to vector<16xf32>
        %add3A_251 = arith.addf %get3A_250, %get3A_243 : vector<16xf32>
        %swap3A_252 = arith.constant 1 : i32
        %swap3A_253 = arith.constant 0 : i32
        %swap3A_254 = arith.index_cast %swap3A_252 : i32 to index
        %swap3A_255 = arith.index_cast %swap3A_253 : i32 to index
        %swap3A_256 = arith.index_cast %mul3A_171 : i32 to index
        %swap3A_257 = tpu.vector_load %arg9[%swap3A_254, %swap3A_255, %swap3A_256] {strides = array<i32>} : memref<4x4x1024xf32, #tpu.memory_space<vmem>>, vector<1x1x16xf32>,
        %swap3A_258 = vector.shape_cast %swap3A_257 : vector<1x1x16xf32> to vector<16xf32>
        %swap3A_259 = vector.shape_cast %add3A_251 : vector<16xf32> to vector<1x1x16xf32>
        tpu.vector_store %arg9[%swap3A_254, %swap3A_255, %swap3A_256], %swap3A_259 {strides = array<i32>} : memref<4x4x1024xf32, #tpu.memory_space<vmem>>, vector<1x1x16xf32>,
        %get3A_260 = arith.constant 1 : i32
        %get3A_261 = arith.constant 1 : i32
        %get3A_262 = arith.index_cast %get3A_260 : i32 to index
        %get3A_263 = arith.index_cast %get3A_261 : i32 to index
        %get3A_264 = arith.index_cast %mul3A_171 : i32 to index
        %get3A_265 = tpu.vector_load %arg5[%get3A_262, %get3A_263, %get3A_264] {strides = array<i32>} : memref<4x4x1024xf32, #tpu.memory_space<vmem>>, vector<1x1x16xf32>,
        %get3A_266 = vector.shape_cast %get3A_265 : vector<1x1x16xf32> to vector<16xf32>
        %add3A_267 = arith.addf %get3A_266, %get3A_243 : vector<16xf32>
        %swap3A_268 = arith.constant 1 : i32
        %swap3A_269 = arith.constant 1 : i32
        %swap3A_270 = arith.index_cast %swap3A_268 : i32 to index
        %swap3A_271 = arith.index_cast %swap3A_269 : i32 to index
        %swap3A_272 = arith.index_cast %mul3A_171 : i32 to index
        %swap3A_273 = tpu.vector_load %arg9[%swap3A_270, %swap3A_271, %swap3A_272] {strides = array<i32>} : memref<4x4x1024xf32, #tpu.memory_space<vmem>>, vector<1x1x16xf32>,
        %swap3A_274 = vector.shape_cast %swap3A_273 : vector<1x1x16xf32> to vector<16xf32>
        %swap3A_275 = vector.shape_cast %add3A_267 : vector<16xf32> to vector<1x1x16xf32>
        tpu.vector_store %arg9[%swap3A_270, %swap3A_271, %swap3A_272], %swap3A_275 {strides = array<i32>} : memref<4x4x1024xf32, #tpu.memory_space<vmem>>, vector<1x1x16xf32>,
        %get3A_276 = arith.constant 1 : i32
        %get3A_277 = arith.constant 2 : i32
        %get3A_278 = arith.index_cast %get3A_276 : i32 to index
        %get3A_279 = arith.index_cast %get3A_277 : i32 to index
        %get3A_280 = arith.index_cast %mul3A_171 : i32 to index
        %get3A_281 = tpu.vector_load %arg5[%get3A_278, %get3A_279, %get3A_280] {strides = array<i32>} : memref<4x4x1024xf32, #tpu.memory_space<vmem>>, vector<1x1x16xf32>,
        %get3A_282 = vector.shape_cast %get3A_281 : vector<1x1x16xf32> to vector<16xf32>
        %add3A_283 = arith.addf %get3A_282, %get3A_243 : vector<16xf32>
        %swap3A_284 = arith.constant 1 : i32
        %swap3A_285 = arith.constant 2 : i32
        %swap3A_286 = arith.index_cast %swap3A_284 : i32 to index
        %swap3A_287 = arith.index_cast %swap3A_285 : i32 to index
        %swap3A_288 = arith.index_cast %mul3A_171 : i32 to index
        %swap3A_289 = tpu.vector_load %arg9[%swap3A_286, %swap3A_287, %swap3A_288] {strides = array<i32>} : memref<4x4x1024xf32, #tpu.memory_space<vmem>>, vector<1x1x16xf32>,
        %swap3A_290 = vector.shape_cast %swap3A_289 : vector<1x1x16xf32> to vector<16xf32>
        %swap3A_291 = vector.shape_cast %add3A_283 : vector<16xf32> to vector<1x1x16xf32>
        tpu.vector_store %arg9[%swap3A_286, %swap3A_287, %swap3A_288], %swap3A_291 {strides = array<i32>} : memref<4x4x1024xf32, #tpu.memory_space<vmem>>, vector<1x1x16xf32>,
        %get3A_292 = arith.constant 1 : i32
        %get3A_293 = arith.constant 3 : i32
        %get3A_294 = arith.index_cast %get3A_292 : i32 to index
        %get3A_295 = arith.index_cast %get3A_293 : i32 to index
        %get3A_296 = arith.index_cast %mul3A_171 : i32 to index
        %get3A_297 = tpu.vector_load %arg5[%get3A_294, %get3A_295, %get3A_296] {strides = array<i32>} : memref<4x4x1024xf32, #tpu.memory_space<vmem>>, vector<1x1x16xf32>,
        %get3A_298 = vector.shape_cast %get3A_297 : vector<1x1x16xf32> to vector<16xf32>
        %add3A_299 = arith.addf %get3A_298, %get3A_243 : vector<16xf32>
        %swap3A_300 = arith.constant 1 : i32
        %swap3A_301 = arith.constant 3 : i32
        %swap3A_302 = arith.index_cast %swap3A_300 : i32 to index
        %swap3A_303 = arith.index_cast %swap3A_301 : i32 to index
        %swap3A_304 = arith.index_cast %mul3A_171 : i32 to index
        %swap3A_305 = tpu.vector_load %arg9[%swap3A_302, %swap3A_303, %swap3A_304] {strides = array<i32>} : memref<4x4x1024xf32, #tpu.memory_space<vmem>>, vector<1x1x16xf32>,
        %swap3A_306 = vector.shape_cast %swap3A_305 : vector<1x1x16xf32> to vector<16xf32>
        %swap3A_307 = vector.shape_cast %add3A_299 : vector<16xf32> to vector<1x1x16xf32>
        tpu.vector_store %arg9[%swap3A_302, %swap3A_303, %swap3A_304], %swap3A_307 {strides = array<i32>} : memref<4x4x1024xf32, #tpu.memory_space<vmem>>, vector<1x1x16xf32>,
        %get3A_308 = arith.constant 2 : i32
        %get3A_309 = arith.index_cast %get3A_308 : i32 to index
        %get3A_310 = arith.index_cast %mul3A_171 : i32 to index
        %get3A_311 = tpu.vector_load %arg7[%get3A_309, %get3A_310] {strides = array<i32>} : memref<4x1024xf32, #tpu.memory_space<vmem>>, vector<1x16xf32>,
        %get3A_312 = vector.shape_cast %get3A_311 : vector<1x16xf32> to vector<16xf32>
        %get3A_313 = arith.constant 2 : i32
        %get3A_314 = arith.constant 0 : i32
        %get3A_315 = arith.index_cast %get3A_313 : i32 to index
        %get3A_316 = arith.index_cast %get3A_314 : i32 to index
        %get3A_317 = arith.index_cast %mul3A_171 : i32 to index
        %get3A_318 = tpu.vector_load %arg5[%get3A_315, %get3A_316, %get3A_317] {strides = array<i32>} : memref<4x4x1024xf32, #tpu.memory_space<vmem>>, vector<1x1x16xf32>,
        %get3A_319 = vector.shape_cast %get3A_318 : vector<1x1x16xf32> to vector<16xf32>
        %add3A_320 = arith.addf %get3A_319, %get3A_312 : vector<16xf32>
        %swap3A_321 = arith.constant 2 : i32
        %swap3A_322 = arith.constant 0 : i32
        %swap3A_323 = arith.index_cast %swap3A_321 : i32 to index
        %swap3A_324 = arith.index_cast %swap3A_322 : i32 to index
        %swap3A_325 = arith.index_cast %mul3A_171 : i32 to index
        %swap3A_326 = tpu.vector_load %arg9[%swap3A_323, %swap3A_324, %swap3A_325] {strides = array<i32>} : memref<4x4x1024xf32, #tpu.memory_space<vmem>>, vector<1x1x16xf32>,
        %swap3A_327 = vector.shape_cast %swap3A_326 : vector<1x1x16xf32> to vector<16xf32>
        %swap3A_328 = vector.shape_cast %add3A_320 : vector<16xf32> to vector<1x1x16xf32>
        tpu.vector_store %arg9[%swap3A_323, %swap3A_324, %swap3A_325], %swap3A_328 {strides = array<i32>} : memref<4x4x1024xf32, #tpu.memory_space<vmem>>, vector<1x1x16xf32>,
        %get3A_329 = arith.constant 2 : i32
        %get3A_330 = arith.constant 1 : i32
        %get3A_331 = arith.index_cast %get3A_329 : i32 to index
        %get3A_332 = arith.index_cast %get3A_330 : i32 to index
        %get3A_333 = arith.index_cast %mul3A_171 : i32 to index
        %get3A_334 = tpu.vector_load %arg5[%get3A_331, %get3A_332, %get3A_333] {strides = array<i32>} : memref<4x4x1024xf32, #tpu.memory_space<vmem>>, vector<1x1x16xf32>,
        %get3A_335 = vector.shape_cast %get3A_334 : vector<1x1x16xf32> to vector<16xf32>
        %add3A_336 = arith.addf %get3A_335, %get3A_312 : vector<16xf32>
        %swap3A_337 = arith.constant 2 : i32
        %swap3A_338 = arith.constant 1 : i32
        %swap3A_339 = arith.index_cast %swap3A_337 : i32 to index
        %swap3A_340 = arith.index_cast %swap3A_338 : i32 to index
        %swap3A_341 = arith.index_cast %mul3A_171 : i32 to index
        %swap3A_342 = tpu.vector_load %arg9[%swap3A_339, %swap3A_340, %swap3A_341] {strides = array<i32>} : memref<4x4x1024xf32, #tpu.memory_space<vmem>>, vector<1x1x16xf32>,
        %swap3A_343 = vector.shape_cast %swap3A_342 : vector<1x1x16xf32> to vector<16xf32>
        %swap3A_344 = vector.shape_cast %add3A_336 : vector<16xf32> to vector<1x1x16xf32>
        tpu.vector_store %arg9[%swap3A_339, %swap3A_340, %swap3A_341], %swap3A_344 {strides = array<i32>} : memref<4x4x1024xf32, #tpu.memory_space<vmem>>, vector<1x1x16xf32>,
        %get3A_345 = arith.constant 2 : i32
        %get3A_346 = arith.constant 2 : i32
        %get3A_347 = arith.index_cast %get3A_345 : i32 to index
        %get3A_348 = arith.index_cast %get3A_346 : i32 to index
        %get3A_349 = arith.index_cast %mul3A_171 : i32 to index
        %get3A_350 = tpu.vector_load %arg5[%get3A_347, %get3A_348, %get3A_349] {strides = array<i32>} : memref<4x4x1024xf32, #tpu.memory_space<vmem>>, vector<1x1x16xf32>,
        %get3A_351 = vector.shape_cast %get3A_350 : vector<1x1x16xf32> to vector<16xf32>
        %add3A_352 = arith.addf %get3A_351, %get3A_312 : vector<16xf32>
        %swap3A_353 = arith.constant 2 : i32
        %swap3A_354 = arith.constant 2 : i32
        %swap3A_355 = arith.index_cast %swap3A_353 : i32 to index
        %swap3A_356 = arith.index_cast %swap3A_354 : i32 to index
        %swap3A_357 = arith.index_cast %mul3A_171 : i32 to index
        %swap3A_358 = tpu.vector_load %arg9[%swap3A_355, %swap3A_356, %swap3A_357] {strides = array<i32>} : memref<4x4x1024xf32, #tpu.memory_space<vmem>>, vector<1x1x16xf32>,
        %swap3A_359 = vector.shape_cast %swap3A_358 : vector<1x1x16xf32> to vector<16xf32>
        %swap3A_360 = vector.shape_cast %add3A_352 : vector<16xf32> to vector<1x1x16xf32>
        tpu.vector_store %arg9[%swap3A_355, %swap3A_356, %swap3A_357], %swap3A_360 {strides = array<i32>} : memref<4x4x1024xf32, #tpu.memory_space<vmem>>, vector<1x1x16xf32>,
        %get3A_361 = arith.constant 2 : i32
        %get3A_362 = arith.constant 3 : i32
        %get3A_363 = arith.index_cast %get3A_361 : i32 to index
        %get3A_364 = arith.index_cast %get3A_362 : i32 to index
        %get3A_365 = arith.index_cast %mul3A_171 : i32 to index
        %get3A_366 = tpu.vector_load %arg5[%get3A_363, %get3A_364, %get3A_365] {strides = array<i32>} : memref<4x4x1024xf32, #tpu.memory_space<vmem>>, vector<1x1x16xf32>,
        %get3A_367 = vector.shape_cast %get3A_366 : vector<1x1x16xf32> to vector<16xf32>
        %add3A_368 = arith.addf %get3A_367, %get3A_312 : vector<16xf32>
        %swap3A_369 = arith.constant 2 : i32
        %swap3A_370 = arith.constant 3 : i32
        %swap3A_371 = arith.index_cast %swap3A_369 : i32 to index
        %swap3A_372 = arith.index_cast %swap3A_370 : i32 to index
        %swap3A_373 = arith.index_cast %mul3A_171 : i32 to index
        %swap3A_374 = tpu.vector_load %arg9[%swap3A_371, %swap3A_372, %swap3A_373] {strides = array<i32>} : memref<4x4x1024xf32, #tpu.memory_space<vmem>>, vector<1x1x16xf32>,
        %swap3A_375 = vector.shape_cast %swap3A_374 : vector<1x1x16xf32> to vector<16xf32>
        %swap3A_376 = vector.shape_cast %add3A_368 : vector<16xf32> to vector<1x1x16xf32>
        tpu.vector_store %arg9[%swap3A_371, %swap3A_372, %swap3A_373], %swap3A_376 {strides = array<i32>} : memref<4x4x1024xf32, #tpu.memory_space<vmem>>, vector<1x1x16xf32>,
        %get3A_377 = arith.constant 3 : i32
        %get3A_378 = arith.index_cast %get3A_377 : i32 to index
        %get3A_379 = arith.index_cast %mul3A_171 : i32 to index
        %get3A_380 = tpu.vector_load %arg7[%get3A_378, %get3A_379] {strides = array<i32>} : memref<4x1024xf32, #tpu.memory_space<vmem>>, vector<1x16xf32>,
        %get3A_381 = vector.shape_cast %get3A_380 : vector<1x16xf32> to vector<16xf32>
        %get3A_382 = arith.constant 3 : i32
        %get3A_383 = arith.constant 0 : i32
        %get3A_384 = arith.index_cast %get3A_382 : i32 to index
        %get3A_385 = arith.index_cast %get3A_383 : i32 to index
        %get3A_386 = arith.index_cast %mul3A_171 : i32 to index
        %get3A_387 = tpu.vector_load %arg5[%get3A_384, %get3A_385, %get3A_386] {strides = array<i32>} : memref<4x4x1024xf32, #tpu.memory_space<vmem>>, vector<1x1x16xf32>,
        %get3A_388 = vector.shape_cast %get3A_387 : vector<1x1x16xf32> to vector<16xf32>
        %add3A_389 = arith.addf %get3A_388, %get3A_381 : vector<16xf32>
        %swap3A_390 = arith.constant 3 : i32
        %swap3A_391 = arith.constant 0 : i32
        %swap3A_392 = arith.index_cast %swap3A_390 : i32 to index
        %swap3A_393 = arith.index_cast %swap3A_391 : i32 to index
        %swap3A_394 = arith.index_cast %mul3A_171 : i32 to index
        %swap3A_395 = tpu.vector_load %arg9[%swap3A_392, %swap3A_393, %swap3A_394] {strides = array<i32>} : memref<4x4x1024xf32, #tpu.memory_space<vmem>>, vector<1x1x16xf32>,
        %swap3A_396 = vector.shape_cast %swap3A_395 : vector<1x1x16xf32> to vector<16xf32>
        %swap3A_397 = vector.shape_cast %add3A_389 : vector<16xf32> to vector<1x1x16xf32>
        tpu.vector_store %arg9[%swap3A_392, %swap3A_393, %swap3A_394], %swap3A_397 {strides = array<i32>} : memref<4x4x1024xf32, #tpu.memory_space<vmem>>, vector<1x1x16xf32>,
        %get3A_398 = arith.constant 3 : i32
        %get3A_399 = arith.constant 1 : i32
        %get3A_400 = arith.index_cast %get3A_398 : i32 to index
        %get3A_401 = arith.index_cast %get3A_399 : i32 to index
        %get3A_402 = arith.index_cast %mul3A_171 : i32 to index
        %get3A_403 = tpu.vector_load %arg5[%get3A_400, %get3A_401, %get3A_402] {strides = array<i32>} : memref<4x4x1024xf32, #tpu.memory_space<vmem>>, vector<1x1x16xf32>,
        %get3A_404 = vector.shape_cast %get3A_403 : vector<1x1x16xf32> to vector<16xf32>
        %add3A_405 = arith.addf %get3A_404, %get3A_381 : vector<16xf32>
        %swap3A_406 = arith.constant 3 : i32
        %swap3A_407 = arith.constant 1 : i32
        %swap3A_408 = arith.index_cast %swap3A_406 : i32 to index
        %swap3A_409 = arith.index_cast %swap3A_407 : i32 to index
        %swap3A_410 = arith.index_cast %mul3A_171 : i32 to index
        %swap3A_411 = tpu.vector_load %arg9[%swap3A_408, %swap3A_409, %swap3A_410] {strides = array<i32>} : memref<4x4x1024xf32, #tpu.memory_space<vmem>>, vector<1x1x16xf32>,
        %swap3A_412 = vector.shape_cast %swap3A_411 : vector<1x1x16xf32> to vector<16xf32>
        %swap3A_413 = vector.shape_cast %add3A_405 : vector<16xf32> to vector<1x1x16xf32>
        tpu.vector_store %arg9[%swap3A_408, %swap3A_409, %swap3A_410], %swap3A_413 {strides = array<i32>} : memref<4x4x1024xf32, #tpu.memory_space<vmem>>, vector<1x1x16xf32>,
        %get3A_414 = arith.constant 3 : i32
        %get3A_415 = arith.constant 2 : i32
        %get3A_416 = arith.index_cast %get3A_414 : i32 to index
        %get3A_417 = arith.index_cast %get3A_415 : i32 to index
        %get3A_418 = arith.index_cast %mul3A_171 : i32 to index
        %get3A_419 = tpu.vector_load %arg5[%get3A_416, %get3A_417, %get3A_418] {strides = array<i32>} : memref<4x4x1024xf32, #tpu.memory_space<vmem>>, vector<1x1x16xf32>,
        %get3A_420 = vector.shape_cast %get3A_419 : vector<1x1x16xf32> to vector<16xf32>
        %add3A_421 = arith.addf %get3A_420, %get3A_381 : vector<16xf32>
        %swap3A_422 = arith.constant 3 : i32
        %swap3A_423 = arith.constant 2 : i32
        %swap3A_424 = arith.index_cast %swap3A_422 : i32 to index
        %swap3A_425 = arith.index_cast %swap3A_423 : i32 to index
        %swap3A_426 = arith.index_cast %mul3A_171 : i32 to index
        %swap3A_427 = tpu.vector_load %arg9[%swap3A_424, %swap3A_425, %swap3A_426] {strides = array<i32>} : memref<4x4x1024xf32, #tpu.memory_space<vmem>>, vector<1x1x16xf32>,
        %swap3A_428 = vector.shape_cast %swap3A_427 : vector<1x1x16xf32> to vector<16xf32>
        %swap3A_429 = vector.shape_cast %add3A_421 : vector<16xf32> to vector<1x1x16xf32>
        tpu.vector_store %arg9[%swap3A_424, %swap3A_425, %swap3A_426], %swap3A_429 {strides = array<i32>} : memref<4x4x1024xf32, #tpu.memory_space<vmem>>, vector<1x1x16xf32>,
        %get3A_430 = arith.constant 3 : i32
        %get3A_431 = arith.constant 3 : i32
        %get3A_432 = arith.index_cast %get3A_430 : i32 to index
        %get3A_433 = arith.index_cast %get3A_431 : i32 to index
        %get3A_434 = arith.index_cast %mul3A_171 : i32 to index
        %get3A_435 = tpu.vector_load %arg5[%get3A_432, %get3A_433, %get3A_434] {strides = array<i32>} : memref<4x4x1024xf32, #tpu.memory_space<vmem>>, vector<1x1x16xf32>,
        %get3A_436 = vector.shape_cast %get3A_435 : vector<1x1x16xf32> to vector<16xf32>
        %add3A_437 = arith.addf %get3A_436, %get3A_381 : vector<16xf32>
        %swap3A_438 = arith.constant 3 : i32
        %swap3A_439 = arith.constant 3 : i32
        %swap3A_440 = arith.index_cast %swap3A_438 : i32 to index
        %swap3A_441 = arith.index_cast %swap3A_439 : i32 to index
        %swap3A_442 = arith.index_cast %mul3A_171 : i32 to index
        %swap3A_443 = tpu.vector_load %arg9[%swap3A_440, %swap3A_441, %swap3A_442] {strides = array<i32>} : memref<4x4x1024xf32, #tpu.memory_space<vmem>>, vector<1x1x16xf32>,
        %swap3A_444 = vector.shape_cast %swap3A_443 : vector<1x1x16xf32> to vector<16xf32>
        %swap3A_445 = vector.shape_cast %add3A_437 : vector<16xf32> to vector<1x1x16xf32>
        tpu.vector_store %arg9[%swap3A_440, %swap3A_441, %swap3A_442], %swap3A_445 {strides = array<i32>} : memref<4x4x1024xf32, #tpu.memory_space<vmem>>, vector<1x1x16xf32>,
        %scan3A_446 = arith.constant 1 : i32
        %scan3A_447 = arith.addi %scan3A_169, %scan3A_446 : i32
        %mul3A_448 = arith.constant 16 : i32
        %mul3A_449 = arith.muli %scan3A_447, %mul3A_448 : i32
        %get3A_450 = arith.constant 0 : i32
        %get3A_451 = arith.index_cast %get3A_450 : i32 to index
        %get3A_452 = arith.index_cast %mul3A_449 : i32 to index
        %get3A_453 = tpu.vector_load %arg7[%get3A_451, %get3A_452] {strides = array<i32>} : memref<4x1024xf32, #tpu.memory_space<vmem>>, vector<1x16xf32>,
        %get3A_454 = vector.shape_cast %get3A_453 : vector<1x16xf32> to vector<16xf32>
        %get3A_455 = arith.constant 0 : i32
        %get3A_456 = arith.constant 0 : i32
        %get3A_457 = arith.index_cast %get3A_455 : i32 to index
        %get3A_458 = arith.index_cast %get3A_456 : i32 to index
        %get3A_459 = arith.index_cast %mul3A_449 : i32 to index
        %get3A_460 = tpu.vector_load %arg5[%get3A_457, %get3A_458, %get3A_459] {strides = array<i32>} : memref<4x4x1024xf32, #tpu.memory_space<vmem>>, vector<1x1x16xf32>,
        %get3A_461 = vector.shape_cast %get3A_460 : vector<1x1x16xf32> to vector<16xf32>
        %add3A_462 = arith.addf %get3A_461, %get3A_454 : vector<16xf32>
        %swap3A_463 = arith.constant 0 : i32
        %swap3A_464 = arith.constant 0 : i32
        %swap3A_465 = arith.index_cast %swap3A_463 : i32 to index
        %swap3A_466 = arith.index_cast %swap3A_464 : i32 to index
        %swap3A_467 = arith.index_cast %mul3A_449 : i32 to index
        %swap3A_468 = tpu.vector_load %arg9[%swap3A_465, %swap3A_466, %swap3A_467] {strides = array<i32>} : memref<4x4x1024xf32, #tpu.memory_space<vmem>>, vector<1x1x16xf32>,
        %swap3A_469 = vector.shape_cast %swap3A_468 : vector<1x1x16xf32> to vector<16xf32>
        %swap3A_470 = vector.shape_cast %add3A_462 : vector<16xf32> to vector<1x1x16xf32>
        tpu.vector_store %arg9[%swap3A_465, %swap3A_466, %swap3A_467], %swap3A_470 {strides = array<i32>} : memref<4x4x1024xf32, #tpu.memory_space<vmem>>, vector<1x1x16xf32>,
        %get3A_471 = arith.constant 0 : i32
        %get3A_472 = arith.constant 1 : i32
        %get3A_473 = arith.index_cast %get3A_471 : i32 to index
        %get3A_474 = arith.index_cast %get3A_472 : i32 to index
        %get3A_475 = arith.index_cast %mul3A_449 : i32 to index
        %get3A_476 = tpu.vector_load %arg5[%get3A_473, %get3A_474, %get3A_475] {strides = array<i32>} : memref<4x4x1024xf32, #tpu.memory_space<vmem>>, vector<1x1x16xf32>,
        %get3A_477 = vector.shape_cast %get3A_476 : vector<1x1x16xf32> to vector<16xf32>
        %add3A_478 = arith.addf %get3A_477, %get3A_454 : vector<16xf32>
        %swap3A_479 = arith.constant 0 : i32
        %swap3A_480 = arith.constant 1 : i32
        %swap3A_481 = arith.index_cast %swap3A_479 : i32 to index
        %swap3A_482 = arith.index_cast %swap3A_480 : i32 to index
        %swap3A_483 = arith.index_cast %mul3A_449 : i32 to index
        %swap3A_484 = tpu.vector_load %arg9[%swap3A_481, %swap3A_482, %swap3A_483] {strides = array<i32>} : memref<4x4x1024xf32, #tpu.memory_space<vmem>>, vector<1x1x16xf32>,
        %swap3A_485 = vector.shape_cast %swap3A_484 : vector<1x1x16xf32> to vector<16xf32>
        %swap3A_486 = vector.shape_cast %add3A_478 : vector<16xf32> to vector<1x1x16xf32>
        tpu.vector_store %arg9[%swap3A_481, %swap3A_482, %swap3A_483], %swap3A_486 {strides = array<i32>} : memref<4x4x1024xf32, #tpu.memory_space<vmem>>, vector<1x1x16xf32>,
        %get3A_487 = arith.constant 0 : i32
        %get3A_488 = arith.constant 2 : i32
        %get3A_489 = arith.index_cast %get3A_487 : i32 to index
        %get3A_490 = arith.index_cast %get3A_488 : i32 to index
        %get3A_491 = arith.index_cast %mul3A_449 : i32 to index
        %get3A_492 = tpu.vector_load %arg5[%get3A_489, %get3A_490, %get3A_491] {strides = array<i32>} : memref<4x4x1024xf32, #tpu.memory_space<vmem>>, vector<1x1x16xf32>,
        %get3A_493 = vector.shape_cast %get3A_492 : vector<1x1x16xf32> to vector<16xf32>
        %add3A_494 = arith.addf %get3A_493, %get3A_454 : vector<16xf32>
        %swap3A_495 = arith.constant 0 : i32
        %swap3A_496 = arith.constant 2 : i32
        %swap3A_497 = arith.index_cast %swap3A_495 : i32 to index
        %swap3A_498 = arith.index_cast %swap3A_496 : i32 to index
        %swap3A_499 = arith.index_cast %mul3A_449 : i32 to index
        %swap3A_500 = tpu.vector_load %arg9[%swap3A_497, %swap3A_498, %swap3A_499] {strides = array<i32>} : memref<4x4x1024xf32, #tpu.memory_space<vmem>>, vector<1x1x16xf32>,
        %swap3A_501 = vector.shape_cast %swap3A_500 : vector<1x1x16xf32> to vector<16xf32>
        %swap3A_502 = vector.shape_cast %add3A_494 : vector<16xf32> to vector<1x1x16xf32>
        tpu.vector_store %arg9[%swap3A_497, %swap3A_498, %swap3A_499], %swap3A_502 {strides = array<i32>} : memref<4x4x1024xf32, #tpu.memory_space<vmem>>, vector<1x1x16xf32>,
        %get3A_503 = arith.constant 0 : i32
        %get3A_504 = arith.constant 3 : i32
        %get3A_505 = arith.index_cast %get3A_503 : i32 to index
        %get3A_506 = arith.index_cast %get3A_504 : i32 to index
        %get3A_507 = arith.index_cast %mul3A_449 : i32 to index
        %get3A_508 = tpu.vector_load %arg5[%get3A_505, %get3A_506, %get3A_507] {strides = array<i32>} : memref<4x4x1024xf32, #tpu.memory_space<vmem>>, vector<1x1x16xf32>,
        %get3A_509 = vector.shape_cast %get3A_508 : vector<1x1x16xf32> to vector<16xf32>
        %add3A_510 = arith.addf %get3A_509, %get3A_454 : vector<16xf32>
        %swap3A_511 = arith.constant 0 : i32
        %swap3A_512 = arith.constant 3 : i32
        %swap3A_513 = arith.index_cast %swap3A_511 : i32 to index
        %swap3A_514 = arith.index_cast %swap3A_512 : i32 to index
        %swap3A_515 = arith.index_cast %mul3A_449 : i32 to index
        %swap3A_516 = tpu.vector_load %arg9[%swap3A_513, %swap3A_514, %swap3A_515] {strides = array<i32>} : memref<4x4x1024xf32, #tpu.memory_space<vmem>>, vector<1x1x16xf32>,
        %swap3A_517 = vector.shape_cast %swap3A_516 : vector<1x1x16xf32> to vector<16xf32>
        %swap3A_518 = vector.shape_cast %add3A_510 : vector<16xf32> to vector<1x1x16xf32>
        tpu.vector_store %arg9[%swap3A_513, %swap3A_514, %swap3A_515], %swap3A_518 {strides = array<i32>} : memref<4x4x1024xf32, #tpu.memory_space<vmem>>, vector<1x1x16xf32>,
        %get3A_519 = arith.constant 1 : i32
        %get3A_520 = arith.index_cast %get3A_519 : i32 to index
        %get3A_521 = arith.index_cast %mul3A_449 : i32 to index
        %get3A_522 = tpu.vector_load %arg7[%get3A_520, %get3A_521] {strides = array<i32>} : memref<4x1024xf32, #tpu.memory_space<vmem>>, vector<1x16xf32>,
        %get3A_523 = vector.shape_cast %get3A_522 : vector<1x16xf32> to vector<16xf32>
        %get3A_524 = arith.constant 1 : i32
        %get3A_525 = arith.constant 0 : i32
        %get3A_526 = arith.index_cast %get3A_524 : i32 to index
        %get3A_527 = arith.index_cast %get3A_525 : i32 to index
        %get3A_528 = arith.index_cast %mul3A_449 : i32 to index
        %get3A_529 = tpu.vector_load %arg5[%get3A_526, %get3A_527, %get3A_528] {strides = array<i32>} : memref<4x4x1024xf32, #tpu.memory_space<vmem>>, vector<1x1x16xf32>,
        %get3A_530 = vector.shape_cast %get3A_529 : vector<1x1x16xf32> to vector<16xf32>
        %add3A_531 = arith.addf %get3A_530, %get3A_523 : vector<16xf32>
        %swap3A_532 = arith.constant 1 : i32
        %swap3A_533 = arith.constant 0 : i32
        %swap3A_534 = arith.index_cast %swap3A_532 : i32 to index
        %swap3A_535 = arith.index_cast %swap3A_533 : i32 to index
        %swap3A_536 = arith.index_cast %mul3A_449 : i32 to index
        %swap3A_537 = tpu.vector_load %arg9[%swap3A_534, %swap3A_535, %swap3A_536] {strides = array<i32>} : memref<4x4x1024xf32, #tpu.memory_space<vmem>>, vector<1x1x16xf32>,
        %swap3A_538 = vector.shape_cast %swap3A_537 : vector<1x1x16xf32> to vector<16xf32>
        %swap3A_539 = vector.shape_cast %add3A_531 : vector<16xf32> to vector<1x1x16xf32>
        tpu.vector_store %arg9[%swap3A_534, %swap3A_535, %swap3A_536], %swap3A_539 {strides = array<i32>} : memref<4x4x1024xf32, #tpu.memory_space<vmem>>, vector<1x1x16xf32>,
        %get3A_540 = arith.constant 1 : i32
        %get3A_541 = arith.constant 1 : i32
        %get3A_542 = arith.index_cast %get3A_540 : i32 to index
        %get3A_543 = arith.index_cast %get3A_541 : i32 to index
        %get3A_544 = arith.index_cast %mul3A_449 : i32 to index
        %get3A_545 = tpu.vector_load %arg5[%get3A_542, %get3A_543, %get3A_544] {strides = array<i32>} : memref<4x4x1024xf32, #tpu.memory_space<vmem>>, vector<1x1x16xf32>,
        %get3A_546 = vector.shape_cast %get3A_545 : vector<1x1x16xf32> to vector<16xf32>
        %add3A_547 = arith.addf %get3A_546, %get3A_523 : vector<16xf32>
        %swap3A_548 = arith.constant 1 : i32
        %swap3A_549 = arith.constant 1 : i32
        %swap3A_550 = arith.index_cast %swap3A_548 : i32 to index
        %swap3A_551 = arith.index_cast %swap3A_549 : i32 to index
        %swap3A_552 = arith.index_cast %mul3A_449 : i32 to index
        %swap3A_553 = tpu.vector_load %arg9[%swap3A_550, %swap3A_551, %swap3A_552] {strides = array<i32>} : memref<4x4x1024xf32, #tpu.memory_space<vmem>>, vector<1x1x16xf32>,
        %swap3A_554 = vector.shape_cast %swap3A_553 : vector<1x1x16xf32> to vector<16xf32>
        %swap3A_555 = vector.shape_cast %add3A_547 : vector<16xf32> to vector<1x1x16xf32>
        tpu.vector_store %arg9[%swap3A_550, %swap3A_551, %swap3A_552], %swap3A_555 {strides = array<i32>} : memref<4x4x1024xf32, #tpu.memory_space<vmem>>, vector<1x1x16xf32>,
        %get3A_556 = arith.constant 1 : i32
        %get3A_557 = arith.constant 2 : i32
        %get3A_558 = arith.index_cast %get3A_556 : i32 to index
        %get3A_559 = arith.index_cast %get3A_557 : i32 to index
        %get3A_560 = arith.index_cast %mul3A_449 : i32 to index
        %get3A_561 = tpu.vector_load %arg5[%get3A_558, %get3A_559, %get3A_560] {strides = array<i32>} : memref<4x4x1024xf32, #tpu.memory_space<vmem>>, vector<1x1x16xf32>,
        %get3A_562 = vector.shape_cast %get3A_561 : vector<1x1x16xf32> to vector<16xf32>
        %add3A_563 = arith.addf %get3A_562, %get3A_523 : vector<16xf32>
        %swap3A_564 = arith.constant 1 : i32
        %swap3A_565 = arith.constant 2 : i32
        %swap3A_566 = arith.index_cast %swap3A_564 : i32 to index
        %swap3A_567 = arith.index_cast %swap3A_565 : i32 to index
        %swap3A_568 = arith.index_cast %mul3A_449 : i32 to index
        %swap3A_569 = tpu.vector_load %arg9[%swap3A_566, %swap3A_567, %swap3A_568] {strides = array<i32>} : memref<4x4x1024xf32, #tpu.memory_space<vmem>>, vector<1x1x16xf32>,
        %swap3A_570 = vector.shape_cast %swap3A_569 : vector<1x1x16xf32> to vector<16xf32>
        %swap3A_571 = vector.shape_cast %add3A_563 : vector<16xf32> to vector<1x1x16xf32>
        tpu.vector_store %arg9[%swap3A_566, %swap3A_567, %swap3A_568], %swap3A_571 {strides = array<i32>} : memref<4x4x1024xf32, #tpu.memory_space<vmem>>, vector<1x1x16xf32>,
        %get3A_572 = arith.constant 1 : i32
        %get3A_573 = arith.constant 3 : i32
        %get3A_574 = arith.index_cast %get3A_572 : i32 to index
        %get3A_575 = arith.index_cast %get3A_573 : i32 to index
        %get3A_576 = arith.index_cast %mul3A_449 : i32 to index
        %get3A_577 = tpu.vector_load %arg5[%get3A_574, %get3A_575, %get3A_576] {strides = array<i32>} : memref<4x4x1024xf32, #tpu.memory_space<vmem>>, vector<1x1x16xf32>,
        %get3A_578 = vector.shape_cast %get3A_577 : vector<1x1x16xf32> to vector<16xf32>
        %add3A_579 = arith.addf %get3A_578, %get3A_523 : vector<16xf32>
        %swap3A_580 = arith.constant 1 : i32
        %swap3A_581 = arith.constant 3 : i32
        %swap3A_582 = arith.index_cast %swap3A_580 : i32 to index
        %swap3A_583 = arith.index_cast %swap3A_581 : i32 to index
        %swap3A_584 = arith.index_cast %mul3A_449 : i32 to index
        %swap3A_585 = tpu.vector_load %arg9[%swap3A_582, %swap3A_583, %swap3A_584] {strides = array<i32>} : memref<4x4x1024xf32, #tpu.memory_space<vmem>>, vector<1x1x16xf32>,
        %swap3A_586 = vector.shape_cast %swap3A_585 : vector<1x1x16xf32> to vector<16xf32>
        %swap3A_587 = vector.shape_cast %add3A_579 : vector<16xf32> to vector<1x1x16xf32>
        tpu.vector_store %arg9[%swap3A_582, %swap3A_583, %swap3A_584], %swap3A_587 {strides = array<i32>} : memref<4x4x1024xf32, #tpu.memory_space<vmem>>, vector<1x1x16xf32>,
        %get3A_588 = arith.constant 2 : i32
        %get3A_589 = arith.index_cast %get3A_588 : i32 to index
        %get3A_590 = arith.index_cast %mul3A_449 : i32 to index
        %get3A_591 = tpu.vector_load %arg7[%get3A_589, %get3A_590] {strides = array<i32>} : memref<4x1024xf32, #tpu.memory_space<vmem>>, vector<1x16xf32>,
        %get3A_592 = vector.shape_cast %get3A_591 : vector<1x16xf32> to vector<16xf32>
        %get3A_593 = arith.constant 2 : i32
        %get3A_594 = arith.constant 0 : i32
        %get3A_595 = arith.index_cast %get3A_593 : i32 to index
        %get3A_596 = arith.index_cast %get3A_594 : i32 to index
        %get3A_597 = arith.index_cast %mul3A_449 : i32 to index
        %get3A_598 = tpu.vector_load %arg5[%get3A_595, %get3A_596, %get3A_597] {strides = array<i32>} : memref<4x4x1024xf32, #tpu.memory_space<vmem>>, vector<1x1x16xf32>,
        %get3A_599 = vector.shape_cast %get3A_598 : vector<1x1x16xf32> to vector<16xf32>
        %add3A_600 = arith.addf %get3A_599, %get3A_592 : vector<16xf32>
        %swap3A_601 = arith.constant 2 : i32
        %swap3A_602 = arith.constant 0 : i32
        %swap3A_603 = arith.index_cast %swap3A_601 : i32 to index
        %swap3A_604 = arith.index_cast %swap3A_602 : i32 to index
        %swap3A_605 = arith.index_cast %mul3A_449 : i32 to index
        %swap3A_606 = tpu.vector_load %arg9[%swap3A_603, %swap3A_604, %swap3A_605] {strides = array<i32>} : memref<4x4x1024xf32, #tpu.memory_space<vmem>>, vector<1x1x16xf32>,
        %swap3A_607 = vector.shape_cast %swap3A_606 : vector<1x1x16xf32> to vector<16xf32>
        %swap3A_608 = vector.shape_cast %add3A_600 : vector<16xf32> to vector<1x1x16xf32>
        tpu.vector_store %arg9[%swap3A_603, %swap3A_604, %swap3A_605], %swap3A_608 {strides = array<i32>} : memref<4x4x1024xf32, #tpu.memory_space<vmem>>, vector<1x1x16xf32>,
        %get3A_609 = arith.constant 2 : i32
        %get3A_610 = arith.constant 1 : i32
        %get3A_611 = arith.index_cast %get3A_609 : i32 to index
        %get3A_612 = arith.index_cast %get3A_610 : i32 to index
        %get3A_613 = arith.index_cast %mul3A_449 : i32 to index
        %get3A_614 = tpu.vector_load %arg5[%get3A_611, %get3A_612, %get3A_613] {strides = array<i32>} : memref<4x4x1024xf32, #tpu.memory_space<vmem>>, vector<1x1x16xf32>,
        %get3A_615 = vector.shape_cast %get3A_614 : vector<1x1x16xf32> to vector<16xf32>
        %add3A_616 = arith.addf %get3A_615, %get3A_592 : vector<16xf32>
        %swap3A_617 = arith.constant 2 : i32
        %swap3A_618 = arith.constant 1 : i32
        %swap3A_619 = arith.index_cast %swap3A_617 : i32 to index
        %swap3A_620 = arith.index_cast %swap3A_618 : i32 to index
        %swap3A_621 = arith.index_cast %mul3A_449 : i32 to index
        %swap3A_622 = tpu.vector_load %arg9[%swap3A_619, %swap3A_620, %swap3A_621] {strides = array<i32>} : memref<4x4x1024xf32, #tpu.memory_space<vmem>>, vector<1x1x16xf32>,
        %swap3A_623 = vector.shape_cast %swap3A_622 : vector<1x1x16xf32> to vector<16xf32>
        %swap3A_624 = vector.shape_cast %add3A_616 : vector<16xf32> to vector<1x1x16xf32>
        tpu.vector_store %arg9[%swap3A_619, %swap3A_620, %swap3A_621], %swap3A_624 {strides = array<i32>} : memref<4x4x1024xf32, #tpu.memory_space<vmem>>, vector<1x1x16xf32>,
        %get3A_625 = arith.constant 2 : i32
        %get3A_626 = arith.constant 2 : i32
        %get3A_627 = arith.index_cast %get3A_625 : i32 to index
        %get3A_628 = arith.index_cast %get3A_626 : i32 to index
        %get3A_629 = arith.index_cast %mul3A_449 : i32 to index
        %get3A_630 = tpu.vector_load %arg5[%get3A_627, %get3A_628, %get3A_629] {strides = array<i32>} : memref<4x4x1024xf32, #tpu.memory_space<vmem>>, vector<1x1x16xf32>,
        %get3A_631 = vector.shape_cast %get3A_630 : vector<1x1x16xf32> to vector<16xf32>
        %add3A_632 = arith.addf %get3A_631, %get3A_592 : vector<16xf32>
        %swap3A_633 = arith.constant 2 : i32
        %swap3A_634 = arith.constant 2 : i32
        %swap3A_635 = arith.index_cast %swap3A_633 : i32 to index
        %swap3A_636 = arith.index_cast %swap3A_634 : i32 to index
        %swap3A_637 = arith.index_cast %mul3A_449 : i32 to index
        %swap3A_638 = tpu.vector_load %arg9[%swap3A_635, %swap3A_636, %swap3A_637] {strides = array<i32>} : memref<4x4x1024xf32, #tpu.memory_space<vmem>>, vector<1x1x16xf32>,
        %swap3A_639 = vector.shape_cast %swap3A_638 : vector<1x1x16xf32> to vector<16xf32>
        %swap3A_640 = vector.shape_cast %add3A_632 : vector<16xf32> to vector<1x1x16xf32>
        tpu.vector_store %arg9[%swap3A_635, %swap3A_636, %swap3A_637], %swap3A_640 {strides = array<i32>} : memref<4x4x1024xf32, #tpu.memory_space<vmem>>, vector<1x1x16xf32>,
        %get3A_641 = arith.constant 2 : i32
        %get3A_642 = arith.constant 3 : i32
        %get3A_643 = arith.index_cast %get3A_641 : i32 to index
        %get3A_644 = arith.index_cast %get3A_642 : i32 to index
        %get3A_645 = arith.index_cast %mul3A_449 : i32 to index
        %get3A_646 = tpu.vector_load %arg5[%get3A_643, %get3A_644, %get3A_645] {strides = array<i32>} : memref<4x4x1024xf32, #tpu.memory_space<vmem>>, vector<1x1x16xf32>,
        %get3A_647 = vector.shape_cast %get3A_646 : vector<1x1x16xf32> to vector<16xf32>
        %add3A_648 = arith.addf %get3A_647, %get3A_592 : vector<16xf32>
        %swap3A_649 = arith.constant 2 : i32
        %swap3A_650 = arith.constant 3 : i32
        %swap3A_651 = arith.index_cast %swap3A_649 : i32 to index
        %swap3A_652 = arith.index_cast %swap3A_650 : i32 to index
        %swap3A_653 = arith.index_cast %mul3A_449 : i32 to index
        %swap3A_654 = tpu.vector_load %arg9[%swap3A_651, %swap3A_652, %swap3A_653] {strides = array<i32>} : memref<4x4x1024xf32, #tpu.memory_space<vmem>>, vector<1x1x16xf32>,
        %swap3A_655 = vector.shape_cast %swap3A_654 : vector<1x1x16xf32> to vector<16xf32>
        %swap3A_656 = vector.shape_cast %add3A_648 : vector<16xf32> to vector<1x1x16xf32>
        tpu.vector_store %arg9[%swap3A_651, %swap3A_652, %swap3A_653], %swap3A_656 {strides = array<i32>} : memref<4x4x1024xf32, #tpu.memory_space<vmem>>, vector<1x1x16xf32>,
        %get3A_657 = arith.constant 3 : i32
        %get3A_658 = arith.index_cast %get3A_657 : i32 to index
        %get3A_659 = arith.index_cast %mul3A_449 : i32 to index
        %get3A_660 = tpu.vector_load %arg7[%get3A_658, %get3A_659] {strides = array<i32>} : memref<4x1024xf32, #tpu.memory_space<vmem>>, vector<1x16xf32>,
        %get3A_661 = vector.shape_cast %get3A_660 : vector<1x16xf32> to vector<16xf32>
        %get3A_662 = arith.constant 3 : i32
        %get3A_663 = arith.constant 0 : i32
        %get3A_664 = arith.index_cast %get3A_662 : i32 to index
        %get3A_665 = arith.index_cast %get3A_663 : i32 to index
        %get3A_666 = arith.index_cast %mul3A_449 : i32 to index
        %get3A_667 = tpu.vector_load %arg5[%get3A_664, %get3A_665, %get3A_666] {strides = array<i32>} : memref<4x4x1024xf32, #tpu.memory_space<vmem>>, vector<1x1x16xf32>,
        %get3A_668 = vector.shape_cast %get3A_667 : vector<1x1x16xf32> to vector<16xf32>
        %add3A_669 = arith.addf %get3A_668, %get3A_661 : vector<16xf32>
        %swap3A_670 = arith.constant 3 : i32
        %swap3A_671 = arith.constant 0 : i32
        %swap3A_672 = arith.index_cast %swap3A_670 : i32 to index
        %swap3A_673 = arith.index_cast %swap3A_671 : i32 to index
        %swap3A_674 = arith.index_cast %mul3A_449 : i32 to index
        %swap3A_675 = tpu.vector_load %arg9[%swap3A_672, %swap3A_673, %swap3A_674] {strides = array<i32>} : memref<4x4x1024xf32, #tpu.memory_space<vmem>>, vector<1x1x16xf32>,
        %swap3A_676 = vector.shape_cast %swap3A_675 : vector<1x1x16xf32> to vector<16xf32>
        %swap3A_677 = vector.shape_cast %add3A_669 : vector<16xf32> to vector<1x1x16xf32>
        tpu.vector_store %arg9[%swap3A_672, %swap3A_673, %swap3A_674], %swap3A_677 {strides = array<i32>} : memref<4x4x1024xf32, #tpu.memory_space<vmem>>, vector<1x1x16xf32>,
        %get3A_678 = arith.constant 3 : i32
        %get3A_679 = arith.constant 1 : i32
        %get3A_680 = arith.index_cast %get3A_678 : i32 to index
        %get3A_681 = arith.index_cast %get3A_679 : i32 to index
        %get3A_682 = arith.index_cast %mul3A_449 : i32 to index
        %get3A_683 = tpu.vector_load %arg5[%get3A_680, %get3A_681, %get3A_682] {strides = array<i32>} : memref<4x4x1024xf32, #tpu.memory_space<vmem>>, vector<1x1x16xf32>,
        %get3A_684 = vector.shape_cast %get3A_683 : vector<1x1x16xf32> to vector<16xf32>
        %add3A_685 = arith.addf %get3A_684, %get3A_661 : vector<16xf32>
        %swap3A_686 = arith.constant 3 : i32
        %swap3A_687 = arith.constant 1 : i32
        %swap3A_688 = arith.index_cast %swap3A_686 : i32 to index
        %swap3A_689 = arith.index_cast %swap3A_687 : i32 to index
        %swap3A_690 = arith.index_cast %mul3A_449 : i32 to index
        %swap3A_691 = tpu.vector_load %arg9[%swap3A_688, %swap3A_689, %swap3A_690] {strides = array<i32>} : memref<4x4x1024xf32, #tpu.memory_space<vmem>>, vector<1x1x16xf32>,
        %swap3A_692 = vector.shape_cast %swap3A_691 : vector<1x1x16xf32> to vector<16xf32>
        %swap3A_693 = vector.shape_cast %add3A_685 : vector<16xf32> to vector<1x1x16xf32>
        tpu.vector_store %arg9[%swap3A_688, %swap3A_689, %swap3A_690], %swap3A_693 {strides = array<i32>} : memref<4x4x1024xf32, #tpu.memory_space<vmem>>, vector<1x1x16xf32>,
        %get3A_694 = arith.constant 3 : i32
        %get3A_695 = arith.constant 2 : i32
        %get3A_696 = arith.index_cast %get3A_694 : i32 to index
        %get3A_697 = arith.index_cast %get3A_695 : i32 to index
        %get3A_698 = arith.index_cast %mul3A_449 : i32 to index
        %get3A_699 = tpu.vector_load %arg5[%get3A_696, %get3A_697, %get3A_698] {strides = array<i32>} : memref<4x4x1024xf32, #tpu.memory_space<vmem>>, vector<1x1x16xf32>,
        %get3A_700 = vector.shape_cast %get3A_699 : vector<1x1x16xf32> to vector<16xf32>
        %add3A_701 = arith.addf %get3A_700, %get3A_661 : vector<16xf32>
        %swap3A_702 = arith.constant 3 : i32
        %swap3A_703 = arith.constant 2 : i32
        %swap3A_704 = arith.index_cast %swap3A_702 : i32 to index
        %swap3A_705 = arith.index_cast %swap3A_703 : i32 to index
        %swap3A_706 = arith.index_cast %mul3A_449 : i32 to index
        %swap3A_707 = tpu.vector_load %arg9[%swap3A_704, %swap3A_705, %swap3A_706] {strides = array<i32>} : memref<4x4x1024xf32, #tpu.memory_space<vmem>>, vector<1x1x16xf32>,
        %swap3A_708 = vector.shape_cast %swap3A_707 : vector<1x1x16xf32> to vector<16xf32>
        %swap3A_709 = vector.shape_cast %add3A_701 : vector<16xf32> to vector<1x1x16xf32>
        tpu.vector_store %arg9[%swap3A_704, %swap3A_705, %swap3A_706], %swap3A_709 {strides = array<i32>} : memref<4x4x1024xf32, #tpu.memory_space<vmem>>, vector<1x1x16xf32>,
        %get3A_710 = arith.constant 3 : i32
        %get3A_711 = arith.constant 3 : i32
        %get3A_712 = arith.index_cast %get3A_710 : i32 to index
        %get3A_713 = arith.index_cast %get3A_711 : i32 to index
        %get3A_714 = arith.index_cast %mul3A_449 : i32 to index
        %get3A_715 = tpu.vector_load %arg5[%get3A_712, %get3A_713, %get3A_714] {strides = array<i32>} : memref<4x4x1024xf32, #tpu.memory_space<vmem>>, vector<1x1x16xf32>,
        %get3A_716 = vector.shape_cast %get3A_715 : vector<1x1x16xf32> to vector<16xf32>
        %add3A_717 = arith.addf %get3A_716, %get3A_661 : vector<16xf32>
        %swap3A_718 = arith.constant 3 : i32
        %swap3A_719 = arith.constant 3 : i32
        %swap3A_720 = arith.index_cast %swap3A_718 : i32 to index
        %swap3A_721 = arith.index_cast %swap3A_719 : i32 to index
        %swap3A_722 = arith.index_cast %mul3A_449 : i32 to index
        %swap3A_723 = tpu.vector_load %arg9[%swap3A_720, %swap3A_721, %swap3A_722] {strides = array<i32>} : memref<4x4x1024xf32, #tpu.memory_space<vmem>>, vector<1x1x16xf32>,
        %swap3A_724 = vector.shape_cast %swap3A_723 : vector<1x1x16xf32> to vector<16xf32>
        %swap3A_725 = vector.shape_cast %add3A_717 : vector<16xf32> to vector<1x1x16xf32>
        tpu.vector_store %arg9[%swap3A_720, %swap3A_721, %swap3A_722], %swap3A_725 {strides = array<i32>} : memref<4x4x1024xf32, #tpu.memory_space<vmem>>, vector<1x1x16xf32>,
        %scan3A_726 = arith.constant 2 : i32
        %scan3A_727 = arith.addi %scan3A_169, %scan3A_726 : i32
        %mul3A_728 = arith.constant 16 : i32
        %mul3A_729 = arith.muli %scan3A_727, %mul3A_728 : i32
        %get3A_730 = arith.constant 0 : i32
        %get3A_731 = arith.index_cast %get3A_730 : i32 to index
        %get3A_732 = arith.index_cast %mul3A_729 : i32 to index
        %get3A_733 = tpu.vector_load %arg7[%get3A_731, %get3A_732] {strides = array<i32>} : memref<4x1024xf32, #tpu.memory_space<vmem>>, vector<1x16xf32>,
        %get3A_734 = vector.shape_cast %get3A_733 : vector<1x16xf32> to vector<16xf32>
        %get3A_735 = arith.constant 0 : i32
        %get3A_736 = arith.constant 0 : i32
        %get3A_737 = arith.index_cast %get3A_735 : i32 to index
        %get3A_738 = arith.index_cast %get3A_736 : i32 to index
        %get3A_739 = arith.index_cast %mul3A_729 : i32 to index
        %get3A_740 = tpu.vector_load %arg5[%get3A_737, %get3A_738, %get3A_739] {strides = array<i32>} : memref<4x4x1024xf32, #tpu.memory_space<vmem>>, vector<1x1x16xf32>,
        %get3A_741 = vector.shape_cast %get3A_740 : vector<1x1x16xf32> to vector<16xf32>
        %add3A_742 = arith.addf %get3A_741, %get3A_734 : vector<16xf32>
        %swap3A_743 = arith.constant 0 : i32
        %swap3A_744 = arith.constant 0 : i32
        %swap3A_745 = arith.index_cast %swap3A_743 : i32 to index
        %swap3A_746 = arith.index_cast %swap3A_744 : i32 to index
        %swap3A_747 = arith.index_cast %mul3A_729 : i32 to index
        %swap3A_748 = tpu.vector_load %arg9[%swap3A_745, %swap3A_746, %swap3A_747] {strides = array<i32>} : memref<4x4x1024xf32, #tpu.memory_space<vmem>>, vector<1x1x16xf32>,
        %swap3A_749 = vector.shape_cast %swap3A_748 : vector<1x1x16xf32> to vector<16xf32>
        %swap3A_750 = vector.shape_cast %add3A_742 : vector<16xf32> to vector<1x1x16xf32>
        tpu.vector_store %arg9[%swap3A_745, %swap3A_746, %swap3A_747], %swap3A_750 {strides = array<i32>} : memref<4x4x1024xf32, #tpu.memory_space<vmem>>, vector<1x1x16xf32>,
        %get3A_751 = arith.constant 0 : i32
        %get3A_752 = arith.constant 1 : i32
        %get3A_753 = arith.index_cast %get3A_751 : i32 to index
        %get3A_754 = arith.index_cast %get3A_752 : i32 to index
        %get3A_755 = arith.index_cast %mul3A_729 : i32 to index
        %get3A_756 = tpu.vector_load %arg5[%get3A_753, %get3A_754, %get3A_755] {strides = array<i32>} : memref<4x4x1024xf32, #tpu.memory_space<vmem>>, vector<1x1x16xf32>,
        %get3A_757 = vector.shape_cast %get3A_756 : vector<1x1x16xf32> to vector<16xf32>
        %add3A_758 = arith.addf %get3A_757, %get3A_734 : vector<16xf32>
        %swap3A_759 = arith.constant 0 : i32
        %swap3A_760 = arith.constant 1 : i32
        %swap3A_761 = arith.index_cast %swap3A_759 : i32 to index
        %swap3A_762 = arith.index_cast %swap3A_760 : i32 to index
        %swap3A_763 = arith.index_cast %mul3A_729 : i32 to index
        %swap3A_764 = tpu.vector_load %arg9[%swap3A_761, %swap3A_762, %swap3A_763] {strides = array<i32>} : memref<4x4x1024xf32, #tpu.memory_space<vmem>>, vector<1x1x16xf32>,
        %swap3A_765 = vector.shape_cast %swap3A_764 : vector<1x1x16xf32> to vector<16xf32>
        %swap3A_766 = vector.shape_cast %add3A_758 : vector<16xf32> to vector<1x1x16xf32>
        tpu.vector_store %arg9[%swap3A_761, %swap3A_762, %swap3A_763], %swap3A_766 {strides = array<i32>} : memref<4x4x1024xf32, #tpu.memory_space<vmem>>, vector<1x1x16xf32>,
        %get3A_767 = arith.constant 0 : i32
        %get3A_768 = arith.constant 2 : i32
        %get3A_769 = arith.index_cast %get3A_767 : i32 to index
        %get3A_770 = arith.index_cast %get3A_768 : i32 to index
        %get3A_771 = arith.index_cast %mul3A_729 : i32 to index
        %get3A_772 = tpu.vector_load %arg5[%get3A_769, %get3A_770, %get3A_771] {strides = array<i32>} : memref<4x4x1024xf32, #tpu.memory_space<vmem>>, vector<1x1x16xf32>,
        %get3A_773 = vector.shape_cast %get3A_772 : vector<1x1x16xf32> to vector<16xf32>
        %add3A_774 = arith.addf %get3A_773, %get3A_734 : vector<16xf32>
        %swap3A_775 = arith.constant 0 : i32
        %swap3A_776 = arith.constant 2 : i32
        %swap3A_777 = arith.index_cast %swap3A_775 : i32 to index
        %swap3A_778 = arith.index_cast %swap3A_776 : i32 to index
        %swap3A_779 = arith.index_cast %mul3A_729 : i32 to index
        %swap3A_780 = tpu.vector_load %arg9[%swap3A_777, %swap3A_778, %swap3A_779] {strides = array<i32>} : memref<4x4x1024xf32, #tpu.memory_space<vmem>>, vector<1x1x16xf32>,
        %swap3A_781 = vector.shape_cast %swap3A_780 : vector<1x1x16xf32> to vector<16xf32>
        %swap3A_782 = vector.shape_cast %add3A_774 : vector<16xf32> to vector<1x1x16xf32>
        tpu.vector_store %arg9[%swap3A_777, %swap3A_778, %swap3A_779], %swap3A_782 {strides = array<i32>} : memref<4x4x1024xf32, #tpu.memory_space<vmem>>, vector<1x1x16xf32>,
        %get3A_783 = arith.constant 0 : i32
        %get3A_784 = arith.constant 3 : i32
        %get3A_785 = arith.index_cast %get3A_783 : i32 to index
        %get3A_786 = arith.index_cast %get3A_784 : i32 to index
        %get3A_787 = arith.index_cast %mul3A_729 : i32 to index
        %get3A_788 = tpu.vector_load %arg5[%get3A_785, %get3A_786, %get3A_787] {strides = array<i32>} : memref<4x4x1024xf32, #tpu.memory_space<vmem>>, vector<1x1x16xf32>,
        %get3A_789 = vector.shape_cast %get3A_788 : vector<1x1x16xf32> to vector<16xf32>
        %add3A_790 = arith.addf %get3A_789, %get3A_734 : vector<16xf32>
        %swap3A_791 = arith.constant 0 : i32
        %swap3A_792 = arith.constant 3 : i32
        %swap3A_793 = arith.index_cast %swap3A_791 : i32 to index
        %swap3A_794 = arith.index_cast %swap3A_792 : i32 to index
        %swap3A_795 = arith.index_cast %mul3A_729 : i32 to index
        %swap3A_796 = tpu.vector_load %arg9[%swap3A_793, %swap3A_794, %swap3A_795] {strides = array<i32>} : memref<4x4x1024xf32, #tpu.memory_space<vmem>>, vector<1x1x16xf32>,
        %swap3A_797 = vector.shape_cast %swap3A_796 : vector<1x1x16xf32> to vector<16xf32>
        %swap3A_798 = vector.shape_cast %add3A_790 : vector<16xf32> to vector<1x1x16xf32>
        tpu.vector_store %arg9[%swap3A_793, %swap3A_794, %swap3A_795], %swap3A_798 {strides = array<i32>} : memref<4x4x1024xf32, #tpu.memory_space<vmem>>, vector<1x1x16xf32>,
        %get3A_799 = arith.constant 1 : i32
        %get3A_800 = arith.index_cast %get3A_799 : i32 to index
        %get3A_801 = arith.index_cast %mul3A_729 : i32 to index
        %get3A_802 = tpu.vector_load %arg7[%get3A_800, %get3A_801] {strides = array<i32>} : memref<4x1024xf32, #tpu.memory_space<vmem>>, vector<1x16xf32>,
        %get3A_803 = vector.shape_cast %get3A_802 : vector<1x16xf32> to vector<16xf32>
        %get3A_804 = arith.constant 1 : i32
        %get3A_805 = arith.constant 0 : i32
        %get3A_806 = arith.index_cast %get3A_804 : i32 to index
        %get3A_807 = arith.index_cast %get3A_805 : i32 to index
        %get3A_808 = arith.index_cast %mul3A_729 : i32 to index
        %get3A_809 = tpu.vector_load %arg5[%get3A_806, %get3A_807, %get3A_808] {strides = array<i32>} : memref<4x4x1024xf32, #tpu.memory_space<vmem>>, vector<1x1x16xf32>,
        %get3A_810 = vector.shape_cast %get3A_809 : vector<1x1x16xf32> to vector<16xf32>
        %add3A_811 = arith.addf %get3A_810, %get3A_803 : vector<16xf32>
        %swap3A_812 = arith.constant 1 : i32
        %swap3A_813 = arith.constant 0 : i32
        %swap3A_814 = arith.index_cast %swap3A_812 : i32 to index
        %swap3A_815 = arith.index_cast %swap3A_813 : i32 to index
        %swap3A_816 = arith.index_cast %mul3A_729 : i32 to index
        %swap3A_817 = tpu.vector_load %arg9[%swap3A_814, %swap3A_815, %swap3A_816] {strides = array<i32>} : memref<4x4x1024xf32, #tpu.memory_space<vmem>>, vector<1x1x16xf32>,
        %swap3A_818 = vector.shape_cast %swap3A_817 : vector<1x1x16xf32> to vector<16xf32>
        %swap3A_819 = vector.shape_cast %add3A_811 : vector<16xf32> to vector<1x1x16xf32>
        tpu.vector_store %arg9[%swap3A_814, %swap3A_815, %swap3A_816], %swap3A_819 {strides = array<i32>} : memref<4x4x1024xf32, #tpu.memory_space<vmem>>, vector<1x1x16xf32>,
        %get3A_820 = arith.constant 1 : i32
        %get3A_821 = arith.constant 1 : i32
        %get3A_822 = arith.index_cast %get3A_820 : i32 to index
        %get3A_823 = arith.index_cast %get3A_821 : i32 to index
        %get3A_824 = arith.index_cast %mul3A_729 : i32 to index
        %get3A_825 = tpu.vector_load %arg5[%get3A_822, %get3A_823, %get3A_824] {strides = array<i32>} : memref<4x4x1024xf32, #tpu.memory_space<vmem>>, vector<1x1x16xf32>,
        %get3A_826 = vector.shape_cast %get3A_825 : vector<1x1x16xf32> to vector<16xf32>
        %add3A_827 = arith.addf %get3A_826, %get3A_803 : vector<16xf32>
        %swap3A_828 = arith.constant 1 : i32
        %swap3A_829 = arith.constant 1 : i32
        %swap3A_830 = arith.index_cast %swap3A_828 : i32 to index
        %swap3A_831 = arith.index_cast %swap3A_829 : i32 to index
        %swap3A_832 = arith.index_cast %mul3A_729 : i32 to index
        %swap3A_833 = tpu.vector_load %arg9[%swap3A_830, %swap3A_831, %swap3A_832] {strides = array<i32>} : memref<4x4x1024xf32, #tpu.memory_space<vmem>>, vector<1x1x16xf32>,
        %swap3A_834 = vector.shape_cast %swap3A_833 : vector<1x1x16xf32> to vector<16xf32>
        %swap3A_835 = vector.shape_cast %add3A_827 : vector<16xf32> to vector<1x1x16xf32>
        tpu.vector_store %arg9[%swap3A_830, %swap3A_831, %swap3A_832], %swap3A_835 {strides = array<i32>} : memref<4x4x1024xf32, #tpu.memory_space<vmem>>, vector<1x1x16xf32>,
        %get3A_836 = arith.constant 1 : i32
        %get3A_837 = arith.constant 2 : i32
        %get3A_838 = arith.index_cast %get3A_836 : i32 to index
        %get3A_839 = arith.index_cast %get3A_837 : i32 to index
        %get3A_840 = arith.index_cast %mul3A_729 : i32 to index
        %get3A_841 = tpu.vector_load %arg5[%get3A_838, %get3A_839, %get3A_840] {strides = array<i32>} : memref<4x4x1024xf32, #tpu.memory_space<vmem>>, vector<1x1x16xf32>,
        %get3A_842 = vector.shape_cast %get3A_841 : vector<1x1x16xf32> to vector<16xf32>
        %add3A_843 = arith.addf %get3A_842, %get3A_803 : vector<16xf32>
        %swap3A_844 = arith.constant 1 : i32
        %swap3A_845 = arith.constant 2 : i32
        %swap3A_846 = arith.index_cast %swap3A_844 : i32 to index
        %swap3A_847 = arith.index_cast %swap3A_845 : i32 to index
        %swap3A_848 = arith.index_cast %mul3A_729 : i32 to index
        %swap3A_849 = tpu.vector_load %arg9[%swap3A_846, %swap3A_847, %swap3A_848] {strides = array<i32>} : memref<4x4x1024xf32, #tpu.memory_space<vmem>>, vector<1x1x16xf32>,
        %swap3A_850 = vector.shape_cast %swap3A_849 : vector<1x1x16xf32> to vector<16xf32>
        %swap3A_851 = vector.shape_cast %add3A_843 : vector<16xf32> to vector<1x1x16xf32>
        tpu.vector_store %arg9[%swap3A_846, %swap3A_847, %swap3A_848], %swap3A_851 {strides = array<i32>} : memref<4x4x1024xf32, #tpu.memory_space<vmem>>, vector<1x1x16xf32>,
        %get3A_852 = arith.constant 1 : i32
        %get3A_853 = arith.constant 3 : i32
        %get3A_854 = arith.index_cast %get3A_852 : i32 to index
        %get3A_855 = arith.index_cast %get3A_853 : i32 to index
        %get3A_856 = arith.index_cast %mul3A_729 : i32 to index
        %get3A_857 = tpu.vector_load %arg5[%get3A_854, %get3A_855, %get3A_856] {strides = array<i32>} : memref<4x4x1024xf32, #tpu.memory_space<vmem>>, vector<1x1x16xf32>,
        %get3A_858 = vector.shape_cast %get3A_857 : vector<1x1x16xf32> to vector<16xf32>
        %add3A_859 = arith.addf %get3A_858, %get3A_803 : vector<16xf32>
        %swap3A_860 = arith.constant 1 : i32
        %swap3A_861 = arith.constant 3 : i32
        %swap3A_862 = arith.index_cast %swap3A_860 : i32 to index
        %swap3A_863 = arith.index_cast %swap3A_861 : i32 to index
        %swap3A_864 = arith.index_cast %mul3A_729 : i32 to index
        %swap3A_865 = tpu.vector_load %arg9[%swap3A_862, %swap3A_863, %swap3A_864] {strides = array<i32>} : memref<4x4x1024xf32, #tpu.memory_space<vmem>>, vector<1x1x16xf32>,
        %swap3A_866 = vector.shape_cast %swap3A_865 : vector<1x1x16xf32> to vector<16xf32>
        %swap3A_867 = vector.shape_cast %add3A_859 : vector<16xf32> to vector<1x1x16xf32>
        tpu.vector_store %arg9[%swap3A_862, %swap3A_863, %swap3A_864], %swap3A_867 {strides = array<i32>} : memref<4x4x1024xf32, #tpu.memory_space<vmem>>, vector<1x1x16xf32>,
        %get3A_868 = arith.constant 2 : i32
        %get3A_869 = arith.index_cast %get3A_868 : i32 to index
        %get3A_870 = arith.index_cast %mul3A_729 : i32 to index
        %get3A_871 = tpu.vector_load %arg7[%get3A_869, %get3A_870] {strides = array<i32>} : memref<4x1024xf32, #tpu.memory_space<vmem>>, vector<1x16xf32>,
        %get3A_872 = vector.shape_cast %get3A_871 : vector<1x16xf32> to vector<16xf32>
        %get3A_873 = arith.constant 2 : i32
        %get3A_874 = arith.constant 0 : i32
        %get3A_875 = arith.index_cast %get3A_873 : i32 to index
        %get3A_876 = arith.index_cast %get3A_874 : i32 to index
        %get3A_877 = arith.index_cast %mul3A_729 : i32 to index
        %get3A_878 = tpu.vector_load %arg5[%get3A_875, %get3A_876, %get3A_877] {strides = array<i32>} : memref<4x4x1024xf32, #tpu.memory_space<vmem>>, vector<1x1x16xf32>,
        %get3A_879 = vector.shape_cast %get3A_878 : vector<1x1x16xf32> to vector<16xf32>
        %add3A_880 = arith.addf %get3A_879, %get3A_872 : vector<16xf32>
        %swap3A_881 = arith.constant 2 : i32
        %swap3A_882 = arith.constant 0 : i32
        %swap3A_883 = arith.index_cast %swap3A_881 : i32 to index
        %swap3A_884 = arith.index_cast %swap3A_882 : i32 to index
        %swap3A_885 = arith.index_cast %mul3A_729 : i32 to index
        %swap3A_886 = tpu.vector_load %arg9[%swap3A_883, %swap3A_884, %swap3A_885] {strides = array<i32>} : memref<4x4x1024xf32, #tpu.memory_space<vmem>>, vector<1x1x16xf32>,
        %swap3A_887 = vector.shape_cast %swap3A_886 : vector<1x1x16xf32> to vector<16xf32>
        %swap3A_888 = vector.shape_cast %add3A_880 : vector<16xf32> to vector<1x1x16xf32>
        tpu.vector_store %arg9[%swap3A_883, %swap3A_884, %swap3A_885], %swap3A_888 {strides = array<i32>} : memref<4x4x1024xf32, #tpu.memory_space<vmem>>, vector<1x1x16xf32>,
        %get3A_889 = arith.constant 2 : i32
        %get3A_890 = arith.constant 1 : i32
        %get3A_891 = arith.index_cast %get3A_889 : i32 to index
        %get3A_892 = arith.index_cast %get3A_890 : i32 to index
        %get3A_893 = arith.index_cast %mul3A_729 : i32 to index
        %get3A_894 = tpu.vector_load %arg5[%get3A_891, %get3A_892, %get3A_893] {strides = array<i32>} : memref<4x4x1024xf32, #tpu.memory_space<vmem>>, vector<1x1x16xf32>,
        %get3A_895 = vector.shape_cast %get3A_894 : vector<1x1x16xf32> to vector<16xf32>
        %add3A_896 = arith.addf %get3A_895, %get3A_872 : vector<16xf32>
        %swap3A_897 = arith.constant 2 : i32
        %swap3A_898 = arith.constant 1 : i32
        %swap3A_899 = arith.index_cast %swap3A_897 : i32 to index
        %swap3A_900 = arith.index_cast %swap3A_898 : i32 to index
        %swap3A_901 = arith.index_cast %mul3A_729 : i32 to index
        %swap3A_902 = tpu.vector_load %arg9[%swap3A_899, %swap3A_900, %swap3A_901] {strides = array<i32>} : memref<4x4x1024xf32, #tpu.memory_space<vmem>>, vector<1x1x16xf32>,
        %swap3A_903 = vector.shape_cast %swap3A_902 : vector<1x1x16xf32> to vector<16xf32>
        %swap3A_904 = vector.shape_cast %add3A_896 : vector<16xf32> to vector<1x1x16xf32>
        tpu.vector_store %arg9[%swap3A_899, %swap3A_900, %swap3A_901], %swap3A_904 {strides = array<i32>} : memref<4x4x1024xf32, #tpu.memory_space<vmem>>, vector<1x1x16xf32>,
        %get3A_905 = arith.constant 2 : i32
        %get3A_906 = arith.constant 2 : i32
        %get3A_907 = arith.index_cast %get3A_905 : i32 to index
        %get3A_908 = arith.index_cast %get3A_906 : i32 to index
        %get3A_909 = arith.index_cast %mul3A_729 : i32 to index
        %get3A_910 = tpu.vector_load %arg5[%get3A_907, %get3A_908, %get3A_909] {strides = array<i32>} : memref<4x4x1024xf32, #tpu.memory_space<vmem>>, vector<1x1x16xf32>,
        %get3A_911 = vector.shape_cast %get3A_910 : vector<1x1x16xf32> to vector<16xf32>
        %add3A_912 = arith.addf %get3A_911, %get3A_872 : vector<16xf32>
        %swap3A_913 = arith.constant 2 : i32
        %swap3A_914 = arith.constant 2 : i32
        %swap3A_915 = arith.index_cast %swap3A_913 : i32 to index
        %swap3A_916 = arith.index_cast %swap3A_914 : i32 to index
        %swap3A_917 = arith.index_cast %mul3A_729 : i32 to index
        %swap3A_918 = tpu.vector_load %arg9[%swap3A_915, %swap3A_916, %swap3A_917] {strides = array<i32>} : memref<4x4x1024xf32, #tpu.memory_space<vmem>>, vector<1x1x16xf32>,
        %swap3A_919 = vector.shape_cast %swap3A_918 : vector<1x1x16xf32> to vector<16xf32>
        %swap3A_920 = vector.shape_cast %add3A_912 : vector<16xf32> to vector<1x1x16xf32>
        tpu.vector_store %arg9[%swap3A_915, %swap3A_916, %swap3A_917], %swap3A_920 {strides = array<i32>} : memref<4x4x1024xf32, #tpu.memory_space<vmem>>, vector<1x1x16xf32>,
        %get3A_921 = arith.constant 2 : i32
        %get3A_922 = arith.constant 3 : i32
        %get3A_923 = arith.index_cast %get3A_921 : i32 to index
        %get3A_924 = arith.index_cast %get3A_922 : i32 to index
        %get3A_925 = arith.index_cast %mul3A_729 : i32 to index
        %get3A_926 = tpu.vector_load %arg5[%get3A_923, %get3A_924, %get3A_925] {strides = array<i32>} : memref<4x4x1024xf32, #tpu.memory_space<vmem>>, vector<1x1x16xf32>,
        %get3A_927 = vector.shape_cast %get3A_926 : vector<1x1x16xf32> to vector<16xf32>
        %add3A_928 = arith.addf %get3A_927, %get3A_872 : vector<16xf32>
        %swap3A_929 = arith.constant 2 : i32
        %swap3A_930 = arith.constant 3 : i32
        %swap3A_931 = arith.index_cast %swap3A_929 : i32 to index
        %swap3A_932 = arith.index_cast %swap3A_930 : i32 to index
        %swap3A_933 = arith.index_cast %mul3A_729 : i32 to index
        %swap3A_934 = tpu.vector_load %arg9[%swap3A_931, %swap3A_932, %swap3A_933] {strides = array<i32>} : memref<4x4x1024xf32, #tpu.memory_space<vmem>>, vector<1x1x16xf32>,
        %swap3A_935 = vector.shape_cast %swap3A_934 : vector<1x1x16xf32> to vector<16xf32>
        %swap3A_936 = vector.shape_cast %add3A_928 : vector<16xf32> to vector<1x1x16xf32>
        tpu.vector_store %arg9[%swap3A_931, %swap3A_932, %swap3A_933], %swap3A_936 {strides = array<i32>} : memref<4x4x1024xf32, #tpu.memory_space<vmem>>, vector<1x1x16xf32>,
        %get3A_937 = arith.constant 3 : i32
        %get3A_938 = arith.index_cast %get3A_937 : i32 to index
        %get3A_939 = arith.index_cast %mul3A_729 : i32 to index
        %get3A_940 = tpu.vector_load %arg7[%get3A_938, %get3A_939] {strides = array<i32>} : memref<4x1024xf32, #tpu.memory_space<vmem>>, vector<1x16xf32>,
        %get3A_941 = vector.shape_cast %get3A_940 : vector<1x16xf32> to vector<16xf32>
        %get3A_942 = arith.constant 3 : i32
        %get3A_943 = arith.constant 0 : i32
        %get3A_944 = arith.index_cast %get3A_942 : i32 to index
        %get3A_945 = arith.index_cast %get3A_943 : i32 to index
        %get3A_946 = arith.index_cast %mul3A_729 : i32 to index
        %get3A_947 = tpu.vector_load %arg5[%get3A_944, %get3A_945, %get3A_946] {strides = array<i32>} : memref<4x4x1024xf32, #tpu.memory_space<vmem>>, vector<1x1x16xf32>,
        %get3A_948 = vector.shape_cast %get3A_947 : vector<1x1x16xf32> to vector<16xf32>
        %add3A_949 = arith.addf %get3A_948, %get3A_941 : vector<16xf32>
        %swap3A_950 = arith.constant 3 : i32
        %swap3A_951 = arith.constant 0 : i32
        %swap3A_952 = arith.index_cast %swap3A_950 : i32 to index
        %swap3A_953 = arith.index_cast %swap3A_951 : i32 to index
        %swap3A_954 = arith.index_cast %mul3A_729 : i32 to index
        %swap3A_955 = tpu.vector_load %arg9[%swap3A_952, %swap3A_953, %swap3A_954] {strides = array<i32>} : memref<4x4x1024xf32, #tpu.memory_space<vmem>>, vector<1x1x16xf32>,
        %swap3A_956 = vector.shape_cast %swap3A_955 : vector<1x1x16xf32> to vector<16xf32>
        %swap3A_957 = vector.shape_cast %add3A_949 : vector<16xf32> to vector<1x1x16xf32>
        tpu.vector_store %arg9[%swap3A_952, %swap3A_953, %swap3A_954], %swap3A_957 {strides = array<i32>} : memref<4x4x1024xf32, #tpu.memory_space<vmem>>, vector<1x1x16xf32>,
        %get3A_958 = arith.constant 3 : i32
        %get3A_959 = arith.constant 1 : i32
        %get3A_960 = arith.index_cast %get3A_958 : i32 to index
        %get3A_961 = arith.index_cast %get3A_959 : i32 to index
        %get3A_962 = arith.index_cast %mul3A_729 : i32 to index
        %get3A_963 = tpu.vector_load %arg5[%get3A_960, %get3A_961, %get3A_962] {strides = array<i32>} : memref<4x4x1024xf32, #tpu.memory_space<vmem>>, vector<1x1x16xf32>,
        %get3A_964 = vector.shape_cast %get3A_963 : vector<1x1x16xf32> to vector<16xf32>
        %add3A_965 = arith.addf %get3A_964, %get3A_941 : vector<16xf32>
        %swap3A_966 = arith.constant 3 : i32
        %swap3A_967 = arith.constant 1 : i32
        %swap3A_968 = arith.index_cast %swap3A_966 : i32 to index
        %swap3A_969 = arith.index_cast %swap3A_967 : i32 to index
        %swap3A_970 = arith.index_cast %mul3A_729 : i32 to index
        %swap3A_971 = tpu.vector_load %arg9[%swap3A_968, %swap3A_969, %swap3A_970] {strides = array<i32>} : memref<4x4x1024xf32, #tpu.memory_space<vmem>>, vector<1x1x16xf32>,
        %swap3A_972 = vector.shape_cast %swap3A_971 : vector<1x1x16xf32> to vector<16xf32>
        %swap3A_973 = vector.shape_cast %add3A_965 : vector<16xf32> to vector<1x1x16xf32>
        tpu.vector_store %arg9[%swap3A_968, %swap3A_969, %swap3A_970], %swap3A_973 {strides = array<i32>} : memref<4x4x1024xf32, #tpu.memory_space<vmem>>, vector<1x1x16xf32>,
        %get3A_974 = arith.constant 3 : i32
        %get3A_975 = arith.constant 2 : i32
        %get3A_976 = arith.index_cast %get3A_974 : i32 to index
        %get3A_977 = arith.index_cast %get3A_975 : i32 to index
        %get3A_978 = arith.index_cast %mul3A_729 : i32 to index
        %get3A_979 = tpu.vector_load %arg5[%get3A_976, %get3A_977, %get3A_978] {strides = array<i32>} : memref<4x4x1024xf32, #tpu.memory_space<vmem>>, vector<1x1x16xf32>,
        %get3A_980 = vector.shape_cast %get3A_979 : vector<1x1x16xf32> to vector<16xf32>
        %add3A_981 = arith.addf %get3A_980, %get3A_941 : vector<16xf32>
        %swap3A_982 = arith.constant 3 : i32
        %swap3A_983 = arith.constant 2 : i32
        %swap3A_984 = arith.index_cast %swap3A_982 : i32 to index
        %swap3A_985 = arith.index_cast %swap3A_983 : i32 to index
        %swap3A_986 = arith.index_cast %mul3A_729 : i32 to index
        %swap3A_987 = tpu.vector_load %arg9[%swap3A_984, %swap3A_985, %swap3A_986] {strides = array<i32>} : memref<4x4x1024xf32, #tpu.memory_space<vmem>>, vector<1x1x16xf32>,
        %swap3A_988 = vector.shape_cast %swap3A_987 : vector<1x1x16xf32> to vector<16xf32>
        %swap3A_989 = vector.shape_cast %add3A_981 : vector<16xf32> to vector<1x1x16xf32>
        tpu.vector_store %arg9[%swap3A_984, %swap3A_985, %swap3A_986], %swap3A_989 {strides = array<i32>} : memref<4x4x1024xf32, #tpu.memory_space<vmem>>, vector<1x1x16xf32>,
        %get3A_990 = arith.constant 3 : i32
        %get3A_991 = arith.constant 3 : i32
        %get3A_992 = arith.index_cast %get3A_990 : i32 to index
        %get3A_993 = arith.index_cast %get3A_991 : i32 to index
        %get3A_994 = arith.index_cast %mul3A_729 : i32 to index
        %get3A_995 = tpu.vector_load %arg5[%get3A_992, %get3A_993, %get3A_994] {strides = array<i32>} : memref<4x4x1024xf32, #tpu.memory_space<vmem>>, vector<1x1x16xf32>,
        %get3A_996 = vector.shape_cast %get3A_995 : vector<1x1x16xf32> to vector<16xf32>
        %add3A_997 = arith.addf %get3A_996, %get3A_941 : vector<16xf32>
        %swap3A_998 = arith.constant 3 : i32
        %swap3A_999 = arith.constant 3 : i32
        %swap3A_1000 = arith.index_cast %swap3A_998 : i32 to index
        %swap3A_1001 = arith.index_cast %swap3A_999 : i32 to index
        %swap3A_1002 = arith.index_cast %mul3A_729 : i32 to index
        %swap3A_1003 = tpu.vector_load %arg9[%swap3A_1000, %swap3A_1001, %swap3A_1002] {strides = array<i32>} : memref<4x4x1024xf32, #tpu.memory_space<vmem>>, vector<1x1x16xf32>,
        %swap3A_1004 = vector.shape_cast %swap3A_1003 : vector<1x1x16xf32> to vector<16xf32>
        %swap3A_1005 = vector.shape_cast %add3A_997 : vector<16xf32> to vector<1x1x16xf32>
        tpu.vector_store %arg9[%swap3A_1000, %swap3A_1001, %swap3A_1002], %swap3A_1005 {strides = array<i32>} : memref<4x4x1024xf32, #tpu.memory_space<vmem>>, vector<1x1x16xf32>,
        %scan3A_1006 = arith.constant 3 : i32
        %scan3A_1007 = arith.addi %scan3A_169, %scan3A_1006 : i32
        %mul3A_1008 = arith.constant 16 : i32
        %mul3A_1009 = arith.muli %scan3A_1007, %mul3A_1008 : i32
        %get3A_1010 = arith.constant 0 : i32
        %get3A_1011 = arith.index_cast %get3A_1010 : i32 to index
        %get3A_1012 = arith.index_cast %mul3A_1009 : i32 to index
        %get3A_1013 = tpu.vector_load %arg7[%get3A_1011, %get3A_1012] {strides = array<i32>} : memref<4x1024xf32, #tpu.memory_space<vmem>>, vector<1x16xf32>,
        %get3A_1014 = vector.shape_cast %get3A_1013 : vector<1x16xf32> to vector<16xf32>
        %get3A_1015 = arith.constant 0 : i32
        %get3A_1016 = arith.constant 0 : i32
        %get3A_1017 = arith.index_cast %get3A_1015 : i32 to index
        %get3A_1018 = arith.index_cast %get3A_1016 : i32 to index
        %get3A_1019 = arith.index_cast %mul3A_1009 : i32 to index
        %get3A_1020 = tpu.vector_load %arg5[%get3A_1017, %get3A_1018, %get3A_1019] {strides = array<i32>} : memref<4x4x1024xf32, #tpu.memory_space<vmem>>, vector<1x1x16xf32>,
        %get3A_1021 = vector.shape_cast %get3A_1020 : vector<1x1x16xf32> to vector<16xf32>
        %add3A_1022 = arith.addf %get3A_1021, %get3A_1014 : vector<16xf32>
        %swap3A_1023 = arith.constant 0 : i32
        %swap3A_1024 = arith.constant 0 : i32
        %swap3A_1025 = arith.index_cast %swap3A_1023 : i32 to index
        %swap3A_1026 = arith.index_cast %swap3A_1024 : i32 to index
        %swap3A_1027 = arith.index_cast %mul3A_1009 : i32 to index
        %swap3A_1028 = tpu.vector_load %arg9[%swap3A_1025, %swap3A_1026, %swap3A_1027] {strides = array<i32>} : memref<4x4x1024xf32, #tpu.memory_space<vmem>>, vector<1x1x16xf32>,
        %swap3A_1029 = vector.shape_cast %swap3A_1028 : vector<1x1x16xf32> to vector<16xf32>
        %swap3A_1030 = vector.shape_cast %add3A_1022 : vector<16xf32> to vector<1x1x16xf32>
        tpu.vector_store %arg9[%swap3A_1025, %swap3A_1026, %swap3A_1027], %swap3A_1030 {strides = array<i32>} : memref<4x4x1024xf32, #tpu.memory_space<vmem>>, vector<1x1x16xf32>,
        %get3A_1031 = arith.constant 0 : i32
        %get3A_1032 = arith.constant 1 : i32
        %get3A_1033 = arith.index_cast %get3A_1031 : i32 to index
        %get3A_1034 = arith.index_cast %get3A_1032 : i32 to index
        %get3A_1035 = arith.index_cast %mul3A_1009 : i32 to index
        %get3A_1036 = tpu.vector_load %arg5[%get3A_1033, %get3A_1034, %get3A_1035] {strides = array<i32>} : memref<4x4x1024xf32, #tpu.memory_space<vmem>>, vector<1x1x16xf32>,
        %get3A_1037 = vector.shape_cast %get3A_1036 : vector<1x1x16xf32> to vector<16xf32>
        %add3A_1038 = arith.addf %get3A_1037, %get3A_1014 : vector<16xf32>
        %swap3A_1039 = arith.constant 0 : i32
        %swap3A_1040 = arith.constant 1 : i32
        %swap3A_1041 = arith.index_cast %swap3A_1039 : i32 to index
        %swap3A_1042 = arith.index_cast %swap3A_1040 : i32 to index
        %swap3A_1043 = arith.index_cast %mul3A_1009 : i32 to index
        %swap3A_1044 = tpu.vector_load %arg9[%swap3A_1041, %swap3A_1042, %swap3A_1043] {strides = array<i32>} : memref<4x4x1024xf32, #tpu.memory_space<vmem>>, vector<1x1x16xf32>,
        %swap3A_1045 = vector.shape_cast %swap3A_1044 : vector<1x1x16xf32> to vector<16xf32>
        %swap3A_1046 = vector.shape_cast %add3A_1038 : vector<16xf32> to vector<1x1x16xf32>
        tpu.vector_store %arg9[%swap3A_1041, %swap3A_1042, %swap3A_1043], %swap3A_1046 {strides = array<i32>} : memref<4x4x1024xf32, #tpu.memory_space<vmem>>, vector<1x1x16xf32>,
        %get3A_1047 = arith.constant 0 : i32
        %get3A_1048 = arith.constant 2 : i32
        %get3A_1049 = arith.index_cast %get3A_1047 : i32 to index
        %get3A_1050 = arith.index_cast %get3A_1048 : i32 to index
        %get3A_1051 = arith.index_cast %mul3A_1009 : i32 to index
        %get3A_1052 = tpu.vector_load %arg5[%get3A_1049, %get3A_1050, %get3A_1051] {strides = array<i32>} : memref<4x4x1024xf32, #tpu.memory_space<vmem>>, vector<1x1x16xf32>,
        %get3A_1053 = vector.shape_cast %get3A_1052 : vector<1x1x16xf32> to vector<16xf32>
        %add3A_1054 = arith.addf %get3A_1053, %get3A_1014 : vector<16xf32>
        %swap3A_1055 = arith.constant 0 : i32
        %swap3A_1056 = arith.constant 2 : i32
        %swap3A_1057 = arith.index_cast %swap3A_1055 : i32 to index
        %swap3A_1058 = arith.index_cast %swap3A_1056 : i32 to index
        %swap3A_1059 = arith.index_cast %mul3A_1009 : i32 to index
        %swap3A_1060 = tpu.vector_load %arg9[%swap3A_1057, %swap3A_1058, %swap3A_1059] {strides = array<i32>} : memref<4x4x1024xf32, #tpu.memory_space<vmem>>, vector<1x1x16xf32>,
        %swap3A_1061 = vector.shape_cast %swap3A_1060 : vector<1x1x16xf32> to vector<16xf32>
        %swap3A_1062 = vector.shape_cast %add3A_1054 : vector<16xf32> to vector<1x1x16xf32>
        tpu.vector_store %arg9[%swap3A_1057, %swap3A_1058, %swap3A_1059], %swap3A_1062 {strides = array<i32>} : memref<4x4x1024xf32, #tpu.memory_space<vmem>>, vector<1x1x16xf32>,
        %get3A_1063 = arith.constant 0 : i32
        %get3A_1064 = arith.constant 3 : i32
        %get3A_1065 = arith.index_cast %get3A_1063 : i32 to index
        %get3A_1066 = arith.index_cast %get3A_1064 : i32 to index
        %get3A_1067 = arith.index_cast %mul3A_1009 : i32 to index
        %get3A_1068 = tpu.vector_load %arg5[%get3A_1065, %get3A_1066, %get3A_1067] {strides = array<i32>} : memref<4x4x1024xf32, #tpu.memory_space<vmem>>, vector<1x1x16xf32>,
        %get3A_1069 = vector.shape_cast %get3A_1068 : vector<1x1x16xf32> to vector<16xf32>
        %add3A_1070 = arith.addf %get3A_1069, %get3A_1014 : vector<16xf32>
        %swap3A_1071 = arith.constant 0 : i32
        %swap3A_1072 = arith.constant 3 : i32
        %swap3A_1073 = arith.index_cast %swap3A_1071 : i32 to index
        %swap3A_1074 = arith.index_cast %swap3A_1072 : i32 to index
        %swap3A_1075 = arith.index_cast %mul3A_1009 : i32 to index
        %swap3A_1076 = tpu.vector_load %arg9[%swap3A_1073, %swap3A_1074, %swap3A_1075] {strides = array<i32>} : memref<4x4x1024xf32, #tpu.memory_space<vmem>>, vector<1x1x16xf32>,
        %swap3A_1077 = vector.shape_cast %swap3A_1076 : vector<1x1x16xf32> to vector<16xf32>
        %swap3A_1078 = vector.shape_cast %add3A_1070 : vector<16xf32> to vector<1x1x16xf32>
        tpu.vector_store %arg9[%swap3A_1073, %swap3A_1074, %swap3A_1075], %swap3A_1078 {strides = array<i32>} : memref<4x4x1024xf32, #tpu.memory_space<vmem>>, vector<1x1x16xf32>,
        %get3A_1079 = arith.constant 1 : i32
        %get3A_1080 = arith.index_cast %get3A_1079 : i32 to index
        %get3A_1081 = arith.index_cast %mul3A_1009 : i32 to index
        %get3A_1082 = tpu.vector_load %arg7[%get3A_1080, %get3A_1081] {strides = array<i32>} : memref<4x1024xf32, #tpu.memory_space<vmem>>, vector<1x16xf32>,
        %get3A_1083 = vector.shape_cast %get3A_1082 : vector<1x16xf32> to vector<16xf32>
        %get3A_1084 = arith.constant 1 : i32
        %get3A_1085 = arith.constant 0 : i32
        %get3A_1086 = arith.index_cast %get3A_1084 : i32 to index
        %get3A_1087 = arith.index_cast %get3A_1085 : i32 to index
        %get3A_1088 = arith.index_cast %mul3A_1009 : i32 to index
        %get3A_1089 = tpu.vector_load %arg5[%get3A_1086, %get3A_1087, %get3A_1088] {strides = array<i32>} : memref<4x4x1024xf32, #tpu.memory_space<vmem>>, vector<1x1x16xf32>,
        %get3A_1090 = vector.shape_cast %get3A_1089 : vector<1x1x16xf32> to vector<16xf32>
        %add3A_1091 = arith.addf %get3A_1090, %get3A_1083 : vector<16xf32>
        %swap3A_1092 = arith.constant 1 : i32
        %swap3A_1093 = arith.constant 0 : i32
        %swap3A_1094 = arith.index_cast %swap3A_1092 : i32 to index
        %swap3A_1095 = arith.index_cast %swap3A_1093 : i32 to index
        %swap3A_1096 = arith.index_cast %mul3A_1009 : i32 to index
        %swap3A_1097 = tpu.vector_load %arg9[%swap3A_1094, %swap3A_1095, %swap3A_1096] {strides = array<i32>} : memref<4x4x1024xf32, #tpu.memory_space<vmem>>, vector<1x1x16xf32>,
        %swap3A_1098 = vector.shape_cast %swap3A_1097 : vector<1x1x16xf32> to vector<16xf32>
        %swap3A_1099 = vector.shape_cast %add3A_1091 : vector<16xf32> to vector<1x1x16xf32>
        tpu.vector_store %arg9[%swap3A_1094, %swap3A_1095, %swap3A_1096], %swap3A_1099 {strides = array<i32>} : memref<4x4x1024xf32, #tpu.memory_space<vmem>>, vector<1x1x16xf32>,
        %get3A_1100 = arith.constant 1 : i32
        %get3A_1101 = arith.constant 1 : i32
        %get3A_1102 = arith.index_cast %get3A_1100 : i32 to index
        %get3A_1103 = arith.index_cast %get3A_1101 : i32 to index
        %get3A_1104 = arith.index_cast %mul3A_1009 : i32 to index
        %get3A_1105 = tpu.vector_load %arg5[%get3A_1102, %get3A_1103, %get3A_1104] {strides = array<i32>} : memref<4x4x1024xf32, #tpu.memory_space<vmem>>, vector<1x1x16xf32>,
        %get3A_1106 = vector.shape_cast %get3A_1105 : vector<1x1x16xf32> to vector<16xf32>
        %add3A_1107 = arith.addf %get3A_1106, %get3A_1083 : vector<16xf32>
        %swap3A_1108 = arith.constant 1 : i32
        %swap3A_1109 = arith.constant 1 : i32
        %swap3A_1110 = arith.index_cast %swap3A_1108 : i32 to index
        %swap3A_1111 = arith.index_cast %swap3A_1109 : i32 to index
        %swap3A_1112 = arith.index_cast %mul3A_1009 : i32 to index
        %swap3A_1113 = tpu.vector_load %arg9[%swap3A_1110, %swap3A_1111, %swap3A_1112] {strides = array<i32>} : memref<4x4x1024xf32, #tpu.memory_space<vmem>>, vector<1x1x16xf32>,
        %swap3A_1114 = vector.shape_cast %swap3A_1113 : vector<1x1x16xf32> to vector<16xf32>
        %swap3A_1115 = vector.shape_cast %add3A_1107 : vector<16xf32> to vector<1x1x16xf32>
        tpu.vector_store %arg9[%swap3A_1110, %swap3A_1111, %swap3A_1112], %swap3A_1115 {strides = array<i32>} : memref<4x4x1024xf32, #tpu.memory_space<vmem>>, vector<1x1x16xf32>,
        %get3A_1116 = arith.constant 1 : i32
        %get3A_1117 = arith.constant 2 : i32
        %get3A_1118 = arith.index_cast %get3A_1116 : i32 to index
        %get3A_1119 = arith.index_cast %get3A_1117 : i32 to index
        %get3A_1120 = arith.index_cast %mul3A_1009 : i32 to index
        %get3A_1121 = tpu.vector_load %arg5[%get3A_1118, %get3A_1119, %get3A_1120] {strides = array<i32>} : memref<4x4x1024xf32, #tpu.memory_space<vmem>>, vector<1x1x16xf32>,
        %get3A_1122 = vector.shape_cast %get3A_1121 : vector<1x1x16xf32> to vector<16xf32>
        %add3A_1123 = arith.addf %get3A_1122, %get3A_1083 : vector<16xf32>
        %swap3A_1124 = arith.constant 1 : i32
        %swap3A_1125 = arith.constant 2 : i32
        %swap3A_1126 = arith.index_cast %swap3A_1124 : i32 to index
        %swap3A_1127 = arith.index_cast %swap3A_1125 : i32 to index
        %swap3A_1128 = arith.index_cast %mul3A_1009 : i32 to index
        %swap3A_1129 = tpu.vector_load %arg9[%swap3A_1126, %swap3A_1127, %swap3A_1128] {strides = array<i32>} : memref<4x4x1024xf32, #tpu.memory_space<vmem>>, vector<1x1x16xf32>,
        %swap3A_1130 = vector.shape_cast %swap3A_1129 : vector<1x1x16xf32> to vector<16xf32>
        %swap3A_1131 = vector.shape_cast %add3A_1123 : vector<16xf32> to vector<1x1x16xf32>
        tpu.vector_store %arg9[%swap3A_1126, %swap3A_1127, %swap3A_1128], %swap3A_1131 {strides = array<i32>} : memref<4x4x1024xf32, #tpu.memory_space<vmem>>, vector<1x1x16xf32>,
        %get3A_1132 = arith.constant 1 : i32
        %get3A_1133 = arith.constant 3 : i32
        %get3A_1134 = arith.index_cast %get3A_1132 : i32 to index
        %get3A_1135 = arith.index_cast %get3A_1133 : i32 to index
        %get3A_1136 = arith.index_cast %mul3A_1009 : i32 to index
        %get3A_1137 = tpu.vector_load %arg5[%get3A_1134, %get3A_1135, %get3A_1136] {strides = array<i32>} : memref<4x4x1024xf32, #tpu.memory_space<vmem>>, vector<1x1x16xf32>,
        %get3A_1138 = vector.shape_cast %get3A_1137 : vector<1x1x16xf32> to vector<16xf32>
        %add3A_1139 = arith.addf %get3A_1138, %get3A_1083 : vector<16xf32>
        %swap3A_1140 = arith.constant 1 : i32
        %swap3A_1141 = arith.constant 3 : i32
        %swap3A_1142 = arith.index_cast %swap3A_1140 : i32 to index
        %swap3A_1143 = arith.index_cast %swap3A_1141 : i32 to index
        %swap3A_1144 = arith.index_cast %mul3A_1009 : i32 to index
        %swap3A_1145 = tpu.vector_load %arg9[%swap3A_1142, %swap3A_1143, %swap3A_1144] {strides = array<i32>} : memref<4x4x1024xf32, #tpu.memory_space<vmem>>, vector<1x1x16xf32>,
        %swap3A_1146 = vector.shape_cast %swap3A_1145 : vector<1x1x16xf32> to vector<16xf32>
        %swap3A_1147 = vector.shape_cast %add3A_1139 : vector<16xf32> to vector<1x1x16xf32>
        tpu.vector_store %arg9[%swap3A_1142, %swap3A_1143, %swap3A_1144], %swap3A_1147 {strides = array<i32>} : memref<4x4x1024xf32, #tpu.memory_space<vmem>>, vector<1x1x16xf32>,
        %get3A_1148 = arith.constant 2 : i32
        %get3A_1149 = arith.index_cast %get3A_1148 : i32 to index
        %get3A_1150 = arith.index_cast %mul3A_1009 : i32 to index
        %get3A_1151 = tpu.vector_load %arg7[%get3A_1149, %get3A_1150] {strides = array<i32>} : memref<4x1024xf32, #tpu.memory_space<vmem>>, vector<1x16xf32>,
        %get3A_1152 = vector.shape_cast %get3A_1151 : vector<1x16xf32> to vector<16xf32>
        %get3A_1153 = arith.constant 2 : i32
        %get3A_1154 = arith.constant 0 : i32
        %get3A_1155 = arith.index_cast %get3A_1153 : i32 to index
        %get3A_1156 = arith.index_cast %get3A_1154 : i32 to index
        %get3A_1157 = arith.index_cast %mul3A_1009 : i32 to index
        %get3A_1158 = tpu.vector_load %arg5[%get3A_1155, %get3A_1156, %get3A_1157] {strides = array<i32>} : memref<4x4x1024xf32, #tpu.memory_space<vmem>>, vector<1x1x16xf32>,
        %get3A_1159 = vector.shape_cast %get3A_1158 : vector<1x1x16xf32> to vector<16xf32>
        %add3A_1160 = arith.addf %get3A_1159, %get3A_1152 : vector<16xf32>
        %swap3A_1161 = arith.constant 2 : i32
        %swap3A_1162 = arith.constant 0 : i32
        %swap3A_1163 = arith.index_cast %swap3A_1161 : i32 to index
        %swap3A_1164 = arith.index_cast %swap3A_1162 : i32 to index
        %swap3A_1165 = arith.index_cast %mul3A_1009 : i32 to index
        %swap3A_1166 = tpu.vector_load %arg9[%swap3A_1163, %swap3A_1164, %swap3A_1165] {strides = array<i32>} : memref<4x4x1024xf32, #tpu.memory_space<vmem>>, vector<1x1x16xf32>,
        %swap3A_1167 = vector.shape_cast %swap3A_1166 : vector<1x1x16xf32> to vector<16xf32>
        %swap3A_1168 = vector.shape_cast %add3A_1160 : vector<16xf32> to vector<1x1x16xf32>
        tpu.vector_store %arg9[%swap3A_1163, %swap3A_1164, %swap3A_1165], %swap3A_1168 {strides = array<i32>} : memref<4x4x1024xf32, #tpu.memory_space<vmem>>, vector<1x1x16xf32>,
        %get3A_1169 = arith.constant 2 : i32
        %get3A_1170 = arith.constant 1 : i32
        %get3A_1171 = arith.index_cast %get3A_1169 : i32 to index
        %get3A_1172 = arith.index_cast %get3A_1170 : i32 to index
        %get3A_1173 = arith.index_cast %mul3A_1009 : i32 to index
        %get3A_1174 = tpu.vector_load %arg5[%get3A_1171, %get3A_1172, %get3A_1173] {strides = array<i32>} : memref<4x4x1024xf32, #tpu.memory_space<vmem>>, vector<1x1x16xf32>,
        %get3A_1175 = vector.shape_cast %get3A_1174 : vector<1x1x16xf32> to vector<16xf32>
        %add3A_1176 = arith.addf %get3A_1175, %get3A_1152 : vector<16xf32>
        %swap3A_1177 = arith.constant 2 : i32
        %swap3A_1178 = arith.constant 1 : i32
        %swap3A_1179 = arith.index_cast %swap3A_1177 : i32 to index
        %swap3A_1180 = arith.index_cast %swap3A_1178 : i32 to index
        %swap3A_1181 = arith.index_cast %mul3A_1009 : i32 to index
        %swap3A_1182 = tpu.vector_load %arg9[%swap3A_1179, %swap3A_1180, %swap3A_1181] {strides = array<i32>} : memref<4x4x1024xf32, #tpu.memory_space<vmem>>, vector<1x1x16xf32>,
        %swap3A_1183 = vector.shape_cast %swap3A_1182 : vector<1x1x16xf32> to vector<16xf32>
        %swap3A_1184 = vector.shape_cast %add3A_1176 : vector<16xf32> to vector<1x1x16xf32>
        tpu.vector_store %arg9[%swap3A_1179, %swap3A_1180, %swap3A_1181], %swap3A_1184 {strides = array<i32>} : memref<4x4x1024xf32, #tpu.memory_space<vmem>>, vector<1x1x16xf32>,
        %get3A_1185 = arith.constant 2 : i32
        %get3A_1186 = arith.constant 2 : i32
        %get3A_1187 = arith.index_cast %get3A_1185 : i32 to index
        %get3A_1188 = arith.index_cast %get3A_1186 : i32 to index
        %get3A_1189 = arith.index_cast %mul3A_1009 : i32 to index
        %get3A_1190 = tpu.vector_load %arg5[%get3A_1187, %get3A_1188, %get3A_1189] {strides = array<i32>} : memref<4x4x1024xf32, #tpu.memory_space<vmem>>, vector<1x1x16xf32>,
        %get3A_1191 = vector.shape_cast %get3A_1190 : vector<1x1x16xf32> to vector<16xf32>
        %add3A_1192 = arith.addf %get3A_1191, %get3A_1152 : vector<16xf32>
        %swap3A_1193 = arith.constant 2 : i32
        %swap3A_1194 = arith.constant 2 : i32
        %swap3A_1195 = arith.index_cast %swap3A_1193 : i32 to index
        %swap3A_1196 = arith.index_cast %swap3A_1194 : i32 to index
        %swap3A_1197 = arith.index_cast %mul3A_1009 : i32 to index
        %swap3A_1198 = tpu.vector_load %arg9[%swap3A_1195, %swap3A_1196, %swap3A_1197] {strides = array<i32>} : memref<4x4x1024xf32, #tpu.memory_space<vmem>>, vector<1x1x16xf32>,
        %swap3A_1199 = vector.shape_cast %swap3A_1198 : vector<1x1x16xf32> to vector<16xf32>
        %swap3A_1200 = vector.shape_cast %add3A_1192 : vector<16xf32> to vector<1x1x16xf32>
        tpu.vector_store %arg9[%swap3A_1195, %swap3A_1196, %swap3A_1197], %swap3A_1200 {strides = array<i32>} : memref<4x4x1024xf32, #tpu.memory_space<vmem>>, vector<1x1x16xf32>,
        %get3A_1201 = arith.constant 2 : i32
        %get3A_1202 = arith.constant 3 : i32
        %get3A_1203 = arith.index_cast %get3A_1201 : i32 to index
        %get3A_1204 = arith.index_cast %get3A_1202 : i32 to index
        %get3A_1205 = arith.index_cast %mul3A_1009 : i32 to index
        %get3A_1206 = tpu.vector_load %arg5[%get3A_1203, %get3A_1204, %get3A_1205] {strides = array<i32>} : memref<4x4x1024xf32, #tpu.memory_space<vmem>>, vector<1x1x16xf32>,
        %get3A_1207 = vector.shape_cast %get3A_1206 : vector<1x1x16xf32> to vector<16xf32>
        %add3A_1208 = arith.addf %get3A_1207, %get3A_1152 : vector<16xf32>
        %swap3A_1209 = arith.constant 2 : i32
        %swap3A_1210 = arith.constant 3 : i32
        %swap3A_1211 = arith.index_cast %swap3A_1209 : i32 to index
        %swap3A_1212 = arith.index_cast %swap3A_1210 : i32 to index
        %swap3A_1213 = arith.index_cast %mul3A_1009 : i32 to index
        %swap3A_1214 = tpu.vector_load %arg9[%swap3A_1211, %swap3A_1212, %swap3A_1213] {strides = array<i32>} : memref<4x4x1024xf32, #tpu.memory_space<vmem>>, vector<1x1x16xf32>,
        %swap3A_1215 = vector.shape_cast %swap3A_1214 : vector<1x1x16xf32> to vector<16xf32>
        %swap3A_1216 = vector.shape_cast %add3A_1208 : vector<16xf32> to vector<1x1x16xf32>
        tpu.vector_store %arg9[%swap3A_1211, %swap3A_1212, %swap3A_1213], %swap3A_1216 {strides = array<i32>} : memref<4x4x1024xf32, #tpu.memory_space<vmem>>, vector<1x1x16xf32>,
        %get3A_1217 = arith.constant 3 : i32
        %get3A_1218 = arith.index_cast %get3A_1217 : i32 to index
        %get3A_1219 = arith.index_cast %mul3A_1009 : i32 to index
        %get3A_1220 = tpu.vector_load %arg7[%get3A_1218, %get3A_1219] {strides = array<i32>} : memref<4x1024xf32, #tpu.memory_space<vmem>>, vector<1x16xf32>,
        %get3A_1221 = vector.shape_cast %get3A_1220 : vector<1x16xf32> to vector<16xf32>
        %get3A_1222 = arith.constant 3 : i32
        %get3A_1223 = arith.constant 0 : i32
        %get3A_1224 = arith.index_cast %get3A_1222 : i32 to index
        %get3A_1225 = arith.index_cast %get3A_1223 : i32 to index
        %get3A_1226 = arith.index_cast %mul3A_1009 : i32 to index
        %get3A_1227 = tpu.vector_load %arg5[%get3A_1224, %get3A_1225, %get3A_1226] {strides = array<i32>} : memref<4x4x1024xf32, #tpu.memory_space<vmem>>, vector<1x1x16xf32>,
        %get3A_1228 = vector.shape_cast %get3A_1227 : vector<1x1x16xf32> to vector<16xf32>
        %add3A_1229 = arith.addf %get3A_1228, %get3A_1221 : vector<16xf32>
        %swap3A_1230 = arith.constant 3 : i32
        %swap3A_1231 = arith.constant 0 : i32
        %swap3A_1232 = arith.index_cast %swap3A_1230 : i32 to index
        %swap3A_1233 = arith.index_cast %swap3A_1231 : i32 to index
        %swap3A_1234 = arith.index_cast %mul3A_1009 : i32 to index
        %swap3A_1235 = tpu.vector_load %arg9[%swap3A_1232, %swap3A_1233, %swap3A_1234] {strides = array<i32>} : memref<4x4x1024xf32, #tpu.memory_space<vmem>>, vector<1x1x16xf32>,
        %swap3A_1236 = vector.shape_cast %swap3A_1235 : vector<1x1x16xf32> to vector<16xf32>
        %swap3A_1237 = vector.shape_cast %add3A_1229 : vector<16xf32> to vector<1x1x16xf32>
        tpu.vector_store %arg9[%swap3A_1232, %swap3A_1233, %swap3A_1234], %swap3A_1237 {strides = array<i32>} : memref<4x4x1024xf32, #tpu.memory_space<vmem>>, vector<1x1x16xf32>,
        %get3A_1238 = arith.constant 3 : i32
        %get3A_1239 = arith.constant 1 : i32
        %get3A_1240 = arith.index_cast %get3A_1238 : i32 to index
        %get3A_1241 = arith.index_cast %get3A_1239 : i32 to index
        %get3A_1242 = arith.index_cast %mul3A_1009 : i32 to index
        %get3A_1243 = tpu.vector_load %arg5[%get3A_1240, %get3A_1241, %get3A_1242] {strides = array<i32>} : memref<4x4x1024xf32, #tpu.memory_space<vmem>>, vector<1x1x16xf32>,
        %get3A_1244 = vector.shape_cast %get3A_1243 : vector<1x1x16xf32> to vector<16xf32>
        %add3A_1245 = arith.addf %get3A_1244, %get3A_1221 : vector<16xf32>
        %swap3A_1246 = arith.constant 3 : i32
        %swap3A_1247 = arith.constant 1 : i32
        %swap3A_1248 = arith.index_cast %swap3A_1246 : i32 to index
        %swap3A_1249 = arith.index_cast %swap3A_1247 : i32 to index
        %swap3A_1250 = arith.index_cast %mul3A_1009 : i32 to index
        %swap3A_1251 = tpu.vector_load %arg9[%swap3A_1248, %swap3A_1249, %swap3A_1250] {strides = array<i32>} : memref<4x4x1024xf32, #tpu.memory_space<vmem>>, vector<1x1x16xf32>,
        %swap3A_1252 = vector.shape_cast %swap3A_1251 : vector<1x1x16xf32> to vector<16xf32>
        %swap3A_1253 = vector.shape_cast %add3A_1245 : vector<16xf32> to vector<1x1x16xf32>
        tpu.vector_store %arg9[%swap3A_1248, %swap3A_1249, %swap3A_1250], %swap3A_1253 {strides = array<i32>} : memref<4x4x1024xf32, #tpu.memory_space<vmem>>, vector<1x1x16xf32>,
        %get3A_1254 = arith.constant 3 : i32
        %get3A_1255 = arith.constant 2 : i32
        %get3A_1256 = arith.index_cast %get3A_1254 : i32 to index
        %get3A_1257 = arith.index_cast %get3A_1255 : i32 to index
        %get3A_1258 = arith.index_cast %mul3A_1009 : i32 to index
        %get3A_1259 = tpu.vector_load %arg5[%get3A_1256, %get3A_1257, %get3A_1258] {strides = array<i32>} : memref<4x4x1024xf32, #tpu.memory_space<vmem>>, vector<1x1x16xf32>,
        %get3A_1260 = vector.shape_cast %get3A_1259 : vector<1x1x16xf32> to vector<16xf32>
        %add3A_1261 = arith.addf %get3A_1260, %get3A_1221 : vector<16xf32>
        %swap3A_1262 = arith.constant 3 : i32
        %swap3A_1263 = arith.constant 2 : i32
        %swap3A_1264 = arith.index_cast %swap3A_1262 : i32 to index
        %swap3A_1265 = arith.index_cast %swap3A_1263 : i32 to index
        %swap3A_1266 = arith.index_cast %mul3A_1009 : i32 to index
        %swap3A_1267 = tpu.vector_load %arg9[%swap3A_1264, %swap3A_1265, %swap3A_1266] {strides = array<i32>} : memref<4x4x1024xf32, #tpu.memory_space<vmem>>, vector<1x1x16xf32>,
        %swap3A_1268 = vector.shape_cast %swap3A_1267 : vector<1x1x16xf32> to vector<16xf32>
        %swap3A_1269 = vector.shape_cast %add3A_1261 : vector<16xf32> to vector<1x1x16xf32>
        tpu.vector_store %arg9[%swap3A_1264, %swap3A_1265, %swap3A_1266], %swap3A_1269 {strides = array<i32>} : memref<4x4x1024xf32, #tpu.memory_space<vmem>>, vector<1x1x16xf32>,
        %get3A_1270 = arith.constant 3 : i32
        %get3A_1271 = arith.constant 3 : i32
        %get3A_1272 = arith.index_cast %get3A_1270 : i32 to index
        %get3A_1273 = arith.index_cast %get3A_1271 : i32 to index
        %get3A_1274 = arith.index_cast %mul3A_1009 : i32 to index
        %get3A_1275 = tpu.vector_load %arg5[%get3A_1272, %get3A_1273, %get3A_1274] {strides = array<i32>} : memref<4x4x1024xf32, #tpu.memory_space<vmem>>, vector<1x1x16xf32>,
        %get3A_1276 = vector.shape_cast %get3A_1275 : vector<1x1x16xf32> to vector<16xf32>
        %add3A_1277 = arith.addf %get3A_1276, %get3A_1221 : vector<16xf32>
        %swap3A_1278 = arith.constant 3 : i32
        %swap3A_1279 = arith.constant 3 : i32
        %swap3A_1280 = arith.index_cast %swap3A_1278 : i32 to index
        %swap3A_1281 = arith.index_cast %swap3A_1279 : i32 to index
        %swap3A_1282 = arith.index_cast %mul3A_1009 : i32 to index
        %swap3A_1283 = tpu.vector_load %arg9[%swap3A_1280, %swap3A_1281, %swap3A_1282] {strides = array<i32>} : memref<4x4x1024xf32, #tpu.memory_space<vmem>>, vector<1x1x16xf32>,
        %swap3A_1284 = vector.shape_cast %swap3A_1283 : vector<1x1x16xf32> to vector<16xf32>
        %swap3A_1285 = vector.shape_cast %add3A_1277 : vector<16xf32> to vector<1x1x16xf32>
        tpu.vector_store %arg9[%swap3A_1280, %swap3A_1281, %swap3A_1282], %swap3A_1285 {strides = array<i32>} : memref<4x4x1024xf32, #tpu.memory_space<vmem>>, vector<1x1x16xf32>,
      }
      %scan3A_96 = arith.constant 64 : i32
      %mul3A_97 = arith.constant 4 : i32
      %mul3A_98 = arith.muli %add3A_68, %mul3A_97 : i32
      %add3A_99 = arith.addi %mul3A_2, %mul3A_98 : i32
      %dma_start3A_100 = arith.constant 0 : i32
      %dma_start3A_101 = arith.constant 0 : i32
      %dma_start3A_102 = arith.constant 0 : i32
      %dma_start3A_103 = tpu.memref_slice %arg4[%add3A_99, %dma_start3A_101, %dma_start3A_102] : memref<8192x4x1024xf32, #tpu.memory_space<hbm>> -> memref<4x4x1024xf32, #tpu.memory_space<hbm>>
      %dma_start3A_104 = tpu.memref_slice %arg12[%dma_start3A_100] : memref<2x!tpu.dma_semaphore, #tpu.memory_space<semaphore_mem>> -> memref<1x!tpu.dma_semaphore, #tpu.memory_space<semaphore_mem>>
      %dma_start3A_105 = tpu.memref_squeeze %dma_start3A_104 : memref<1x!tpu.dma_semaphore, #tpu.memory_space<semaphore_mem>> -> memref<!tpu.dma_semaphore, #tpu.memory_space<semaphore_mem>>
      %dma_start3A_106 = arith.constant 0 : i32
      %dma_start3A_107 = arith.constant 0 : i32
      %dma_start3A_108 = tpu.memref_slice %arg4[%add3A_99, %dma_start3A_106, %dma_start3A_107] : memref<8192x4x1024xf32, #tpu.memory_space<hbm>> -> memref<4x4x1024xf32, #tpu.memory_space<hbm>>
      tpu.enqueue_dma source(%arg9 : memref<4x4x1024xf32, #tpu.memory_space<vmem>>) target(%dma_start3A_108 : memref<4x4x1024xf32, #tpu.memory_space<hbm>>) target_semaphore(%dma_start3A_105 : memref<!tpu.dma_semaphore, #tpu.memory_space<semaphore_mem>>)
      %add3A_109 = arith.constant 2 : i32
      %add3A_110 = arith.addi %add3A_68, %add3A_109 : i32
      %lt3A = arith.constant 64 : i32
      %lt3A_111 = arith.cmpi slt, %add3A_110, %lt3A : i32
      %convert_element_type3A_112 = arith.extui %lt3A_111 : i1 to i32
      %cond3A_113 = arith.constant 0 : i32
      %cond3A_114 = arith.cmpi ne, %convert_element_type3A_112, %cond3A_113 : i32
      scf.if %cond3A_114 {
        %add3A_169 = arith.constant 2 : i32
        %add3A_170 = arith.addi %add3A_68, %add3A_169 : i32
        %mul3A_171 = arith.constant 4 : i32
        %mul3A_172 = arith.muli %add3A_170, %mul3A_171 : i32
        %add3A_173 = arith.addi %mul3A_2, %mul3A_172 : i32
        %dma_start3A_174 = arith.constant 0 : i32
        %dma_start3A_175 = arith.constant 0 : i32
        %dma_start3A_176 = arith.constant 0 : i32
        %dma_start3A_177 = tpu.memref_slice %arg2[%add3A_173, %dma_start3A_175, %dma_start3A_176] : memref<8192x4x1024xf32, #tpu.memory_space<hbm>> -> memref<4x4x1024xf32, #tpu.memory_space<hbm>>
        %dma_start3A_178 = tpu.memref_slice %arg11[%dma_start3A_174] : memref<2x!tpu.dma_semaphore, #tpu.memory_space<semaphore_mem>> -> memref<1x!tpu.dma_semaphore, #tpu.memory_space<semaphore_mem>>
        %dma_start3A_179 = tpu.memref_squeeze %dma_start3A_178 : memref<1x!tpu.dma_semaphore, #tpu.memory_space<semaphore_mem>> -> memref<!tpu.dma_semaphore, #tpu.memory_space<semaphore_mem>>
        %dma_start3A_180 = arith.constant 0 : i32
        %dma_start3A_181 = arith.constant 0 : i32
        %dma_start3A_182 = tpu.memref_slice %arg2[%add3A_173, %dma_start3A_180, %dma_start3A_181] : memref<8192x4x1024xf32, #tpu.memory_space<hbm>> -> memref<4x4x1024xf32, #tpu.memory_space<hbm>>
        tpu.enqueue_dma source(%dma_start3A_182 : memref<4x4x1024xf32, #tpu.memory_space<hbm>>) target(%arg5 : memref<4x4x1024xf32, #tpu.memory_space<vmem>>) target_semaphore(%dma_start3A_179 : memref<!tpu.dma_semaphore, #tpu.memory_space<semaphore_mem>>)
        %dma_start3A_183 = arith.constant 0 : i32
        %dma_start3A_184 = arith.constant 0 : i32
        %dma_start3A_185 = tpu.memref_slice %arg3[%add3A_173, %dma_start3A_184] : memref<8192x1024xf32, #tpu.memory_space<hbm>> -> memref<4x1024xf32, #tpu.memory_space<hbm>>
        %dma_start3A_186 = tpu.memref_slice %arg11[%dma_start3A_183] : memref<2x!tpu.dma_semaphore, #tpu.memory_space<semaphore_mem>> -> memref<1x!tpu.dma_semaphore, #tpu.memory_space<semaphore_mem>>
        %dma_start3A_187 = tpu.memref_squeeze %dma_start3A_186 : memref<1x!tpu.dma_semaphore, #tpu.memory_space<semaphore_mem>> -> memref<!tpu.dma_semaphore, #tpu.memory_space<semaphore_mem>>
        %dma_start3A_188 = arith.constant 0 : i32
        %dma_start3A_189 = tpu.memref_slice %arg3[%add3A_173, %dma_start3A_188] : memref<8192x1024xf32, #tpu.memory_space<hbm>> -> memref<4x1024xf32, #tpu.memory_space<hbm>>
        tpu.enqueue_dma source(%dma_start3A_189 : memref<4x1024xf32, #tpu.memory_space<hbm>>) target(%arg7 : memref<4x1024xf32, #tpu.memory_space<vmem>>) target_semaphore(%dma_start3A_187 : memref<!tpu.dma_semaphore, #tpu.memory_space<semaphore_mem>>)
      } else {
      }
      %mul3A_115 = arith.constant 2 : i32
      %mul3A_116 = arith.muli %scan3A_64, %mul3A_115 : i32
      %add3A_117 = arith.constant 1 : i32
      %add3A_118 = arith.addi %mul3A_116, %add3A_117 : i32
      %dma_wait3A_119 = arith.constant 1 : i32
      %dma_wait3A_120 = arith.constant 0 : i32
      %dma_wait3A_121 = arith.constant 0 : i32
      %dma_wait3A_122 = arith.constant 0 : i32
      %dma_wait3A_123 = tpu.memref_slice %arg2[%dma_wait3A_120, %dma_wait3A_121, %dma_wait3A_122] : memref<8192x4x1024xf32, #tpu.memory_space<hbm>> -> memref<4x4x1024xf32, #tpu.memory_space<hbm>>
      %dma_wait3A_124 = tpu.memref_slice %arg11[%dma_wait3A_119] : memref<2x!tpu.dma_semaphore, #tpu.memory_space<semaphore_mem>> -> memref<1x!tpu.dma_semaphore, #tpu.memory_space<semaphore_mem>>
      %dma_wait3A_125 = tpu.memref_squeeze %dma_wait3A_124 : memref<1x!tpu.dma_semaphore, #tpu.memory_space<semaphore_mem>> -> memref<!tpu.dma_semaphore, #tpu.memory_space<semaphore_mem>>
      %dma_wait3A_126 = arith.constant 0 : i32
      %dma_wait3A_127 = arith.constant 0 : i32
      %dma_wait3A_128 = arith.constant 0 : i32
      %dma_wait3A_129 = tpu.memref_slice %arg2[%dma_wait3A_126, %dma_wait3A_127, %dma_wait3A_128] : memref<8192x4x1024xf32, #tpu.memory_space<hbm>> -> memref<4x4x1024xf32, #tpu.memory_space<hbm>>
      tpu.wait_dma2 semaphore(%dma_wait3A_125 : memref<!tpu.dma_semaphore, #tpu.memory_space<semaphore_mem>>) src(%dma_wait3A_129 : memref<4x4x1024xf32, #tpu.memory_space<hbm>>) dst(%arg6 : memref<4x4x1024xf32, #tpu.memory_space<vmem>>)
      %dma_wait3A_130 = arith.constant 1 : i32
      %dma_wait3A_131 = arith.constant 0 : i32
      %dma_wait3A_132 = arith.constant 0 : i32
      %dma_wait3A_133 = tpu.memref_slice %arg3[%dma_wait3A_131, %dma_wait3A_132] : memref<8192x1024xf32, #tpu.memory_space<hbm>> -> memref<4x1024xf32, #tpu.memory_space<hbm>>
      %dma_wait3A_134 = tpu.memref_slice %arg11[%dma_wait3A_130] : memref<2x!tpu.dma_semaphore, #tpu.memory_space<semaphore_mem>> -> memref<1x!tpu.dma_semaphore, #tpu.memory_space<semaphore_mem>>
      %dma_wait3A_135 = tpu.memref_squeeze %dma_wait3A_134 : memref<1x!tpu.dma_semaphore, #tpu.memory_space<semaphore_mem>> -> memref<!tpu.dma_semaphore, #tpu.memory_space<semaphore_mem>>
      %dma_wait3A_136 = arith.constant 0 : i32
      %dma_wait3A_137 = arith.constant 0 : i32
      %dma_wait3A_138 = tpu.memref_slice %arg3[%dma_wait3A_136, %dma_wait3A_137] : memref<8192x1024xf32, #tpu.memory_space<hbm>> -> memref<4x1024xf32, #tpu.memory_space<hbm>>
      tpu.wait_dma2 semaphore(%dma_wait3A_135 : memref<!tpu.dma_semaphore, #tpu.memory_space<semaphore_mem>>) src(%dma_wait3A_138 : memref<4x1024xf32, #tpu.memory_space<hbm>>) dst(%arg8 : memref<4x1024xf32, #tpu.memory_space<vmem>>)
      %ge3A_139 = arith.constant 2 : i32
      %ge3A_140 = arith.cmpi sge, %add3A_118, %ge3A_139 : i32
      %convert_element_type3A_141 = arith.extui %ge3A_140 : i1 to i32
      %cond3A_142 = arith.constant 0 : i32
      %cond3A_143 = arith.cmpi ne, %convert_element_type3A_141, %cond3A_142 : i32
      scf.if %cond3A_143 {
        %dma_wait3A_169 = arith.constant 1 : i32
        %dma_wait3A_170 = arith.constant 0 : i32
        %dma_wait3A_171 = arith.constant 0 : i32
        %dma_wait3A_172 = arith.constant 0 : i32
        %dma_wait3A_173 = tpu.memref_slice %arg4[%dma_wait3A_170, %dma_wait3A_171, %dma_wait3A_172] : memref<8192x4x1024xf32, #tpu.memory_space<hbm>> -> memref<4x4x1024xf32, #tpu.memory_space<hbm>>
        %dma_wait3A_174 = tpu.memref_slice %arg12[%dma_wait3A_169] : memref<2x!tpu.dma_semaphore, #tpu.memory_space<semaphore_mem>> -> memref<1x!tpu.dma_semaphore, #tpu.memory_space<semaphore_mem>>
        %dma_wait3A_175 = tpu.memref_squeeze %dma_wait3A_174 : memref<1x!tpu.dma_semaphore, #tpu.memory_space<semaphore_mem>> -> memref<!tpu.dma_semaphore, #tpu.memory_space<semaphore_mem>>
        %dma_wait3A_176 = arith.constant 0 : i32
        %dma_wait3A_177 = arith.constant 0 : i32
        %dma_wait3A_178 = arith.constant 0 : i32
        %dma_wait3A_179 = tpu.memref_slice %arg4[%dma_wait3A_176, %dma_wait3A_177, %dma_wait3A_178] : memref<8192x4x1024xf32, #tpu.memory_space<hbm>> -> memref<4x4x1024xf32, #tpu.memory_space<hbm>>
        tpu.wait_dma2 semaphore(%dma_wait3A_175 : memref<!tpu.dma_semaphore, #tpu.memory_space<semaphore_mem>>) src(%arg10 : memref<4x4x1024xf32, #tpu.memory_space<vmem>>) dst(%dma_wait3A_179 : memref<4x4x1024xf32, #tpu.memory_space<hbm>>)
      } else {
      }
      %scan3A_144 = arith.constant 0 : i32
      %scan3A_145 = arith.constant 0 : i32
      %scan3A_146 = arith.constant 64 : i32
      %scan3A_147 = arith.addi %scan3A_145, %scan3A_146 : i32
      %scan3A_148 = arith.constant 4 : i32
      scf.for %scan3A_169 = %scan3A_145 to %scan3A_147 step %scan3A_148  : i32 {
        %mul3A_170 = arith.constant 16 : i32
        %mul3A_171 = arith.muli %scan3A_169, %mul3A_170 : i32
        %get3A = arith.constant 0 : i32
        %get3A_172 = arith.index_cast %get3A : i32 to index
        %get3A_173 = arith.index_cast %mul3A_171 : i32 to index
        %get3A_174 = tpu.vector_load %arg8[%get3A_172, %get3A_173] {strides = array<i32>} : memref<4x1024xf32, #tpu.memory_space<vmem>>, vector<1x16xf32>,
        %get3A_175 = vector.shape_cast %get3A_174 : vector<1x16xf32> to vector<16xf32>
        %get3A_176 = arith.constant 0 : i32
        %get3A_177 = arith.constant 0 : i32
        %get3A_178 = arith.index_cast %get3A_176 : i32 to index
        %get3A_179 = arith.index_cast %get3A_177 : i32 to index
        %get3A_180 = arith.index_cast %mul3A_171 : i32 to index
        %get3A_181 = tpu.vector_load %arg6[%get3A_178, %get3A_179, %get3A_180] {strides = array<i32>} : memref<4x4x1024xf32, #tpu.memory_space<vmem>>, vector<1x1x16xf32>,
        %get3A_182 = vector.shape_cast %get3A_181 : vector<1x1x16xf32> to vector<16xf32>
        %add3A_183 = arith.addf %get3A_182, %get3A_175 : vector<16xf32>
        %swap3A = arith.constant 0 : i32
        %swap3A_184 = arith.constant 0 : i32
        %swap3A_185 = arith.index_cast %swap3A : i32 to index
        %swap3A_186 = arith.index_cast %swap3A_184 : i32 to index
        %swap3A_187 = arith.index_cast %mul3A_171 : i32 to index
        %swap3A_188 = tpu.vector_load %arg10[%swap3A_185, %swap3A_186, %swap3A_187] {strides = array<i32>} : memref<4x4x1024xf32, #tpu.memory_space<vmem>>, vector<1x1x16xf32>,
        %swap3A_189 = vector.shape_cast %swap3A_188 : vector<1x1x16xf32> to vector<16xf32>
        %swap3A_190 = vector.shape_cast %add3A_183 : vector<16xf32> to vector<1x1x16xf32>
        tpu.vector_store %arg10[%swap3A_185, %swap3A_186, %swap3A_187], %swap3A_190 {strides = array<i32>} : memref<4x4x1024xf32, #tpu.memory_space<vmem>>, vector<1x1x16xf32>,
        %get3A_191 = arith.constant 0 : i32
        %get3A_192 = arith.constant 1 : i32
        %get3A_193 = arith.index_cast %get3A_191 : i32 to index
        %get3A_194 = arith.index_cast %get3A_192 : i32 to index
        %get3A_195 = arith.index_cast %mul3A_171 : i32 to index
        %get3A_196 = tpu.vector_load %arg6[%get3A_193, %get3A_194, %get3A_195] {strides = array<i32>} : memref<4x4x1024xf32, #tpu.memory_space<vmem>>, vector<1x1x16xf32>,
        %get3A_197 = vector.shape_cast %get3A_196 : vector<1x1x16xf32> to vector<16xf32>
        %add3A_198 = arith.addf %get3A_197, %get3A_175 : vector<16xf32>
        %swap3A_199 = arith.constant 0 : i32
        %swap3A_200 = arith.constant 1 : i32
        %swap3A_201 = arith.index_cast %swap3A_199 : i32 to index
        %swap3A_202 = arith.index_cast %swap3A_200 : i32 to index
        %swap3A_203 = arith.index_cast %mul3A_171 : i32 to index
        %swap3A_204 = tpu.vector_load %arg10[%swap3A_201, %swap3A_202, %swap3A_203] {strides = array<i32>} : memref<4x4x1024xf32, #tpu.memory_space<vmem>>, vector<1x1x16xf32>,
        %swap3A_205 = vector.shape_cast %swap3A_204 : vector<1x1x16xf32> to vector<16xf32>
        %swap3A_206 = vector.shape_cast %add3A_198 : vector<16xf32> to vector<1x1x16xf32>
        tpu.vector_store %arg10[%swap3A_201, %swap3A_202, %swap3A_203], %swap3A_206 {strides = array<i32>} : memref<4x4x1024xf32, #tpu.memory_space<vmem>>, vector<1x1x16xf32>,
        %get3A_207 = arith.constant 0 : i32
        %get3A_208 = arith.constant 2 : i32
        %get3A_209 = arith.index_cast %get3A_207 : i32 to index
        %get3A_210 = arith.index_cast %get3A_208 : i32 to index
        %get3A_211 = arith.index_cast %mul3A_171 : i32 to index
        %get3A_212 = tpu.vector_load %arg6[%get3A_209, %get3A_210, %get3A_211] {strides = array<i32>} : memref<4x4x1024xf32, #tpu.memory_space<vmem>>, vector<1x1x16xf32>,
        %get3A_213 = vector.shape_cast %get3A_212 : vector<1x1x16xf32> to vector<16xf32>
        %add3A_214 = arith.addf %get3A_213, %get3A_175 : vector<16xf32>
        %swap3A_215 = arith.constant 0 : i32
        %swap3A_216 = arith.constant 2 : i32
        %swap3A_217 = arith.index_cast %swap3A_215 : i32 to index
        %swap3A_218 = arith.index_cast %swap3A_216 : i32 to index
        %swap3A_219 = arith.index_cast %mul3A_171 : i32 to index
        %swap3A_220 = tpu.vector_load %arg10[%swap3A_217, %swap3A_218, %swap3A_219] {strides = array<i32>} : memref<4x4x1024xf32, #tpu.memory_space<vmem>>, vector<1x1x16xf32>,
        %swap3A_221 = vector.shape_cast %swap3A_220 : vector<1x1x16xf32> to vector<16xf32>
        %swap3A_222 = vector.shape_cast %add3A_214 : vector<16xf32> to vector<1x1x16xf32>
        tpu.vector_store %arg10[%swap3A_217, %swap3A_218, %swap3A_219], %swap3A_222 {strides = array<i32>} : memref<4x4x1024xf32, #tpu.memory_space<vmem>>, vector<1x1x16xf32>,
        %get3A_223 = arith.constant 0 : i32
        %get3A_224 = arith.constant 3 : i32
        %get3A_225 = arith.index_cast %get3A_223 : i32 to index
        %get3A_226 = arith.index_cast %get3A_224 : i32 to index
        %get3A_227 = arith.index_cast %mul3A_171 : i32 to index
        %get3A_228 = tpu.vector_load %arg6[%get3A_225, %get3A_226, %get3A_227] {strides = array<i32>} : memref<4x4x1024xf32, #tpu.memory_space<vmem>>, vector<1x1x16xf32>,
        %get3A_229 = vector.shape_cast %get3A_228 : vector<1x1x16xf32> to vector<16xf32>
        %add3A_230 = arith.addf %get3A_229, %get3A_175 : vector<16xf32>
        %swap3A_231 = arith.constant 0 : i32
        %swap3A_232 = arith.constant 3 : i32
        %swap3A_233 = arith.index_cast %swap3A_231 : i32 to index
        %swap3A_234 = arith.index_cast %swap3A_232 : i32 to index
        %swap3A_235 = arith.index_cast %mul3A_171 : i32 to index
        %swap3A_236 = tpu.vector_load %arg10[%swap3A_233, %swap3A_234, %swap3A_235] {strides = array<i32>} : memref<4x4x1024xf32, #tpu.memory_space<vmem>>, vector<1x1x16xf32>,
        %swap3A_237 = vector.shape_cast %swap3A_236 : vector<1x1x16xf32> to vector<16xf32>
        %swap3A_238 = vector.shape_cast %add3A_230 : vector<16xf32> to vector<1x1x16xf32>
        tpu.vector_store %arg10[%swap3A_233, %swap3A_234, %swap3A_235], %swap3A_238 {strides = array<i32>} : memref<4x4x1024xf32, #tpu.memory_space<vmem>>, vector<1x1x16xf32>,
        %get3A_239 = arith.constant 1 : i32
        %get3A_240 = arith.index_cast %get3A_239 : i32 to index
        %get3A_241 = arith.index_cast %mul3A_171 : i32 to index
        %get3A_242 = tpu.vector_load %arg8[%get3A_240, %get3A_241] {strides = array<i32>} : memref<4x1024xf32, #tpu.memory_space<vmem>>, vector<1x16xf32>,
        %get3A_243 = vector.shape_cast %get3A_242 : vector<1x16xf32> to vector<16xf32>
        %get3A_244 = arith.constant 1 : i32
        %get3A_245 = arith.constant 0 : i32
        %get3A_246 = arith.index_cast %get3A_244 : i32 to index
        %get3A_247 = arith.index_cast %get3A_245 : i32 to index
        %get3A_248 = arith.index_cast %mul3A_171 : i32 to index
        %get3A_249 = tpu.vector_load %arg6[%get3A_246, %get3A_247, %get3A_248] {strides = array<i32>} : memref<4x4x1024xf32, #tpu.memory_space<vmem>>, vector<1x1x16xf32>,
        %get3A_250 = vector.shape_cast %get3A_249 : vector<1x1x16xf32> to vector<16xf32>
        %add3A_251 = arith.addf %get3A_250, %get3A_243 : vector<16xf32>
        %swap3A_252 = arith.constant 1 : i32
        %swap3A_253 = arith.constant 0 : i32
        %swap3A_254 = arith.index_cast %swap3A_252 : i32 to index
        %swap3A_255 = arith.index_cast %swap3A_253 : i32 to index
        %swap3A_256 = arith.index_cast %mul3A_171 : i32 to index
        %swap3A_257 = tpu.vector_load %arg10[%swap3A_254, %swap3A_255, %swap3A_256] {strides = array<i32>} : memref<4x4x1024xf32, #tpu.memory_space<vmem>>, vector<1x1x16xf32>,
        %swap3A_258 = vector.shape_cast %swap3A_257 : vector<1x1x16xf32> to vector<16xf32>
        %swap3A_259 = vector.shape_cast %add3A_251 : vector<16xf32> to vector<1x1x16xf32>
        tpu.vector_store %arg10[%swap3A_254, %swap3A_255, %swap3A_256], %swap3A_259 {strides = array<i32>} : memref<4x4x1024xf32, #tpu.memory_space<vmem>>, vector<1x1x16xf32>,
        %get3A_260 = arith.constant 1 : i32
        %get3A_261 = arith.constant 1 : i32
        %get3A_262 = arith.index_cast %get3A_260 : i32 to index
        %get3A_263 = arith.index_cast %get3A_261 : i32 to index
        %get3A_264 = arith.index_cast %mul3A_171 : i32 to index
        %get3A_265 = tpu.vector_load %arg6[%get3A_262, %get3A_263, %get3A_264] {strides = array<i32>} : memref<4x4x1024xf32, #tpu.memory_space<vmem>>, vector<1x1x16xf32>,
        %get3A_266 = vector.shape_cast %get3A_265 : vector<1x1x16xf32> to vector<16xf32>
        %add3A_267 = arith.addf %get3A_266, %get3A_243 : vector<16xf32>
        %swap3A_268 = arith.constant 1 : i32
        %swap3A_269 = arith.constant 1 : i32
        %swap3A_270 = arith.index_cast %swap3A_268 : i32 to index
        %swap3A_271 = arith.index_cast %swap3A_269 : i32 to index
        %swap3A_272 = arith.index_cast %mul3A_171 : i32 to index
        %swap3A_273 = tpu.vector_load %arg10[%swap3A_270, %swap3A_271, %swap3A_272] {strides = array<i32>} : memref<4x4x1024xf32, #tpu.memory_space<vmem>>, vector<1x1x16xf32>,
        %swap3A_274 = vector.shape_cast %swap3A_273 : vector<1x1x16xf32> to vector<16xf32>
        %swap3A_275 = vector.shape_cast %add3A_267 : vector<16xf32> to vector<1x1x16xf32>
        tpu.vector_store %arg10[%swap3A_270, %swap3A_271, %swap3A_272], %swap3A_275 {strides = array<i32>} : memref<4x4x1024xf32, #tpu.memory_space<vmem>>, vector<1x1x16xf32>,
        %get3A_276 = arith.constant 1 : i32
        %get3A_277 = arith.constant 2 : i32
        %get3A_278 = arith.index_cast %get3A_276 : i32 to index
        %get3A_279 = arith.index_cast %get3A_277 : i32 to index
        %get3A_280 = arith.index_cast %mul3A_171 : i32 to index
        %get3A_281 = tpu.vector_load %arg6[%get3A_278, %get3A_279, %get3A_280] {strides = array<i32>} : memref<4x4x1024xf32, #tpu.memory_space<vmem>>, vector<1x1x16xf32>,
        %get3A_282 = vector.shape_cast %get3A_281 : vector<1x1x16xf32> to vector<16xf32>
        %add3A_283 = arith.addf %get3A_282, %get3A_243 : vector<16xf32>
        %swap3A_284 = arith.constant 1 : i32
        %swap3A_285 = arith.constant 2 : i32
        %swap3A_286 = arith.index_cast %swap3A_284 : i32 to index
        %swap3A_287 = arith.index_cast %swap3A_285 : i32 to index
        %swap3A_288 = arith.index_cast %mul3A_171 : i32 to index
        %swap3A_289 = tpu.vector_load %arg10[%swap3A_286, %swap3A_287, %swap3A_288] {strides = array<i32>} : memref<4x4x1024xf32, #tpu.memory_space<vmem>>, vector<1x1x16xf32>,
        %swap3A_290 = vector.shape_cast %swap3A_289 : vector<1x1x16xf32> to vector<16xf32>
        %swap3A_291 = vector.shape_cast %add3A_283 : vector<16xf32> to vector<1x1x16xf32>
        tpu.vector_store %arg10[%swap3A_286, %swap3A_287, %swap3A_288], %swap3A_291 {strides = array<i32>} : memref<4x4x1024xf32, #tpu.memory_space<vmem>>, vector<1x1x16xf32>,
        %get3A_292 = arith.constant 1 : i32
        %get3A_293 = arith.constant 3 : i32
        %get3A_294 = arith.index_cast %get3A_292 : i32 to index
        %get3A_295 = arith.index_cast %get3A_293 : i32 to index
        %get3A_296 = arith.index_cast %mul3A_171 : i32 to index
        %get3A_297 = tpu.vector_load %arg6[%get3A_294, %get3A_295, %get3A_296] {strides = array<i32>} : memref<4x4x1024xf32, #tpu.memory_space<vmem>>, vector<1x1x16xf32>,
        %get3A_298 = vector.shape_cast %get3A_297 : vector<1x1x16xf32> to vector<16xf32>
        %add3A_299 = arith.addf %get3A_298, %get3A_243 : vector<16xf32>
        %swap3A_300 = arith.constant 1 : i32
        %swap3A_301 = arith.constant 3 : i32
        %swap3A_302 = arith.index_cast %swap3A_300 : i32 to index
        %swap3A_303 = arith.index_cast %swap3A_301 : i32 to index
        %swap3A_304 = arith.index_cast %mul3A_171 : i32 to index
        %swap3A_305 = tpu.vector_load %arg10[%swap3A_302, %swap3A_303, %swap3A_304] {strides = array<i32>} : memref<4x4x1024xf32, #tpu.memory_space<vmem>>, vector<1x1x16xf32>,
        %swap3A_306 = vector.shape_cast %swap3A_305 : vector<1x1x16xf32> to vector<16xf32>
        %swap3A_307 = vector.shape_cast %add3A_299 : vector<16xf32> to vector<1x1x16xf32>
        tpu.vector_store %arg10[%swap3A_302, %swap3A_303, %swap3A_304], %swap3A_307 {strides = array<i32>} : memref<4x4x1024xf32, #tpu.memory_space<vmem>>, vector<1x1x16xf32>,
        %get3A_308 = arith.constant 2 : i32
        %get3A_309 = arith.index_cast %get3A_308 : i32 to index
        %get3A_310 = arith.index_cast %mul3A_171 : i32 to index
        %get3A_311 = tpu.vector_load %arg8[%get3A_309, %get3A_310] {strides = array<i32>} : memref<4x1024xf32, #tpu.memory_space<vmem>>, vector<1x16xf32>,
        %get3A_312 = vector.shape_cast %get3A_311 : vector<1x16xf32> to vector<16xf32>
        %get3A_313 = arith.constant 2 : i32
        %get3A_314 = arith.constant 0 : i32
        %get3A_315 = arith.index_cast %get3A_313 : i32 to index
        %get3A_316 = arith.index_cast %get3A_314 : i32 to index
        %get3A_317 = arith.index_cast %mul3A_171 : i32 to index
        %get3A_318 = tpu.vector_load %arg6[%get3A_315, %get3A_316, %get3A_317] {strides = array<i32>} : memref<4x4x1024xf32, #tpu.memory_space<vmem>>, vector<1x1x16xf32>,
        %get3A_319 = vector.shape_cast %get3A_318 : vector<1x1x16xf32> to vector<16xf32>
        %add3A_320 = arith.addf %get3A_319, %get3A_312 : vector<16xf32>
        %swap3A_321 = arith.constant 2 : i32
        %swap3A_322 = arith.constant 0 : i32
        %swap3A_323 = arith.index_cast %swap3A_321 : i32 to index
        %swap3A_324 = arith.index_cast %swap3A_322 : i32 to index
        %swap3A_325 = arith.index_cast %mul3A_171 : i32 to index
        %swap3A_326 = tpu.vector_load %arg10[%swap3A_323, %swap3A_324, %swap3A_325] {strides = array<i32>} : memref<4x4x1024xf32, #tpu.memory_space<vmem>>, vector<1x1x16xf32>,
        %swap3A_327 = vector.shape_cast %swap3A_326 : vector<1x1x16xf32> to vector<16xf32>
        %swap3A_328 = vector.shape_cast %add3A_320 : vector<16xf32> to vector<1x1x16xf32>
        tpu.vector_store %arg10[%swap3A_323, %swap3A_324, %swap3A_325], %swap3A_328 {strides = array<i32>} : memref<4x4x1024xf32, #tpu.memory_space<vmem>>, vector<1x1x16xf32>,
        %get3A_329 = arith.constant 2 : i32
        %get3A_330 = arith.constant 1 : i32
        %get3A_331 = arith.index_cast %get3A_329 : i32 to index
        %get3A_332 = arith.index_cast %get3A_330 : i32 to index
        %get3A_333 = arith.index_cast %mul3A_171 : i32 to index
        %get3A_334 = tpu.vector_load %arg6[%get3A_331, %get3A_332, %get3A_333] {strides = array<i32>} : memref<4x4x1024xf32, #tpu.memory_space<vmem>>, vector<1x1x16xf32>,
        %get3A_335 = vector.shape_cast %get3A_334 : vector<1x1x16xf32> to vector<16xf32>
        %add3A_336 = arith.addf %get3A_335, %get3A_312 : vector<16xf32>
        %swap3A_337 = arith.constant 2 : i32
        %swap3A_338 = arith.constant 1 : i32
        %swap3A_339 = arith.index_cast %swap3A_337 : i32 to index
        %swap3A_340 = arith.index_cast %swap3A_338 : i32 to index
        %swap3A_341 = arith.index_cast %mul3A_171 : i32 to index
        %swap3A_342 = tpu.vector_load %arg10[%swap3A_339, %swap3A_340, %swap3A_341] {strides = array<i32>} : memref<4x4x1024xf32, #tpu.memory_space<vmem>>, vector<1x1x16xf32>,
        %swap3A_343 = vector.shape_cast %swap3A_342 : vector<1x1x16xf32> to vector<16xf32>
        %swap3A_344 = vector.shape_cast %add3A_336 : vector<16xf32> to vector<1x1x16xf32>
        tpu.vector_store %arg10[%swap3A_339, %swap3A_340, %swap3A_341], %swap3A_344 {strides = array<i32>} : memref<4x4x1024xf32, #tpu.memory_space<vmem>>, vector<1x1x16xf32>,
        %get3A_345 = arith.constant 2 : i32
        %get3A_346 = arith.constant 2 : i32
        %get3A_347 = arith.index_cast %get3A_345 : i32 to index
        %get3A_348 = arith.index_cast %get3A_346 : i32 to index
        %get3A_349 = arith.index_cast %mul3A_171 : i32 to index
        %get3A_350 = tpu.vector_load %arg6[%get3A_347, %get3A_348, %get3A_349] {strides = array<i32>} : memref<4x4x1024xf32, #tpu.memory_space<vmem>>, vector<1x1x16xf32>,
        %get3A_351 = vector.shape_cast %get3A_350 : vector<1x1x16xf32> to vector<16xf32>
        %add3A_352 = arith.addf %get3A_351, %get3A_312 : vector<16xf32>
        %swap3A_353 = arith.constant 2 : i32
        %swap3A_354 = arith.constant 2 : i32
        %swap3A_355 = arith.index_cast %swap3A_353 : i32 to index
        %swap3A_356 = arith.index_cast %swap3A_354 : i32 to index
        %swap3A_357 = arith.index_cast %mul3A_171 : i32 to index
        %swap3A_358 = tpu.vector_load %arg10[%swap3A_355, %swap3A_356, %swap3A_357] {strides = array<i32>} : memref<4x4x1024xf32, #tpu.memory_space<vmem>>, vector<1x1x16xf32>,
        %swap3A_359 = vector.shape_cast %swap3A_358 : vector<1x1x16xf32> to vector<16xf32>
        %swap3A_360 = vector.shape_cast %add3A_352 : vector<16xf32> to vector<1x1x16xf32>
        tpu.vector_store %arg10[%swap3A_355, %swap3A_356, %swap3A_357], %swap3A_360 {strides = array<i32>} : memref<4x4x1024xf32, #tpu.memory_space<vmem>>, vector<1x1x16xf32>,
        %get3A_361 = arith.constant 2 : i32
        %get3A_362 = arith.constant 3 : i32
        %get3A_363 = arith.index_cast %get3A_361 : i32 to index
        %get3A_364 = arith.index_cast %get3A_362 : i32 to index
        %get3A_365 = arith.index_cast %mul3A_171 : i32 to index
        %get3A_366 = tpu.vector_load %arg6[%get3A_363, %get3A_364, %get3A_365] {strides = array<i32>} : memref<4x4x1024xf32, #tpu.memory_space<vmem>>, vector<1x1x16xf32>,
        %get3A_367 = vector.shape_cast %get3A_366 : vector<1x1x16xf32> to vector<16xf32>
        %add3A_368 = arith.addf %get3A_367, %get3A_312 : vector<16xf32>
        %swap3A_369 = arith.constant 2 : i32
        %swap3A_370 = arith.constant 3 : i32
        %swap3A_371 = arith.index_cast %swap3A_369 : i32 to index
        %swap3A_372 = arith.index_cast %swap3A_370 : i32 to index
        %swap3A_373 = arith.index_cast %mul3A_171 : i32 to index
        %swap3A_374 = tpu.vector_load %arg10[%swap3A_371, %swap3A_372, %swap3A_373] {strides = array<i32>} : memref<4x4x1024xf32, #tpu.memory_space<vmem>>, vector<1x1x16xf32>,
        %swap3A_375 = vector.shape_cast %swap3A_374 : vector<1x1x16xf32> to vector<16xf32>
        %swap3A_376 = vector.shape_cast %add3A_368 : vector<16xf32> to vector<1x1x16xf32>
        tpu.vector_store %arg10[%swap3A_371, %swap3A_372, %swap3A_373], %swap3A_376 {strides = array<i32>} : memref<4x4x1024xf32, #tpu.memory_space<vmem>>, vector<1x1x16xf32>,
        %get3A_377 = arith.constant 3 : i32
        %get3A_378 = arith.index_cast %get3A_377 : i32 to index
        %get3A_379 = arith.index_cast %mul3A_171 : i32 to index
        %get3A_380 = tpu.vector_load %arg8[%get3A_378, %get3A_379] {strides = array<i32>} : memref<4x1024xf32, #tpu.memory_space<vmem>>, vector<1x16xf32>,
        %get3A_381 = vector.shape_cast %get3A_380 : vector<1x16xf32> to vector<16xf32>
        %get3A_382 = arith.constant 3 : i32
        %get3A_383 = arith.constant 0 : i32
        %get3A_384 = arith.index_cast %get3A_382 : i32 to index
        %get3A_385 = arith.index_cast %get3A_383 : i32 to index
        %get3A_386 = arith.index_cast %mul3A_171 : i32 to index
        %get3A_387 = tpu.vector_load %arg6[%get3A_384, %get3A_385, %get3A_386] {strides = array<i32>} : memref<4x4x1024xf32, #tpu.memory_space<vmem>>, vector<1x1x16xf32>,
        %get3A_388 = vector.shape_cast %get3A_387 : vector<1x1x16xf32> to vector<16xf32>
        %add3A_389 = arith.addf %get3A_388, %get3A_381 : vector<16xf32>
        %swap3A_390 = arith.constant 3 : i32
        %swap3A_391 = arith.constant 0 : i32
        %swap3A_392 = arith.index_cast %swap3A_390 : i32 to index
        %swap3A_393 = arith.index_cast %swap3A_391 : i32 to index
        %swap3A_394 = arith.index_cast %mul3A_171 : i32 to index
        %swap3A_395 = tpu.vector_load %arg10[%swap3A_392, %swap3A_393, %swap3A_394] {strides = array<i32>} : memref<4x4x1024xf32, #tpu.memory_space<vmem>>, vector<1x1x16xf32>,
        %swap3A_396 = vector.shape_cast %swap3A_395 : vector<1x1x16xf32> to vector<16xf32>
        %swap3A_397 = vector.shape_cast %add3A_389 : vector<16xf32> to vector<1x1x16xf32>
        tpu.vector_store %arg10[%swap3A_392, %swap3A_393, %swap3A_394], %swap3A_397 {strides = array<i32>} : memref<4x4x1024xf32, #tpu.memory_space<vmem>>, vector<1x1x16xf32>,
        %get3A_398 = arith.constant 3 : i32
        %get3A_399 = arith.constant 1 : i32
        %get3A_400 = arith.index_cast %get3A_398 : i32 to index
        %get3A_401 = arith.index_cast %get3A_399 : i32 to index
        %get3A_402 = arith.index_cast %mul3A_171 : i32 to index
        %get3A_403 = tpu.vector_load %arg6[%get3A_400, %get3A_401, %get3A_402] {strides = array<i32>} : memref<4x4x1024xf32, #tpu.memory_space<vmem>>, vector<1x1x16xf32>,
        %get3A_404 = vector.shape_cast %get3A_403 : vector<1x1x16xf32> to vector<16xf32>
        %add3A_405 = arith.addf %get3A_404, %get3A_381 : vector<16xf32>
        %swap3A_406 = arith.constant 3 : i32
        %swap3A_407 = arith.constant 1 : i32
        %swap3A_408 = arith.index_cast %swap3A_406 : i32 to index
        %swap3A_409 = arith.index_cast %swap3A_407 : i32 to index
        %swap3A_410 = arith.index_cast %mul3A_171 : i32 to index
        %swap3A_411 = tpu.vector_load %arg10[%swap3A_408, %swap3A_409, %swap3A_410] {strides = array<i32>} : memref<4x4x1024xf32, #tpu.memory_space<vmem>>, vector<1x1x16xf32>,
        %swap3A_412 = vector.shape_cast %swap3A_411 : vector<1x1x16xf32> to vector<16xf32>
        %swap3A_413 = vector.shape_cast %add3A_405 : vector<16xf32> to vector<1x1x16xf32>
        tpu.vector_store %arg10[%swap3A_408, %swap3A_409, %swap3A_410], %swap3A_413 {strides = array<i32>} : memref<4x4x1024xf32, #tpu.memory_space<vmem>>, vector<1x1x16xf32>,
        %get3A_414 = arith.constant 3 : i32
        %get3A_415 = arith.constant 2 : i32
        %get3A_416 = arith.index_cast %get3A_414 : i32 to index
        %get3A_417 = arith.index_cast %get3A_415 : i32 to index
        %get3A_418 = arith.index_cast %mul3A_171 : i32 to index
        %get3A_419 = tpu.vector_load %arg6[%get3A_416, %get3A_417, %get3A_418] {strides = array<i32>} : memref<4x4x1024xf32, #tpu.memory_space<vmem>>, vector<1x1x16xf32>,
        %get3A_420 = vector.shape_cast %get3A_419 : vector<1x1x16xf32> to vector<16xf32>
        %add3A_421 = arith.addf %get3A_420, %get3A_381 : vector<16xf32>
        %swap3A_422 = arith.constant 3 : i32
        %swap3A_423 = arith.constant 2 : i32
        %swap3A_424 = arith.index_cast %swap3A_422 : i32 to index
        %swap3A_425 = arith.index_cast %swap3A_423 : i32 to index
        %swap3A_426 = arith.index_cast %mul3A_171 : i32 to index
        %swap3A_427 = tpu.vector_load %arg10[%swap3A_424, %swap3A_425, %swap3A_426] {strides = array<i32>} : memref<4x4x1024xf32, #tpu.memory_space<vmem>>, vector<1x1x16xf32>,
        %swap3A_428 = vector.shape_cast %swap3A_427 : vector<1x1x16xf32> to vector<16xf32>
        %swap3A_429 = vector.shape_cast %add3A_421 : vector<16xf32> to vector<1x1x16xf32>
        tpu.vector_store %arg10[%swap3A_424, %swap3A_425, %swap3A_426], %swap3A_429 {strides = array<i32>} : memref<4x4x1024xf32, #tpu.memory_space<vmem>>, vector<1x1x16xf32>,
        %get3A_430 = arith.constant 3 : i32
        %get3A_431 = arith.constant 3 : i32
        %get3A_432 = arith.index_cast %get3A_430 : i32 to index
        %get3A_433 = arith.index_cast %get3A_431 : i32 to index
        %get3A_434 = arith.index_cast %mul3A_171 : i32 to index
        %get3A_435 = tpu.vector_load %arg6[%get3A_432, %get3A_433, %get3A_434] {strides = array<i32>} : memref<4x4x1024xf32, #tpu.memory_space<vmem>>, vector<1x1x16xf32>,
        %get3A_436 = vector.shape_cast %get3A_435 : vector<1x1x16xf32> to vector<16xf32>
        %add3A_437 = arith.addf %get3A_436, %get3A_381 : vector<16xf32>
        %swap3A_438 = arith.constant 3 : i32
        %swap3A_439 = arith.constant 3 : i32
        %swap3A_440 = arith.index_cast %swap3A_438 : i32 to index
        %swap3A_441 = arith.index_cast %swap3A_439 : i32 to index
        %swap3A_442 = arith.index_cast %mul3A_171 : i32 to index
        %swap3A_443 = tpu.vector_load %arg10[%swap3A_440, %swap3A_441, %swap3A_442] {strides = array<i32>} : memref<4x4x1024xf32, #tpu.memory_space<vmem>>, vector<1x1x16xf32>,
        %swap3A_444 = vector.shape_cast %swap3A_443 : vector<1x1x16xf32> to vector<16xf32>
        %swap3A_445 = vector.shape_cast %add3A_437 : vector<16xf32> to vector<1x1x16xf32>
        tpu.vector_store %arg10[%swap3A_440, %swap3A_441, %swap3A_442], %swap3A_445 {strides = array<i32>} : memref<4x4x1024xf32, #tpu.memory_space<vmem>>, vector<1x1x16xf32>,
        %scan3A_446 = arith.constant 1 : i32
        %scan3A_447 = arith.addi %scan3A_169, %scan3A_446 : i32
        %mul3A_448 = arith.constant 16 : i32
        %mul3A_449 = arith.muli %scan3A_447, %mul3A_448 : i32
        %get3A_450 = arith.constant 0 : i32
        %get3A_451 = arith.index_cast %get3A_450 : i32 to index
        %get3A_452 = arith.index_cast %mul3A_449 : i32 to index
        %get3A_453 = tpu.vector_load %arg8[%get3A_451, %get3A_452] {strides = array<i32>} : memref<4x1024xf32, #tpu.memory_space<vmem>>, vector<1x16xf32>,
        %get3A_454 = vector.shape_cast %get3A_453 : vector<1x16xf32> to vector<16xf32>
        %get3A_455 = arith.constant 0 : i32
        %get3A_456 = arith.constant 0 : i32
        %get3A_457 = arith.index_cast %get3A_455 : i32 to index
        %get3A_458 = arith.index_cast %get3A_456 : i32 to index
        %get3A_459 = arith.index_cast %mul3A_449 : i32 to index
        %get3A_460 = tpu.vector_load %arg6[%get3A_457, %get3A_458, %get3A_459] {strides = array<i32>} : memref<4x4x1024xf32, #tpu.memory_space<vmem>>, vector<1x1x16xf32>,
        %get3A_461 = vector.shape_cast %get3A_460 : vector<1x1x16xf32> to vector<16xf32>
        %add3A_462 = arith.addf %get3A_461, %get3A_454 : vector<16xf32>
        %swap3A_463 = arith.constant 0 : i32
        %swap3A_464 = arith.constant 0 : i32
        %swap3A_465 = arith.index_cast %swap3A_463 : i32 to index
        %swap3A_466 = arith.index_cast %swap3A_464 : i32 to index
        %swap3A_467 = arith.index_cast %mul3A_449 : i32 to index
        %swap3A_468 = tpu.vector_load %arg10[%swap3A_465, %swap3A_466, %swap3A_467] {strides = array<i32>} : memref<4x4x1024xf32, #tpu.memory_space<vmem>>, vector<1x1x16xf32>,
        %swap3A_469 = vector.shape_cast %swap3A_468 : vector<1x1x16xf32> to vector<16xf32>
        %swap3A_470 = vector.shape_cast %add3A_462 : vector<16xf32> to vector<1x1x16xf32>
        tpu.vector_store %arg10[%swap3A_465, %swap3A_466, %swap3A_467], %swap3A_470 {strides = array<i32>} : memref<4x4x1024xf32, #tpu.memory_space<vmem>>, vector<1x1x16xf32>,
        %get3A_471 = arith.constant 0 : i32
        %get3A_472 = arith.constant 1 : i32
        %get3A_473 = arith.index_cast %get3A_471 : i32 to index
        %get3A_474 = arith.index_cast %get3A_472 : i32 to index
        %get3A_475 = arith.index_cast %mul3A_449 : i32 to index
        %get3A_476 = tpu.vector_load %arg6[%get3A_473, %get3A_474, %get3A_475] {strides = array<i32>} : memref<4x4x1024xf32, #tpu.memory_space<vmem>>, vector<1x1x16xf32>,
        %get3A_477 = vector.shape_cast %get3A_476 : vector<1x1x16xf32> to vector<16xf32>
        %add3A_478 = arith.addf %get3A_477, %get3A_454 : vector<16xf32>
        %swap3A_479 = arith.constant 0 : i32
        %swap3A_480 = arith.constant 1 : i32
        %swap3A_481 = arith.index_cast %swap3A_479 : i32 to index
        %swap3A_482 = arith.index_cast %swap3A_480 : i32 to index
        %swap3A_483 = arith.index_cast %mul3A_449 : i32 to index
        %swap3A_484 = tpu.vector_load %arg10[%swap3A_481, %swap3A_482, %swap3A_483] {strides = array<i32>} : memref<4x4x1024xf32, #tpu.memory_space<vmem>>, vector<1x1x16xf32>,
        %swap3A_485 = vector.shape_cast %swap3A_484 : vector<1x1x16xf32> to vector<16xf32>
        %swap3A_486 = vector.shape_cast %add3A_478 : vector<16xf32> to vector<1x1x16xf32>
        tpu.vector_store %arg10[%swap3A_481, %swap3A_482, %swap3A_483], %swap3A_486 {strides = array<i32>} : memref<4x4x1024xf32, #tpu.memory_space<vmem>>, vector<1x1x16xf32>,
        %get3A_487 = arith.constant 0 : i32
        %get3A_488 = arith.constant 2 : i32
        %get3A_489 = arith.index_cast %get3A_487 : i32 to index
        %get3A_490 = arith.index_cast %get3A_488 : i32 to index
        %get3A_491 = arith.index_cast %mul3A_449 : i32 to index
        %get3A_492 = tpu.vector_load %arg6[%get3A_489, %get3A_490, %get3A_491] {strides = array<i32>} : memref<4x4x1024xf32, #tpu.memory_space<vmem>>, vector<1x1x16xf32>,
        %get3A_493 = vector.shape_cast %get3A_492 : vector<1x1x16xf32> to vector<16xf32>
        %add3A_494 = arith.addf %get3A_493, %get3A_454 : vector<16xf32>
        %swap3A_495 = arith.constant 0 : i32
        %swap3A_496 = arith.constant 2 : i32
        %swap3A_497 = arith.index_cast %swap3A_495 : i32 to index
        %swap3A_498 = arith.index_cast %swap3A_496 : i32 to index
        %swap3A_499 = arith.index_cast %mul3A_449 : i32 to index
        %swap3A_500 = tpu.vector_load %arg10[%swap3A_497, %swap3A_498, %swap3A_499] {strides = array<i32>} : memref<4x4x1024xf32, #tpu.memory_space<vmem>>, vector<1x1x16xf32>,
        %swap3A_501 = vector.shape_cast %swap3A_500 : vector<1x1x16xf32> to vector<16xf32>
        %swap3A_502 = vector.shape_cast %add3A_494 : vector<16xf32> to vector<1x1x16xf32>
        tpu.vector_store %arg10[%swap3A_497, %swap3A_498, %swap3A_499], %swap3A_502 {strides = array<i32>} : memref<4x4x1024xf32, #tpu.memory_space<vmem>>, vector<1x1x16xf32>,
        %get3A_503 = arith.constant 0 : i32
        %get3A_504 = arith.constant 3 : i32
        %get3A_505 = arith.index_cast %get3A_503 : i32 to index
        %get3A_506 = arith.index_cast %get3A_504 : i32 to index
        %get3A_507 = arith.index_cast %mul3A_449 : i32 to index
        %get3A_508 = tpu.vector_load %arg6[%get3A_505, %get3A_506, %get3A_507] {strides = array<i32>} : memref<4x4x1024xf32, #tpu.memory_space<vmem>>, vector<1x1x16xf32>,
        %get3A_509 = vector.shape_cast %get3A_508 : vector<1x1x16xf32> to vector<16xf32>
        %add3A_510 = arith.addf %get3A_509, %get3A_454 : vector<16xf32>
        %swap3A_511 = arith.constant 0 : i32
        %swap3A_512 = arith.constant 3 : i32
        %swap3A_513 = arith.index_cast %swap3A_511 : i32 to index
        %swap3A_514 = arith.index_cast %swap3A_512 : i32 to index
        %swap3A_515 = arith.index_cast %mul3A_449 : i32 to index
        %swap3A_516 = tpu.vector_load %arg10[%swap3A_513, %swap3A_514, %swap3A_515] {strides = array<i32>} : memref<4x4x1024xf32, #tpu.memory_space<vmem>>, vector<1x1x16xf32>,
        %swap3A_517 = vector.shape_cast %swap3A_516 : vector<1x1x16xf32> to vector<16xf32>
        %swap3A_518 = vector.shape_cast %add3A_510 : vector<16xf32> to vector<1x1x16xf32>
        tpu.vector_store %arg10[%swap3A_513, %swap3A_514, %swap3A_515], %swap3A_518 {strides = array<i32>} : memref<4x4x1024xf32, #tpu.memory_space<vmem>>, vector<1x1x16xf32>,
        %get3A_519 = arith.constant 1 : i32
        %get3A_520 = arith.index_cast %get3A_519 : i32 to index
        %get3A_521 = arith.index_cast %mul3A_449 : i32 to index
        %get3A_522 = tpu.vector_load %arg8[%get3A_520, %get3A_521] {strides = array<i32>} : memref<4x1024xf32, #tpu.memory_space<vmem>>, vector<1x16xf32>,
        %get3A_523 = vector.shape_cast %get3A_522 : vector<1x16xf32> to vector<16xf32>
        %get3A_524 = arith.constant 1 : i32
        %get3A_525 = arith.constant 0 : i32
        %get3A_526 = arith.index_cast %get3A_524 : i32 to index
        %get3A_527 = arith.index_cast %get3A_525 : i32 to index
        %get3A_528 = arith.index_cast %mul3A_449 : i32 to index
        %get3A_529 = tpu.vector_load %arg6[%get3A_526, %get3A_527, %get3A_528] {strides = array<i32>} : memref<4x4x1024xf32, #tpu.memory_space<vmem>>, vector<1x1x16xf32>,
        %get3A_530 = vector.shape_cast %get3A_529 : vector<1x1x16xf32> to vector<16xf32>
        %add3A_531 = arith.addf %get3A_530, %get3A_523 : vector<16xf32>
        %swap3A_532 = arith.constant 1 : i32
        %swap3A_533 = arith.constant 0 : i32
        %swap3A_534 = arith.index_cast %swap3A_532 : i32 to index
        %swap3A_535 = arith.index_cast %swap3A_533 : i32 to index
        %swap3A_536 = arith.index_cast %mul3A_449 : i32 to index
        %swap3A_537 = tpu.vector_load %arg10[%swap3A_534, %swap3A_535, %swap3A_536] {strides = array<i32>} : memref<4x4x1024xf32, #tpu.memory_space<vmem>>, vector<1x1x16xf32>,
        %swap3A_538 = vector.shape_cast %swap3A_537 : vector<1x1x16xf32> to vector<16xf32>
        %swap3A_539 = vector.shape_cast %add3A_531 : vector<16xf32> to vector<1x1x16xf32>
        tpu.vector_store %arg10[%swap3A_534, %swap3A_535, %swap3A_536], %swap3A_539 {strides = array<i32>} : memref<4x4x1024xf32, #tpu.memory_space<vmem>>, vector<1x1x16xf32>,
        %get3A_540 = arith.constant 1 : i32
        %get3A_541 = arith.constant 1 : i32
        %get3A_542 = arith.index_cast %get3A_540 : i32 to index
        %get3A_543 = arith.index_cast %get3A_541 : i32 to index
        %get3A_544 = arith.index_cast %mul3A_449 : i32 to index
        %get3A_545 = tpu.vector_load %arg6[%get3A_542, %get3A_543, %get3A_544] {strides = array<i32>} : memref<4x4x1024xf32, #tpu.memory_space<vmem>>, vector<1x1x16xf32>,
        %get3A_546 = vector.shape_cast %get3A_545 : vector<1x1x16xf32> to vector<16xf32>
        %add3A_547 = arith.addf %get3A_546, %get3A_523 : vector<16xf32>
        %swap3A_548 = arith.constant 1 : i32
        %swap3A_549 = arith.constant 1 : i32
        %swap3A_550 = arith.index_cast %swap3A_548 : i32 to index
        %swap3A_551 = arith.index_cast %swap3A_549 : i32 to index
        %swap3A_552 = arith.index_cast %mul3A_449 : i32 to index
        %swap3A_553 = tpu.vector_load %arg10[%swap3A_550, %swap3A_551, %swap3A_552] {strides = array<i32>} : memref<4x4x1024xf32, #tpu.memory_space<vmem>>, vector<1x1x16xf32>,
        %swap3A_554 = vector.shape_cast %swap3A_553 : vector<1x1x16xf32> to vector<16xf32>
        %swap3A_555 = vector.shape_cast %add3A_547 : vector<16xf32> to vector<1x1x16xf32>
        tpu.vector_store %arg10[%swap3A_550, %swap3A_551, %swap3A_552], %swap3A_555 {strides = array<i32>} : memref<4x4x1024xf32, #tpu.memory_space<vmem>>, vector<1x1x16xf32>,
        %get3A_556 = arith.constant 1 : i32
        %get3A_557 = arith.constant 2 : i32
        %get3A_558 = arith.index_cast %get3A_556 : i32 to index
        %get3A_559 = arith.index_cast %get3A_557 : i32 to index
        %get3A_560 = arith.index_cast %mul3A_449 : i32 to index
        %get3A_561 = tpu.vector_load %arg6[%get3A_558, %get3A_559, %get3A_560] {strides = array<i32>} : memref<4x4x1024xf32, #tpu.memory_space<vmem>>, vector<1x1x16xf32>,
        %get3A_562 = vector.shape_cast %get3A_561 : vector<1x1x16xf32> to vector<16xf32>
        %add3A_563 = arith.addf %get3A_562, %get3A_523 : vector<16xf32>
        %swap3A_564 = arith.constant 1 : i32
        %swap3A_565 = arith.constant 2 : i32
        %swap3A_566 = arith.index_cast %swap3A_564 : i32 to index
        %swap3A_567 = arith.index_cast %swap3A_565 : i32 to index
        %swap3A_568 = arith.index_cast %mul3A_449 : i32 to index
        %swap3A_569 = tpu.vector_load %arg10[%swap3A_566, %swap3A_567, %swap3A_568] {strides = array<i32>} : memref<4x4x1024xf32, #tpu.memory_space<vmem>>, vector<1x1x16xf32>,
        %swap3A_570 = vector.shape_cast %swap3A_569 : vector<1x1x16xf32> to vector<16xf32>
        %swap3A_571 = vector.shape_cast %add3A_563 : vector<16xf32> to vector<1x1x16xf32>
        tpu.vector_store %arg10[%swap3A_566, %swap3A_567, %swap3A_568], %swap3A_571 {strides = array<i32>} : memref<4x4x1024xf32, #tpu.memory_space<vmem>>, vector<1x1x16xf32>,
        %get3A_572 = arith.constant 1 : i32
        %get3A_573 = arith.constant 3 : i32
        %get3A_574 = arith.index_cast %get3A_572 : i32 to index
        %get3A_575 = arith.index_cast %get3A_573 : i32 to index
        %get3A_576 = arith.index_cast %mul3A_449 : i32 to index
        %get3A_577 = tpu.vector_load %arg6[%get3A_574, %get3A_575, %get3A_576] {strides = array<i32>} : memref<4x4x1024xf32, #tpu.memory_space<vmem>>, vector<1x1x16xf32>,
        %get3A_578 = vector.shape_cast %get3A_577 : vector<1x1x16xf32> to vector<16xf32>
        %add3A_579 = arith.addf %get3A_578, %get3A_523 : vector<16xf32>
        %swap3A_580 = arith.constant 1 : i32
        %swap3A_581 = arith.constant 3 : i32
        %swap3A_582 = arith.index_cast %swap3A_580 : i32 to index
        %swap3A_583 = arith.index_cast %swap3A_581 : i32 to index
        %swap3A_584 = arith.index_cast %mul3A_449 : i32 to index
        %swap3A_585 = tpu.vector_load %arg10[%swap3A_582, %swap3A_583, %swap3A_584] {strides = array<i32>} : memref<4x4x1024xf32, #tpu.memory_space<vmem>>, vector<1x1x16xf32>,
        %swap3A_586 = vector.shape_cast %swap3A_585 : vector<1x1x16xf32> to vector<16xf32>
        %swap3A_587 = vector.shape_cast %add3A_579 : vector<16xf32> to vector<1x1x16xf32>
        tpu.vector_store %arg10[%swap3A_582, %swap3A_583, %swap3A_584], %swap3A_587 {strides = array<i32>} : memref<4x4x1024xf32, #tpu.memory_space<vmem>>, vector<1x1x16xf32>,
        %get3A_588 = arith.constant 2 : i32
        %get3A_589 = arith.index_cast %get3A_588 : i32 to index
        %get3A_590 = arith.index_cast %mul3A_449 : i32 to index
        %get3A_591 = tpu.vector_load %arg8[%get3A_589, %get3A_590] {strides = array<i32>} : memref<4x1024xf32, #tpu.memory_space<vmem>>, vector<1x16xf32>,
        %get3A_592 = vector.shape_cast %get3A_591 : vector<1x16xf32> to vector<16xf32>
        %get3A_593 = arith.constant 2 : i32
        %get3A_594 = arith.constant 0 : i32
        %get3A_595 = arith.index_cast %get3A_593 : i32 to index
        %get3A_596 = arith.index_cast %get3A_594 : i32 to index
        %get3A_597 = arith.index_cast %mul3A_449 : i32 to index
        %get3A_598 = tpu.vector_load %arg6[%get3A_595, %get3A_596, %get3A_597] {strides = array<i32>} : memref<4x4x1024xf32, #tpu.memory_space<vmem>>, vector<1x1x16xf32>,
        %get3A_599 = vector.shape_cast %get3A_598 : vector<1x1x16xf32> to vector<16xf32>
        %add3A_600 = arith.addf %get3A_599, %get3A_592 : vector<16xf32>
        %swap3A_601 = arith.constant 2 : i32
        %swap3A_602 = arith.constant 0 : i32
        %swap3A_603 = arith.index_cast %swap3A_601 : i32 to index
        %swap3A_604 = arith.index_cast %swap3A_602 : i32 to index
        %swap3A_605 = arith.index_cast %mul3A_449 : i32 to index
        %swap3A_606 = tpu.vector_load %arg10[%swap3A_603, %swap3A_604, %swap3A_605] {strides = array<i32>} : memref<4x4x1024xf32, #tpu.memory_space<vmem>>, vector<1x1x16xf32>,
        %swap3A_607 = vector.shape_cast %swap3A_606 : vector<1x1x16xf32> to vector<16xf32>
        %swap3A_608 = vector.shape_cast %add3A_600 : vector<16xf32> to vector<1x1x16xf32>
        tpu.vector_store %arg10[%swap3A_603, %swap3A_604, %swap3A_605], %swap3A_608 {strides = array<i32>} : memref<4x4x1024xf32, #tpu.memory_space<vmem>>, vector<1x1x16xf32>,
        %get3A_609 = arith.constant 2 : i32
        %get3A_610 = arith.constant 1 : i32
        %get3A_611 = arith.index_cast %get3A_609 : i32 to index
        %get3A_612 = arith.index_cast %get3A_610 : i32 to index
        %get3A_613 = arith.index_cast %mul3A_449 : i32 to index
        %get3A_614 = tpu.vector_load %arg6[%get3A_611, %get3A_612, %get3A_613] {strides = array<i32>} : memref<4x4x1024xf32, #tpu.memory_space<vmem>>, vector<1x1x16xf32>,
        %get3A_615 = vector.shape_cast %get3A_614 : vector<1x1x16xf32> to vector<16xf32>
        %add3A_616 = arith.addf %get3A_615, %get3A_592 : vector<16xf32>
        %swap3A_617 = arith.constant 2 : i32
        %swap3A_618 = arith.constant 1 : i32
        %swap3A_619 = arith.index_cast %swap3A_617 : i32 to index
        %swap3A_620 = arith.index_cast %swap3A_618 : i32 to index
        %swap3A_621 = arith.index_cast %mul3A_449 : i32 to index
        %swap3A_622 = tpu.vector_load %arg10[%swap3A_619, %swap3A_620, %swap3A_621] {strides = array<i32>} : memref<4x4x1024xf32, #tpu.memory_space<vmem>>, vector<1x1x16xf32>,
        %swap3A_623 = vector.shape_cast %swap3A_622 : vector<1x1x16xf32> to vector<16xf32>
        %swap3A_624 = vector.shape_cast %add3A_616 : vector<16xf32> to vector<1x1x16xf32>
        tpu.vector_store %arg10[%swap3A_619, %swap3A_620, %swap3A_621], %swap3A_624 {strides = array<i32>} : memref<4x4x1024xf32, #tpu.memory_space<vmem>>, vector<1x1x16xf32>,
        %get3A_625 = arith.constant 2 : i32
        %get3A_626 = arith.constant 2 : i32
        %get3A_627 = arith.index_cast %get3A_625 : i32 to index
        %get3A_628 = arith.index_cast %get3A_626 : i32 to index
        %get3A_629 = arith.index_cast %mul3A_449 : i32 to index
        %get3A_630 = tpu.vector_load %arg6[%get3A_627, %get3A_628, %get3A_629] {strides = array<i32>} : memref<4x4x1024xf32, #tpu.memory_space<vmem>>, vector<1x1x16xf32>,
        %get3A_631 = vector.shape_cast %get3A_630 : vector<1x1x16xf32> to vector<16xf32>
        %add3A_632 = arith.addf %get3A_631, %get3A_592 : vector<16xf32>
        %swap3A_633 = arith.constant 2 : i32
        %swap3A_634 = arith.constant 2 : i32
        %swap3A_635 = arith.index_cast %swap3A_633 : i32 to index
        %swap3A_636 = arith.index_cast %swap3A_634 : i32 to index
        %swap3A_637 = arith.index_cast %mul3A_449 : i32 to index
        %swap3A_638 = tpu.vector_load %arg10[%swap3A_635, %swap3A_636, %swap3A_637] {strides = array<i32>} : memref<4x4x1024xf32, #tpu.memory_space<vmem>>, vector<1x1x16xf32>,
        %swap3A_639 = vector.shape_cast %swap3A_638 : vector<1x1x16xf32> to vector<16xf32>
        %swap3A_640 = vector.shape_cast %add3A_632 : vector<16xf32> to vector<1x1x16xf32>
        tpu.vector_store %arg10[%swap3A_635, %swap3A_636, %swap3A_637], %swap3A_640 {strides = array<i32>} : memref<4x4x1024xf32, #tpu.memory_space<vmem>>, vector<1x1x16xf32>,
        %get3A_641 = arith.constant 2 : i32
        %get3A_642 = arith.constant 3 : i32
        %get3A_643 = arith.index_cast %get3A_641 : i32 to index
        %get3A_644 = arith.index_cast %get3A_642 : i32 to index
        %get3A_645 = arith.index_cast %mul3A_449 : i32 to index
        %get3A_646 = tpu.vector_load %arg6[%get3A_643, %get3A_644, %get3A_645] {strides = array<i32>} : memref<4x4x1024xf32, #tpu.memory_space<vmem>>, vector<1x1x16xf32>,
        %get3A_647 = vector.shape_cast %get3A_646 : vector<1x1x16xf32> to vector<16xf32>
        %add3A_648 = arith.addf %get3A_647, %get3A_592 : vector<16xf32>
        %swap3A_649 = arith.constant 2 : i32
        %swap3A_650 = arith.constant 3 : i32
        %swap3A_651 = arith.index_cast %swap3A_649 : i32 to index
        %swap3A_652 = arith.index_cast %swap3A_650 : i32 to index
        %swap3A_653 = arith.index_cast %mul3A_449 : i32 to index
        %swap3A_654 = tpu.vector_load %arg10[%swap3A_651, %swap3A_652, %swap3A_653] {strides = array<i32>} : memref<4x4x1024xf32, #tpu.memory_space<vmem>>, vector<1x1x16xf32>,
        %swap3A_655 = vector.shape_cast %swap3A_654 : vector<1x1x16xf32> to vector<16xf32>
        %swap3A_656 = vector.shape_cast %add3A_648 : vector<16xf32> to vector<1x1x16xf32>
        tpu.vector_store %arg10[%swap3A_651, %swap3A_652, %swap3A_653], %swap3A_656 {strides = array<i32>} : memref<4x4x1024xf32, #tpu.memory_space<vmem>>, vector<1x1x16xf32>,
        %get3A_657 = arith.constant 3 : i32
        %get3A_658 = arith.index_cast %get3A_657 : i32 to index
        %get3A_659 = arith.index_cast %mul3A_449 : i32 to index
        %get3A_660 = tpu.vector_load %arg8[%get3A_658, %get3A_659] {strides = array<i32>} : memref<4x1024xf32, #tpu.memory_space<vmem>>, vector<1x16xf32>,
        %get3A_661 = vector.shape_cast %get3A_660 : vector<1x16xf32> to vector<16xf32>
        %get3A_662 = arith.constant 3 : i32
        %get3A_663 = arith.constant 0 : i32
        %get3A_664 = arith.index_cast %get3A_662 : i32 to index
        %get3A_665 = arith.index_cast %get3A_663 : i32 to index
        %get3A_666 = arith.index_cast %mul3A_449 : i32 to index
        %get3A_667 = tpu.vector_load %arg6[%get3A_664, %get3A_665, %get3A_666] {strides = array<i32>} : memref<4x4x1024xf32, #tpu.memory_space<vmem>>, vector<1x1x16xf32>,
        %get3A_668 = vector.shape_cast %get3A_667 : vector<1x1x16xf32> to vector<16xf32>
        %add3A_669 = arith.addf %get3A_668, %get3A_661 : vector<16xf32>
        %swap3A_670 = arith.constant 3 : i32
        %swap3A_671 = arith.constant 0 : i32
        %swap3A_672 = arith.index_cast %swap3A_670 : i32 to index
        %swap3A_673 = arith.index_cast %swap3A_671 : i32 to index
        %swap3A_674 = arith.index_cast %mul3A_449 : i32 to index
        %swap3A_675 = tpu.vector_load %arg10[%swap3A_672, %swap3A_673, %swap3A_674] {strides = array<i32>} : memref<4x4x1024xf32, #tpu.memory_space<vmem>>, vector<1x1x16xf32>,
        %swap3A_676 = vector.shape_cast %swap3A_675 : vector<1x1x16xf32> to vector<16xf32>
        %swap3A_677 = vector.shape_cast %add3A_669 : vector<16xf32> to vector<1x1x16xf32>
        tpu.vector_store %arg10[%swap3A_672, %swap3A_673, %swap3A_674], %swap3A_677 {strides = array<i32>} : memref<4x4x1024xf32, #tpu.memory_space<vmem>>, vector<1x1x16xf32>,
        %get3A_678 = arith.constant 3 : i32
        %get3A_679 = arith.constant 1 : i32
        %get3A_680 = arith.index_cast %get3A_678 : i32 to index
        %get3A_681 = arith.index_cast %get3A_679 : i32 to index
        %get3A_682 = arith.index_cast %mul3A_449 : i32 to index
        %get3A_683 = tpu.vector_load %arg6[%get3A_680, %get3A_681, %get3A_682] {strides = array<i32>} : memref<4x4x1024xf32, #tpu.memory_space<vmem>>, vector<1x1x16xf32>,
        %get3A_684 = vector.shape_cast %get3A_683 : vector<1x1x16xf32> to vector<16xf32>
        %add3A_685 = arith.addf %get3A_684, %get3A_661 : vector<16xf32>
        %swap3A_686 = arith.constant 3 : i32
        %swap3A_687 = arith.constant 1 : i32
        %swap3A_688 = arith.index_cast %swap3A_686 : i32 to index
        %swap3A_689 = arith.index_cast %swap3A_687 : i32 to index
        %swap3A_690 = arith.index_cast %mul3A_449 : i32 to index
        %swap3A_691 = tpu.vector_load %arg10[%swap3A_688, %swap3A_689, %swap3A_690] {strides = array<i32>} : memref<4x4x1024xf32, #tpu.memory_space<vmem>>, vector<1x1x16xf32>,
        %swap3A_692 = vector.shape_cast %swap3A_691 : vector<1x1x16xf32> to vector<16xf32>
        %swap3A_693 = vector.shape_cast %add3A_685 : vector<16xf32> to vector<1x1x16xf32>
        tpu.vector_store %arg10[%swap3A_688, %swap3A_689, %swap3A_690], %swap3A_693 {strides = array<i32>} : memref<4x4x1024xf32, #tpu.memory_space<vmem>>, vector<1x1x16xf32>,
        %get3A_694 = arith.constant 3 : i32
        %get3A_695 = arith.constant 2 : i32
        %get3A_696 = arith.index_cast %get3A_694 : i32 to index
        %get3A_697 = arith.index_cast %get3A_695 : i32 to index
        %get3A_698 = arith.index_cast %mul3A_449 : i32 to index
        %get3A_699 = tpu.vector_load %arg6[%get3A_696, %get3A_697, %get3A_698] {strides = array<i32>} : memref<4x4x1024xf32, #tpu.memory_space<vmem>>, vector<1x1x16xf32>,
        %get3A_700 = vector.shape_cast %get3A_699 : vector<1x1x16xf32> to vector<16xf32>
        %add3A_701 = arith.addf %get3A_700, %get3A_661 : vector<16xf32>
        %swap3A_702 = arith.constant 3 : i32
        %swap3A_703 = arith.constant 2 : i32
        %swap3A_704 = arith.index_cast %swap3A_702 : i32 to index
        %swap3A_705 = arith.index_cast %swap3A_703 : i32 to index
        %swap3A_706 = arith.index_cast %mul3A_449 : i32 to index
        %swap3A_707 = tpu.vector_load %arg10[%swap3A_704, %swap3A_705, %swap3A_706] {strides = array<i32>} : memref<4x4x1024xf32, #tpu.memory_space<vmem>>, vector<1x1x16xf32>,
        %swap3A_708 = vector.shape_cast %swap3A_707 : vector<1x1x16xf32> to vector<16xf32>
        %swap3A_709 = vector.shape_cast %add3A_701 : vector<16xf32> to vector<1x1x16xf32>
        tpu.vector_store %arg10[%swap3A_704, %swap3A_705, %swap3A_706], %swap3A_709 {strides = array<i32>} : memref<4x4x1024xf32, #tpu.memory_space<vmem>>, vector<1x1x16xf32>,
        %get3A_710 = arith.constant 3 : i32
        %get3A_711 = arith.constant 3 : i32
        %get3A_712 = arith.index_cast %get3A_710 : i32 to index
        %get3A_713 = arith.index_cast %get3A_711 : i32 to index
        %get3A_714 = arith.index_cast %mul3A_449 : i32 to index
        %get3A_715 = tpu.vector_load %arg6[%get3A_712, %get3A_713, %get3A_714] {strides = array<i32>} : memref<4x4x1024xf32, #tpu.memory_space<vmem>>, vector<1x1x16xf32>,
        %get3A_716 = vector.shape_cast %get3A_715 : vector<1x1x16xf32> to vector<16xf32>
        %add3A_717 = arith.addf %get3A_716, %get3A_661 : vector<16xf32>
        %swap3A_718 = arith.constant 3 : i32
        %swap3A_719 = arith.constant 3 : i32
        %swap3A_720 = arith.index_cast %swap3A_718 : i32 to index
        %swap3A_721 = arith.index_cast %swap3A_719 : i32 to index
        %swap3A_722 = arith.index_cast %mul3A_449 : i32 to index
        %swap3A_723 = tpu.vector_load %arg10[%swap3A_720, %swap3A_721, %swap3A_722] {strides = array<i32>} : memref<4x4x1024xf32, #tpu.memory_space<vmem>>, vector<1x1x16xf32>,
        %swap3A_724 = vector.shape_cast %swap3A_723 : vector<1x1x16xf32> to vector<16xf32>
        %swap3A_725 = vector.shape_cast %add3A_717 : vector<16xf32> to vector<1x1x16xf32>
        tpu.vector_store %arg10[%swap3A_720, %swap3A_721, %swap3A_722], %swap3A_725 {strides = array<i32>} : memref<4x4x1024xf32, #tpu.memory_space<vmem>>, vector<1x1x16xf32>,
        %scan3A_726 = arith.constant 2 : i32
        %scan3A_727 = arith.addi %scan3A_169, %scan3A_726 : i32
        %mul3A_728 = arith.constant 16 : i32
        %mul3A_729 = arith.muli %scan3A_727, %mul3A_728 : i32
        %get3A_730 = arith.constant 0 : i32
        %get3A_731 = arith.index_cast %get3A_730 : i32 to index
        %get3A_732 = arith.index_cast %mul3A_729 : i32 to index
        %get3A_733 = tpu.vector_load %arg8[%get3A_731, %get3A_732] {strides = array<i32>} : memref<4x1024xf32, #tpu.memory_space<vmem>>, vector<1x16xf32>,
        %get3A_734 = vector.shape_cast %get3A_733 : vector<1x16xf32> to vector<16xf32>
        %get3A_735 = arith.constant 0 : i32
        %get3A_736 = arith.constant 0 : i32
        %get3A_737 = arith.index_cast %get3A_735 : i32 to index
        %get3A_738 = arith.index_cast %get3A_736 : i32 to index
        %get3A_739 = arith.index_cast %mul3A_729 : i32 to index
        %get3A_740 = tpu.vector_load %arg6[%get3A_737, %get3A_738, %get3A_739] {strides = array<i32>} : memref<4x4x1024xf32, #tpu.memory_space<vmem>>, vector<1x1x16xf32>,
        %get3A_741 = vector.shape_cast %get3A_740 : vector<1x1x16xf32> to vector<16xf32>
        %add3A_742 = arith.addf %get3A_741, %get3A_734 : vector<16xf32>
        %swap3A_743 = arith.constant 0 : i32
        %swap3A_744 = arith.constant 0 : i32
        %swap3A_745 = arith.index_cast %swap3A_743 : i32 to index
        %swap3A_746 = arith.index_cast %swap3A_744 : i32 to index
        %swap3A_747 = arith.index_cast %mul3A_729 : i32 to index
        %swap3A_748 = tpu.vector_load %arg10[%swap3A_745, %swap3A_746, %swap3A_747] {strides = array<i32>} : memref<4x4x1024xf32, #tpu.memory_space<vmem>>, vector<1x1x16xf32>,
        %swap3A_749 = vector.shape_cast %swap3A_748 : vector<1x1x16xf32> to vector<16xf32>
        %swap3A_750 = vector.shape_cast %add3A_742 : vector<16xf32> to vector<1x1x16xf32>
        tpu.vector_store %arg10[%swap3A_745, %swap3A_746, %swap3A_747], %swap3A_750 {strides = array<i32>} : memref<4x4x1024xf32, #tpu.memory_space<vmem>>, vector<1x1x16xf32>,
        %get3A_751 = arith.constant 0 : i32
        %get3A_752 = arith.constant 1 : i32
        %get3A_753 = arith.index_cast %get3A_751 : i32 to index
        %get3A_754 = arith.index_cast %get3A_752 : i32 to index
        %get3A_755 = arith.index_cast %mul3A_729 : i32 to index
        %get3A_756 = tpu.vector_load %arg6[%get3A_753, %get3A_754, %get3A_755] {strides = array<i32>} : memref<4x4x1024xf32, #tpu.memory_space<vmem>>, vector<1x1x16xf32>,
        %get3A_757 = vector.shape_cast %get3A_756 : vector<1x1x16xf32> to vector<16xf32>
        %add3A_758 = arith.addf %get3A_757, %get3A_734 : vector<16xf32>
        %swap3A_759 = arith.constant 0 : i32
        %swap3A_760 = arith.constant 1 : i32
        %swap3A_761 = arith.index_cast %swap3A_759 : i32 to index
        %swap3A_762 = arith.index_cast %swap3A_760 : i32 to index
        %swap3A_763 = arith.index_cast %mul3A_729 : i32 to index
        %swap3A_764 = tpu.vector_load %arg10[%swap3A_761, %swap3A_762, %swap3A_763] {strides = array<i32>} : memref<4x4x1024xf32, #tpu.memory_space<vmem>>, vector<1x1x16xf32>,
        %swap3A_765 = vector.shape_cast %swap3A_764 : vector<1x1x16xf32> to vector<16xf32>
        %swap3A_766 = vector.shape_cast %add3A_758 : vector<16xf32> to vector<1x1x16xf32>
        tpu.vector_store %arg10[%swap3A_761, %swap3A_762, %swap3A_763], %swap3A_766 {strides = array<i32>} : memref<4x4x1024xf32, #tpu.memory_space<vmem>>, vector<1x1x16xf32>,
        %get3A_767 = arith.constant 0 : i32
        %get3A_768 = arith.constant 2 : i32
        %get3A_769 = arith.index_cast %get3A_767 : i32 to index
        %get3A_770 = arith.index_cast %get3A_768 : i32 to index
        %get3A_771 = arith.index_cast %mul3A_729 : i32 to index
        %get3A_772 = tpu.vector_load %arg6[%get3A_769, %get3A_770, %get3A_771] {strides = array<i32>} : memref<4x4x1024xf32, #tpu.memory_space<vmem>>, vector<1x1x16xf32>,
        %get3A_773 = vector.shape_cast %get3A_772 : vector<1x1x16xf32> to vector<16xf32>
        %add3A_774 = arith.addf %get3A_773, %get3A_734 : vector<16xf32>
        %swap3A_775 = arith.constant 0 : i32
        %swap3A_776 = arith.constant 2 : i32
        %swap3A_777 = arith.index_cast %swap3A_775 : i32 to index
        %swap3A_778 = arith.index_cast %swap3A_776 : i32 to index
        %swap3A_779 = arith.index_cast %mul3A_729 : i32 to index
        %swap3A_780 = tpu.vector_load %arg10[%swap3A_777, %swap3A_778, %swap3A_779] {strides = array<i32>} : memref<4x4x1024xf32, #tpu.memory_space<vmem>>, vector<1x1x16xf32>,
        %swap3A_781 = vector.shape_cast %swap3A_780 : vector<1x1x16xf32> to vector<16xf32>
        %swap3A_782 = vector.shape_cast %add3A_774 : vector<16xf32> to vector<1x1x16xf32>
        tpu.vector_store %arg10[%swap3A_777, %swap3A_778, %swap3A_779], %swap3A_782 {strides = array<i32>} : memref<4x4x1024xf32, #tpu.memory_space<vmem>>, vector<1x1x16xf32>,
        %get3A_783 = arith.constant 0 : i32
        %get3A_784 = arith.constant 3 : i32
        %get3A_785 = arith.index_cast %get3A_783 : i32 to index
        %get3A_786 = arith.index_cast %get3A_784 : i32 to index
        %get3A_787 = arith.index_cast %mul3A_729 : i32 to index
        %get3A_788 = tpu.vector_load %arg6[%get3A_785, %get3A_786, %get3A_787] {strides = array<i32>} : memref<4x4x1024xf32, #tpu.memory_space<vmem>>, vector<1x1x16xf32>,
        %get3A_789 = vector.shape_cast %get3A_788 : vector<1x1x16xf32> to vector<16xf32>
        %add3A_790 = arith.addf %get3A_789, %get3A_734 : vector<16xf32>
        %swap3A_791 = arith.constant 0 : i32
        %swap3A_792 = arith.constant 3 : i32
        %swap3A_793 = arith.index_cast %swap3A_791 : i32 to index
        %swap3A_794 = arith.index_cast %swap3A_792 : i32 to index
        %swap3A_795 = arith.index_cast %mul3A_729 : i32 to index
        %swap3A_796 = tpu.vector_load %arg10[%swap3A_793, %swap3A_794, %swap3A_795] {strides = array<i32>} : memref<4x4x1024xf32, #tpu.memory_space<vmem>>, vector<1x1x16xf32>,
        %swap3A_797 = vector.shape_cast %swap3A_796 : vector<1x1x16xf32> to vector<16xf32>
        %swap3A_798 = vector.shape_cast %add3A_790 : vector<16xf32> to vector<1x1x16xf32>
        tpu.vector_store %arg10[%swap3A_793, %swap3A_794, %swap3A_795], %swap3A_798 {strides = array<i32>} : memref<4x4x1024xf32, #tpu.memory_space<vmem>>, vector<1x1x16xf32>,
        %get3A_799 = arith.constant 1 : i32
        %get3A_800 = arith.index_cast %get3A_799 : i32 to index
        %get3A_801 = arith.index_cast %mul3A_729 : i32 to index
        %get3A_802 = tpu.vector_load %arg8[%get3A_800, %get3A_801] {strides = array<i32>} : memref<4x1024xf32, #tpu.memory_space<vmem>>, vector<1x16xf32>,
        %get3A_803 = vector.shape_cast %get3A_802 : vector<1x16xf32> to vector<16xf32>
        %get3A_804 = arith.constant 1 : i32
        %get3A_805 = arith.constant 0 : i32
        %get3A_806 = arith.index_cast %get3A_804 : i32 to index
        %get3A_807 = arith.index_cast %get3A_805 : i32 to index
        %get3A_808 = arith.index_cast %mul3A_729 : i32 to index
        %get3A_809 = tpu.vector_load %arg6[%get3A_806, %get3A_807, %get3A_808] {strides = array<i32>} : memref<4x4x1024xf32, #tpu.memory_space<vmem>>, vector<1x1x16xf32>,
        %get3A_810 = vector.shape_cast %get3A_809 : vector<1x1x16xf32> to vector<16xf32>
        %add3A_811 = arith.addf %get3A_810, %get3A_803 : vector<16xf32>
        %swap3A_812 = arith.constant 1 : i32
        %swap3A_813 = arith.constant 0 : i32
        %swap3A_814 = arith.index_cast %swap3A_812 : i32 to index
        %swap3A_815 = arith.index_cast %swap3A_813 : i32 to index
        %swap3A_816 = arith.index_cast %mul3A_729 : i32 to index
        %swap3A_817 = tpu.vector_load %arg10[%swap3A_814, %swap3A_815, %swap3A_816] {strides = array<i32>} : memref<4x4x1024xf32, #tpu.memory_space<vmem>>, vector<1x1x16xf32>,
        %swap3A_818 = vector.shape_cast %swap3A_817 : vector<1x1x16xf32> to vector<16xf32>
        %swap3A_819 = vector.shape_cast %add3A_811 : vector<16xf32> to vector<1x1x16xf32>
        tpu.vector_store %arg10[%swap3A_814, %swap3A_815, %swap3A_816], %swap3A_819 {strides = array<i32>} : memref<4x4x1024xf32, #tpu.memory_space<vmem>>, vector<1x1x16xf32>,
        %get3A_820 = arith.constant 1 : i32
        %get3A_821 = arith.constant 1 : i32
        %get3A_822 = arith.index_cast %get3A_820 : i32 to index
        %get3A_823 = arith.index_cast %get3A_821 : i32 to index
        %get3A_824 = arith.index_cast %mul3A_729 : i32 to index
        %get3A_825 = tpu.vector_load %arg6[%get3A_822, %get3A_823, %get3A_824] {strides = array<i32>} : memref<4x4x1024xf32, #tpu.memory_space<vmem>>, vector<1x1x16xf32>,
        %get3A_826 = vector.shape_cast %get3A_825 : vector<1x1x16xf32> to vector<16xf32>
        %add3A_827 = arith.addf %get3A_826, %get3A_803 : vector<16xf32>
        %swap3A_828 = arith.constant 1 : i32
        %swap3A_829 = arith.constant 1 : i32
        %swap3A_830 = arith.index_cast %swap3A_828 : i32 to index
        %swap3A_831 = arith.index_cast %swap3A_829 : i32 to index
        %swap3A_832 = arith.index_cast %mul3A_729 : i32 to index
        %swap3A_833 = tpu.vector_load %arg10[%swap3A_830, %swap3A_831, %swap3A_832] {strides = array<i32>} : memref<4x4x1024xf32, #tpu.memory_space<vmem>>, vector<1x1x16xf32>,
        %swap3A_834 = vector.shape_cast %swap3A_833 : vector<1x1x16xf32> to vector<16xf32>
        %swap3A_835 = vector.shape_cast %add3A_827 : vector<16xf32> to vector<1x1x16xf32>
        tpu.vector_store %arg10[%swap3A_830, %swap3A_831, %swap3A_832], %swap3A_835 {strides = array<i32>} : memref<4x4x1024xf32, #tpu.memory_space<vmem>>, vector<1x1x16xf32>,
        %get3A_836 = arith.constant 1 : i32
        %get3A_837 = arith.constant 2 : i32
        %get3A_838 = arith.index_cast %get3A_836 : i32 to index
        %get3A_839 = arith.index_cast %get3A_837 : i32 to index
        %get3A_840 = arith.index_cast %mul3A_729 : i32 to index
        %get3A_841 = tpu.vector_load %arg6[%get3A_838, %get3A_839, %get3A_840] {strides = array<i32>} : memref<4x4x1024xf32, #tpu.memory_space<vmem>>, vector<1x1x16xf32>,
        %get3A_842 = vector.shape_cast %get3A_841 : vector<1x1x16xf32> to vector<16xf32>
        %add3A_843 = arith.addf %get3A_842, %get3A_803 : vector<16xf32>
        %swap3A_844 = arith.constant 1 : i32
        %swap3A_845 = arith.constant 2 : i32
        %swap3A_846 = arith.index_cast %swap3A_844 : i32 to index
        %swap3A_847 = arith.index_cast %swap3A_845 : i32 to index
        %swap3A_848 = arith.index_cast %mul3A_729 : i32 to index
        %swap3A_849 = tpu.vector_load %arg10[%swap3A_846, %swap3A_847, %swap3A_848] {strides = array<i32>} : memref<4x4x1024xf32, #tpu.memory_space<vmem>>, vector<1x1x16xf32>,
        %swap3A_850 = vector.shape_cast %swap3A_849 : vector<1x1x16xf32> to vector<16xf32>
        %swap3A_851 = vector.shape_cast %add3A_843 : vector<16xf32> to vector<1x1x16xf32>
        tpu.vector_store %arg10[%swap3A_846, %swap3A_847, %swap3A_848], %swap3A_851 {strides = array<i32>} : memref<4x4x1024xf32, #tpu.memory_space<vmem>>, vector<1x1x16xf32>,
        %get3A_852 = arith.constant 1 : i32
        %get3A_853 = arith.constant 3 : i32
        %get3A_854 = arith.index_cast %get3A_852 : i32 to index
        %get3A_855 = arith.index_cast %get3A_853 : i32 to index
        %get3A_856 = arith.index_cast %mul3A_729 : i32 to index
        %get3A_857 = tpu.vector_load %arg6[%get3A_854, %get3A_855, %get3A_856] {strides = array<i32>} : memref<4x4x1024xf32, #tpu.memory_space<vmem>>, vector<1x1x16xf32>,
        %get3A_858 = vector.shape_cast %get3A_857 : vector<1x1x16xf32> to vector<16xf32>
        %add3A_859 = arith.addf %get3A_858, %get3A_803 : vector<16xf32>
        %swap3A_860 = arith.constant 1 : i32
        %swap3A_861 = arith.constant 3 : i32
        %swap3A_862 = arith.index_cast %swap3A_860 : i32 to index
        %swap3A_863 = arith.index_cast %swap3A_861 : i32 to index
        %swap3A_864 = arith.index_cast %mul3A_729 : i32 to index
        %swap3A_865 = tpu.vector_load %arg10[%swap3A_862, %swap3A_863, %swap3A_864] {strides = array<i32>} : memref<4x4x1024xf32, #tpu.memory_space<vmem>>, vector<1x1x16xf32>,
        %swap3A_866 = vector.shape_cast %swap3A_865 : vector<1x1x16xf32> to vector<16xf32>
        %swap3A_867 = vector.shape_cast %add3A_859 : vector<16xf32> to vector<1x1x16xf32>
        tpu.vector_store %arg10[%swap3A_862, %swap3A_863, %swap3A_864], %swap3A_867 {strides = array<i32>} : memref<4x4x1024xf32, #tpu.memory_space<vmem>>, vector<1x1x16xf32>,
        %get3A_868 = arith.constant 2 : i32
        %get3A_869 = arith.index_cast %get3A_868 : i32 to index
        %get3A_870 = arith.index_cast %mul3A_729 : i32 to index
        %get3A_871 = tpu.vector_load %arg8[%get3A_869, %get3A_870] {strides = array<i32>} : memref<4x1024xf32, #tpu.memory_space<vmem>>, vector<1x16xf32>,
        %get3A_872 = vector.shape_cast %get3A_871 : vector<1x16xf32> to vector<16xf32>
        %get3A_873 = arith.constant 2 : i32
        %get3A_874 = arith.constant 0 : i32
        %get3A_875 = arith.index_cast %get3A_873 : i32 to index
        %get3A_876 = arith.index_cast %get3A_874 : i32 to index
        %get3A_877 = arith.index_cast %mul3A_729 : i32 to index
        %get3A_878 = tpu.vector_load %arg6[%get3A_875, %get3A_876, %get3A_877] {strides = array<i32>} : memref<4x4x1024xf32, #tpu.memory_space<vmem>>, vector<1x1x16xf32>,
        %get3A_879 = vector.shape_cast %get3A_878 : vector<1x1x16xf32> to vector<16xf32>
        %add3A_880 = arith.addf %get3A_879, %get3A_872 : vector<16xf32>
        %swap3A_881 = arith.constant 2 : i32
        %swap3A_882 = arith.constant 0 : i32
        %swap3A_883 = arith.index_cast %swap3A_881 : i32 to index
        %swap3A_884 = arith.index_cast %swap3A_882 : i32 to index
        %swap3A_885 = arith.index_cast %mul3A_729 : i32 to index
        %swap3A_886 = tpu.vector_load %arg10[%swap3A_883, %swap3A_884, %swap3A_885] {strides = array<i32>} : memref<4x4x1024xf32, #tpu.memory_space<vmem>>, vector<1x1x16xf32>,
        %swap3A_887 = vector.shape_cast %swap3A_886 : vector<1x1x16xf32> to vector<16xf32>
        %swap3A_888 = vector.shape_cast %add3A_880 : vector<16xf32> to vector<1x1x16xf32>
        tpu.vector_store %arg10[%swap3A_883, %swap3A_884, %swap3A_885], %swap3A_888 {strides = array<i32>} : memref<4x4x1024xf32, #tpu.memory_space<vmem>>, vector<1x1x16xf32>,
        %get3A_889 = arith.constant 2 : i32
        %get3A_890 = arith.constant 1 : i32
        %get3A_891 = arith.index_cast %get3A_889 : i32 to index
        %get3A_892 = arith.index_cast %get3A_890 : i32 to index
        %get3A_893 = arith.index_cast %mul3A_729 : i32 to index
        %get3A_894 = tpu.vector_load %arg6[%get3A_891, %get3A_892, %get3A_893] {strides = array<i32>} : memref<4x4x1024xf32, #tpu.memory_space<vmem>>, vector<1x1x16xf32>,
        %get3A_895 = vector.shape_cast %get3A_894 : vector<1x1x16xf32> to vector<16xf32>
        %add3A_896 = arith.addf %get3A_895, %get3A_872 : vector<16xf32>
        %swap3A_897 = arith.constant 2 : i32
        %swap3A_898 = arith.constant 1 : i32
        %swap3A_899 = arith.index_cast %swap3A_897 : i32 to index
        %swap3A_900 = arith.index_cast %swap3A_898 : i32 to index
        %swap3A_901 = arith.index_cast %mul3A_729 : i32 to index
        %swap3A_902 = tpu.vector_load %arg10[%swap3A_899, %swap3A_900, %swap3A_901] {strides = array<i32>} : memref<4x4x1024xf32, #tpu.memory_space<vmem>>, vector<1x1x16xf32>,
        %swap3A_903 = vector.shape_cast %swap3A_902 : vector<1x1x16xf32> to vector<16xf32>
        %swap3A_904 = vector.shape_cast %add3A_896 : vector<16xf32> to vector<1x1x16xf32>
        tpu.vector_store %arg10[%swap3A_899, %swap3A_900, %swap3A_901], %swap3A_904 {strides = array<i32>} : memref<4x4x1024xf32, #tpu.memory_space<vmem>>, vector<1x1x16xf32>,
        %get3A_905 = arith.constant 2 : i32
        %get3A_906 = arith.constant 2 : i32
        %get3A_907 = arith.index_cast %get3A_905 : i32 to index
        %get3A_908 = arith.index_cast %get3A_906 : i32 to index
        %get3A_909 = arith.index_cast %mul3A_729 : i32 to index
        %get3A_910 = tpu.vector_load %arg6[%get3A_907, %get3A_908, %get3A_909] {strides = array<i32>} : memref<4x4x1024xf32, #tpu.memory_space<vmem>>, vector<1x1x16xf32>,
        %get3A_911 = vector.shape_cast %get3A_910 : vector<1x1x16xf32> to vector<16xf32>
        %add3A_912 = arith.addf %get3A_911, %get3A_872 : vector<16xf32>
        %swap3A_913 = arith.constant 2 : i32
        %swap3A_914 = arith.constant 2 : i32
        %swap3A_915 = arith.index_cast %swap3A_913 : i32 to index
        %swap3A_916 = arith.index_cast %swap3A_914 : i32 to index
        %swap3A_917 = arith.index_cast %mul3A_729 : i32 to index
        %swap3A_918 = tpu.vector_load %arg10[%swap3A_915, %swap3A_916, %swap3A_917] {strides = array<i32>} : memref<4x4x1024xf32, #tpu.memory_space<vmem>>, vector<1x1x16xf32>,
        %swap3A_919 = vector.shape_cast %swap3A_918 : vector<1x1x16xf32> to vector<16xf32>
        %swap3A_920 = vector.shape_cast %add3A_912 : vector<16xf32> to vector<1x1x16xf32>
        tpu.vector_store %arg10[%swap3A_915, %swap3A_916, %swap3A_917], %swap3A_920 {strides = array<i32>} : memref<4x4x1024xf32, #tpu.memory_space<vmem>>, vector<1x1x16xf32>,
        %get3A_921 = arith.constant 2 : i32
        %get3A_922 = arith.constant 3 : i32
        %get3A_923 = arith.index_cast %get3A_921 : i32 to index
        %get3A_924 = arith.index_cast %get3A_922 : i32 to index
        %get3A_925 = arith.index_cast %mul3A_729 : i32 to index
        %get3A_926 = tpu.vector_load %arg6[%get3A_923, %get3A_924, %get3A_925] {strides = array<i32>} : memref<4x4x1024xf32, #tpu.memory_space<vmem>>, vector<1x1x16xf32>,
        %get3A_927 = vector.shape_cast %get3A_926 : vector<1x1x16xf32> to vector<16xf32>
        %add3A_928 = arith.addf %get3A_927, %get3A_872 : vector<16xf32>
        %swap3A_929 = arith.constant 2 : i32
        %swap3A_930 = arith.constant 3 : i32
        %swap3A_931 = arith.index_cast %swap3A_929 : i32 to index
        %swap3A_932 = arith.index_cast %swap3A_930 : i32 to index
        %swap3A_933 = arith.index_cast %mul3A_729 : i32 to index
        %swap3A_934 = tpu.vector_load %arg10[%swap3A_931, %swap3A_932, %swap3A_933] {strides = array<i32>} : memref<4x4x1024xf32, #tpu.memory_space<vmem>>, vector<1x1x16xf32>,
        %swap3A_935 = vector.shape_cast %swap3A_934 : vector<1x1x16xf32> to vector<16xf32>
        %swap3A_936 = vector.shape_cast %add3A_928 : vector<16xf32> to vector<1x1x16xf32>
        tpu.vector_store %arg10[%swap3A_931, %swap3A_932, %swap3A_933], %swap3A_936 {strides = array<i32>} : memref<4x4x1024xf32, #tpu.memory_space<vmem>>, vector<1x1x16xf32>,
        %get3A_937 = arith.constant 3 : i32
        %get3A_938 = arith.index_cast %get3A_937 : i32 to index
        %get3A_939 = arith.index_cast %mul3A_729 : i32 to index
        %get3A_940 = tpu.vector_load %arg8[%get3A_938, %get3A_939] {strides = array<i32>} : memref<4x1024xf32, #tpu.memory_space<vmem>>, vector<1x16xf32>,
        %get3A_941 = vector.shape_cast %get3A_940 : vector<1x16xf32> to vector<16xf32>
        %get3A_942 = arith.constant 3 : i32
        %get3A_943 = arith.constant 0 : i32
        %get3A_944 = arith.index_cast %get3A_942 : i32 to index
        %get3A_945 = arith.index_cast %get3A_943 : i32 to index
        %get3A_946 = arith.index_cast %mul3A_729 : i32 to index
        %get3A_947 = tpu.vector_load %arg6[%get3A_944, %get3A_945, %get3A_946] {strides = array<i32>} : memref<4x4x1024xf32, #tpu.memory_space<vmem>>, vector<1x1x16xf32>,
        %get3A_948 = vector.shape_cast %get3A_947 : vector<1x1x16xf32> to vector<16xf32>
        %add3A_949 = arith.addf %get3A_948, %get3A_941 : vector<16xf32>
        %swap3A_950 = arith.constant 3 : i32
        %swap3A_951 = arith.constant 0 : i32
        %swap3A_952 = arith.index_cast %swap3A_950 : i32 to index
        %swap3A_953 = arith.index_cast %swap3A_951 : i32 to index
        %swap3A_954 = arith.index_cast %mul3A_729 : i32 to index
        %swap3A_955 = tpu.vector_load %arg10[%swap3A_952, %swap3A_953, %swap3A_954] {strides = array<i32>} : memref<4x4x1024xf32, #tpu.memory_space<vmem>>, vector<1x1x16xf32>,
        %swap3A_956 = vector.shape_cast %swap3A_955 : vector<1x1x16xf32> to vector<16xf32>
        %swap3A_957 = vector.shape_cast %add3A_949 : vector<16xf32> to vector<1x1x16xf32>
        tpu.vector_store %arg10[%swap3A_952, %swap3A_953, %swap3A_954], %swap3A_957 {strides = array<i32>} : memref<4x4x1024xf32, #tpu.memory_space<vmem>>, vector<1x1x16xf32>,
        %get3A_958 = arith.constant 3 : i32
        %get3A_959 = arith.constant 1 : i32
        %get3A_960 = arith.index_cast %get3A_958 : i32 to index
        %get3A_961 = arith.index_cast %get3A_959 : i32 to index
        %get3A_962 = arith.index_cast %mul3A_729 : i32 to index
        %get3A_963 = tpu.vector_load %arg6[%get3A_960, %get3A_961, %get3A_962] {strides = array<i32>} : memref<4x4x1024xf32, #tpu.memory_space<vmem>>, vector<1x1x16xf32>,
        %get3A_964 = vector.shape_cast %get3A_963 : vector<1x1x16xf32> to vector<16xf32>
        %add3A_965 = arith.addf %get3A_964, %get3A_941 : vector<16xf32>
        %swap3A_966 = arith.constant 3 : i32
        %swap3A_967 = arith.constant 1 : i32
        %swap3A_968 = arith.index_cast %swap3A_966 : i32 to index
        %swap3A_969 = arith.index_cast %swap3A_967 : i32 to index
        %swap3A_970 = arith.index_cast %mul3A_729 : i32 to index
        %swap3A_971 = tpu.vector_load %arg10[%swap3A_968, %swap3A_969, %swap3A_970] {strides = array<i32>} : memref<4x4x1024xf32, #tpu.memory_space<vmem>>, vector<1x1x16xf32>,
        %swap3A_972 = vector.shape_cast %swap3A_971 : vector<1x1x16xf32> to vector<16xf32>
        %swap3A_973 = vector.shape_cast %add3A_965 : vector<16xf32> to vector<1x1x16xf32>
        tpu.vector_store %arg10[%swap3A_968, %swap3A_969, %swap3A_970], %swap3A_973 {strides = array<i32>} : memref<4x4x1024xf32, #tpu.memory_space<vmem>>, vector<1x1x16xf32>,
        %get3A_974 = arith.constant 3 : i32
        %get3A_975 = arith.constant 2 : i32
        %get3A_976 = arith.index_cast %get3A_974 : i32 to index
        %get3A_977 = arith.index_cast %get3A_975 : i32 to index
        %get3A_978 = arith.index_cast %mul3A_729 : i32 to index
        %get3A_979 = tpu.vector_load %arg6[%get3A_976, %get3A_977, %get3A_978] {strides = array<i32>} : memref<4x4x1024xf32, #tpu.memory_space<vmem>>, vector<1x1x16xf32>,
        %get3A_980 = vector.shape_cast %get3A_979 : vector<1x1x16xf32> to vector<16xf32>
        %add3A_981 = arith.addf %get3A_980, %get3A_941 : vector<16xf32>
        %swap3A_982 = arith.constant 3 : i32
        %swap3A_983 = arith.constant 2 : i32
        %swap3A_984 = arith.index_cast %swap3A_982 : i32 to index
        %swap3A_985 = arith.index_cast %swap3A_983 : i32 to index
        %swap3A_986 = arith.index_cast %mul3A_729 : i32 to index
        %swap3A_987 = tpu.vector_load %arg10[%swap3A_984, %swap3A_985, %swap3A_986] {strides = array<i32>} : memref<4x4x1024xf32, #tpu.memory_space<vmem>>, vector<1x1x16xf32>,
        %swap3A_988 = vector.shape_cast %swap3A_987 : vector<1x1x16xf32> to vector<16xf32>
        %swap3A_989 = vector.shape_cast %add3A_981 : vector<16xf32> to vector<1x1x16xf32>
        tpu.vector_store %arg10[%swap3A_984, %swap3A_985, %swap3A_986], %swap3A_989 {strides = array<i32>} : memref<4x4x1024xf32, #tpu.memory_space<vmem>>, vector<1x1x16xf32>,
        %get3A_990 = arith.constant 3 : i32
        %get3A_991 = arith.constant 3 : i32
        %get3A_992 = arith.index_cast %get3A_990 : i32 to index
        %get3A_993 = arith.index_cast %get3A_991 : i32 to index
        %get3A_994 = arith.index_cast %mul3A_729 : i32 to index
        %get3A_995 = tpu.vector_load %arg6[%get3A_992, %get3A_993, %get3A_994] {strides = array<i32>} : memref<4x4x1024xf32, #tpu.memory_space<vmem>>, vector<1x1x16xf32>,
        %get3A_996 = vector.shape_cast %get3A_995 : vector<1x1x16xf32> to vector<16xf32>
        %add3A_997 = arith.addf %get3A_996, %get3A_941 : vector<16xf32>
        %swap3A_998 = arith.constant 3 : i32
        %swap3A_999 = arith.constant 3 : i32
        %swap3A_1000 = arith.index_cast %swap3A_998 : i32 to index
        %swap3A_1001 = arith.index_cast %swap3A_999 : i32 to index
        %swap3A_1002 = arith.index_cast %mul3A_729 : i32 to index
        %swap3A_1003 = tpu.vector_load %arg10[%swap3A_1000, %swap3A_1001, %swap3A_1002] {strides = array<i32>} : memref<4x4x1024xf32, #tpu.memory_space<vmem>>, vector<1x1x16xf32>,
        %swap3A_1004 = vector.shape_cast %swap3A_1003 : vector<1x1x16xf32> to vector<16xf32>
        %swap3A_1005 = vector.shape_cast %add3A_997 : vector<16xf32> to vector<1x1x16xf32>
        tpu.vector_store %arg10[%swap3A_1000, %swap3A_1001, %swap3A_1002], %swap3A_1005 {strides = array<i32>} : memref<4x4x1024xf32, #tpu.memory_space<vmem>>, vector<1x1x16xf32>,
        %scan3A_1006 = arith.constant 3 : i32
        %scan3A_1007 = arith.addi %scan3A_169, %scan3A_1006 : i32
        %mul3A_1008 = arith.constant 16 : i32
        %mul3A_1009 = arith.muli %scan3A_1007, %mul3A_1008 : i32
        %get3A_1010 = arith.constant 0 : i32
        %get3A_1011 = arith.index_cast %get3A_1010 : i32 to index
        %get3A_1012 = arith.index_cast %mul3A_1009 : i32 to index
        %get3A_1013 = tpu.vector_load %arg8[%get3A_1011, %get3A_1012] {strides = array<i32>} : memref<4x1024xf32, #tpu.memory_space<vmem>>, vector<1x16xf32>,
        %get3A_1014 = vector.shape_cast %get3A_1013 : vector<1x16xf32> to vector<16xf32>
        %get3A_1015 = arith.constant 0 : i32
        %get3A_1016 = arith.constant 0 : i32
        %get3A_1017 = arith.index_cast %get3A_1015 : i32 to index
        %get3A_1018 = arith.index_cast %get3A_1016 : i32 to index
        %get3A_1019 = arith.index_cast %mul3A_1009 : i32 to index
        %get3A_1020 = tpu.vector_load %arg6[%get3A_1017, %get3A_1018, %get3A_1019] {strides = array<i32>} : memref<4x4x1024xf32, #tpu.memory_space<vmem>>, vector<1x1x16xf32>,
        %get3A_1021 = vector.shape_cast %get3A_1020 : vector<1x1x16xf32> to vector<16xf32>
        %add3A_1022 = arith.addf %get3A_1021, %get3A_1014 : vector<16xf32>
        %swap3A_1023 = arith.constant 0 : i32
        %swap3A_1024 = arith.constant 0 : i32
        %swap3A_1025 = arith.index_cast %swap3A_1023 : i32 to index
        %swap3A_1026 = arith.index_cast %swap3A_1024 : i32 to index
        %swap3A_1027 = arith.index_cast %mul3A_1009 : i32 to index
        %swap3A_1028 = tpu.vector_load %arg10[%swap3A_1025, %swap3A_1026, %swap3A_1027] {strides = array<i32>} : memref<4x4x1024xf32, #tpu.memory_space<vmem>>, vector<1x1x16xf32>,
        %swap3A_1029 = vector.shape_cast %swap3A_1028 : vector<1x1x16xf32> to vector<16xf32>
        %swap3A_1030 = vector.shape_cast %add3A_1022 : vector<16xf32> to vector<1x1x16xf32>
        tpu.vector_store %arg10[%swap3A_1025, %swap3A_1026, %swap3A_1027], %swap3A_1030 {strides = array<i32>} : memref<4x4x1024xf32, #tpu.memory_space<vmem>>, vector<1x1x16xf32>,
        %get3A_1031 = arith.constant 0 : i32
        %get3A_1032 = arith.constant 1 : i32
        %get3A_1033 = arith.index_cast %get3A_1031 : i32 to index
        %get3A_1034 = arith.index_cast %get3A_1032 : i32 to index
        %get3A_1035 = arith.index_cast %mul3A_1009 : i32 to index
        %get3A_1036 = tpu.vector_load %arg6[%get3A_1033, %get3A_1034, %get3A_1035] {strides = array<i32>} : memref<4x4x1024xf32, #tpu.memory_space<vmem>>, vector<1x1x16xf32>,
        %get3A_1037 = vector.shape_cast %get3A_1036 : vector<1x1x16xf32> to vector<16xf32>
        %add3A_1038 = arith.addf %get3A_1037, %get3A_1014 : vector<16xf32>
        %swap3A_1039 = arith.constant 0 : i32
        %swap3A_1040 = arith.constant 1 : i32
        %swap3A_1041 = arith.index_cast %swap3A_1039 : i32 to index
        %swap3A_1042 = arith.index_cast %swap3A_1040 : i32 to index
        %swap3A_1043 = arith.index_cast %mul3A_1009 : i32 to index
        %swap3A_1044 = tpu.vector_load %arg10[%swap3A_1041, %swap3A_1042, %swap3A_1043] {strides = array<i32>} : memref<4x4x1024xf32, #tpu.memory_space<vmem>>, vector<1x1x16xf32>,
        %swap3A_1045 = vector.shape_cast %swap3A_1044 : vector<1x1x16xf32> to vector<16xf32>
        %swap3A_1046 = vector.shape_cast %add3A_1038 : vector<16xf32> to vector<1x1x16xf32>
        tpu.vector_store %arg10[%swap3A_1041, %swap3A_1042, %swap3A_1043], %swap3A_1046 {strides = array<i32>} : memref<4x4x1024xf32, #tpu.memory_space<vmem>>, vector<1x1x16xf32>,
        %get3A_1047 = arith.constant 0 : i32
        %get3A_1048 = arith.constant 2 : i32
        %get3A_1049 = arith.index_cast %get3A_1047 : i32 to index
        %get3A_1050 = arith.index_cast %get3A_1048 : i32 to index
        %get3A_1051 = arith.index_cast %mul3A_1009 : i32 to index
        %get3A_1052 = tpu.vector_load %arg6[%get3A_1049, %get3A_1050, %get3A_1051] {strides = array<i32>} : memref<4x4x1024xf32, #tpu.memory_space<vmem>>, vector<1x1x16xf32>,
        %get3A_1053 = vector.shape_cast %get3A_1052 : vector<1x1x16xf32> to vector<16xf32>
        %add3A_1054 = arith.addf %get3A_1053, %get3A_1014 : vector<16xf32>
        %swap3A_1055 = arith.constant 0 : i32
        %swap3A_1056 = arith.constant 2 : i32
        %swap3A_1057 = arith.index_cast %swap3A_1055 : i32 to index
        %swap3A_1058 = arith.index_cast %swap3A_1056 : i32 to index
        %swap3A_1059 = arith.index_cast %mul3A_1009 : i32 to index
        %swap3A_1060 = tpu.vector_load %arg10[%swap3A_1057, %swap3A_1058, %swap3A_1059] {strides = array<i32>} : memref<4x4x1024xf32, #tpu.memory_space<vmem>>, vector<1x1x16xf32>,
        %swap3A_1061 = vector.shape_cast %swap3A_1060 : vector<1x1x16xf32> to vector<16xf32>
        %swap3A_1062 = vector.shape_cast %add3A_1054 : vector<16xf32> to vector<1x1x16xf32>
        tpu.vector_store %arg10[%swap3A_1057, %swap3A_1058, %swap3A_1059], %swap3A_1062 {strides = array<i32>} : memref<4x4x1024xf32, #tpu.memory_space<vmem>>, vector<1x1x16xf32>,
        %get3A_1063 = arith.constant 0 : i32
        %get3A_1064 = arith.constant 3 : i32
        %get3A_1065 = arith.index_cast %get3A_1063 : i32 to index
        %get3A_1066 = arith.index_cast %get3A_1064 : i32 to index
        %get3A_1067 = arith.index_cast %mul3A_1009 : i32 to index
        %get3A_1068 = tpu.vector_load %arg6[%get3A_1065, %get3A_1066, %get3A_1067] {strides = array<i32>} : memref<4x4x1024xf32, #tpu.memory_space<vmem>>, vector<1x1x16xf32>,
        %get3A_1069 = vector.shape_cast %get3A_1068 : vector<1x1x16xf32> to vector<16xf32>
        %add3A_1070 = arith.addf %get3A_1069, %get3A_1014 : vector<16xf32>
        %swap3A_1071 = arith.constant 0 : i32
        %swap3A_1072 = arith.constant 3 : i32
        %swap3A_1073 = arith.index_cast %swap3A_1071 : i32 to index
        %swap3A_1074 = arith.index_cast %swap3A_1072 : i32 to index
        %swap3A_1075 = arith.index_cast %mul3A_1009 : i32 to index
        %swap3A_1076 = tpu.vector_load %arg10[%swap3A_1073, %swap3A_1074, %swap3A_1075] {strides = array<i32>} : memref<4x4x1024xf32, #tpu.memory_space<vmem>>, vector<1x1x16xf32>,
        %swap3A_1077 = vector.shape_cast %swap3A_1076 : vector<1x1x16xf32> to vector<16xf32>
        %swap3A_1078 = vector.shape_cast %add3A_1070 : vector<16xf32> to vector<1x1x16xf32>
        tpu.vector_store %arg10[%swap3A_1073, %swap3A_1074, %swap3A_1075], %swap3A_1078 {strides = array<i32>} : memref<4x4x1024xf32, #tpu.memory_space<vmem>>, vector<1x1x16xf32>,
        %get3A_1079 = arith.constant 1 : i32
        %get3A_1080 = arith.index_cast %get3A_1079 : i32 to index
        %get3A_1081 = arith.index_cast %mul3A_1009 : i32 to index
        %get3A_1082 = tpu.vector_load %arg8[%get3A_1080, %get3A_1081] {strides = array<i32>} : memref<4x1024xf32, #tpu.memory_space<vmem>>, vector<1x16xf32>,
        %get3A_1083 = vector.shape_cast %get3A_1082 : vector<1x16xf32> to vector<16xf32>
        %get3A_1084 = arith.constant 1 : i32
        %get3A_1085 = arith.constant 0 : i32
        %get3A_1086 = arith.index_cast %get3A_1084 : i32 to index
        %get3A_1087 = arith.index_cast %get3A_1085 : i32 to index
        %get3A_1088 = arith.index_cast %mul3A_1009 : i32 to index
        %get3A_1089 = tpu.vector_load %arg6[%get3A_1086, %get3A_1087, %get3A_1088] {strides = array<i32>} : memref<4x4x1024xf32, #tpu.memory_space<vmem>>, vector<1x1x16xf32>,
        %get3A_1090 = vector.shape_cast %get3A_1089 : vector<1x1x16xf32> to vector<16xf32>
        %add3A_1091 = arith.addf %get3A_1090, %get3A_1083 : vector<16xf32>
        %swap3A_1092 = arith.constant 1 : i32
        %swap3A_1093 = arith.constant 0 : i32
        %swap3A_1094 = arith.index_cast %swap3A_1092 : i32 to index
        %swap3A_1095 = arith.index_cast %swap3A_1093 : i32 to index
        %swap3A_1096 = arith.index_cast %mul3A_1009 : i32 to index
        %swap3A_1097 = tpu.vector_load %arg10[%swap3A_1094, %swap3A_1095, %swap3A_1096] {strides = array<i32>} : memref<4x4x1024xf32, #tpu.memory_space<vmem>>, vector<1x1x16xf32>,
        %swap3A_1098 = vector.shape_cast %swap3A_1097 : vector<1x1x16xf32> to vector<16xf32>
        %swap3A_1099 = vector.shape_cast %add3A_1091 : vector<16xf32> to vector<1x1x16xf32>
        tpu.vector_store %arg10[%swap3A_1094, %swap3A_1095, %swap3A_1096], %swap3A_1099 {strides = array<i32>} : memref<4x4x1024xf32, #tpu.memory_space<vmem>>, vector<1x1x16xf32>,
        %get3A_1100 = arith.constant 1 : i32
        %get3A_1101 = arith.constant 1 : i32
        %get3A_1102 = arith.index_cast %get3A_1100 : i32 to index
        %get3A_1103 = arith.index_cast %get3A_1101 : i32 to index
        %get3A_1104 = arith.index_cast %mul3A_1009 : i32 to index
        %get3A_1105 = tpu.vector_load %arg6[%get3A_1102, %get3A_1103, %get3A_1104] {strides = array<i32>} : memref<4x4x1024xf32, #tpu.memory_space<vmem>>, vector<1x1x16xf32>,
        %get3A_1106 = vector.shape_cast %get3A_1105 : vector<1x1x16xf32> to vector<16xf32>
        %add3A_1107 = arith.addf %get3A_1106, %get3A_1083 : vector<16xf32>
        %swap3A_1108 = arith.constant 1 : i32
        %swap3A_1109 = arith.constant 1 : i32
        %swap3A_1110 = arith.index_cast %swap3A_1108 : i32 to index
        %swap3A_1111 = arith.index_cast %swap3A_1109 : i32 to index
        %swap3A_1112 = arith.index_cast %mul3A_1009 : i32 to index
        %swap3A_1113 = tpu.vector_load %arg10[%swap3A_1110, %swap3A_1111, %swap3A_1112] {strides = array<i32>} : memref<4x4x1024xf32, #tpu.memory_space<vmem>>, vector<1x1x16xf32>,
        %swap3A_1114 = vector.shape_cast %swap3A_1113 : vector<1x1x16xf32> to vector<16xf32>
        %swap3A_1115 = vector.shape_cast %add3A_1107 : vector<16xf32> to vector<1x1x16xf32>
        tpu.vector_store %arg10[%swap3A_1110, %swap3A_1111, %swap3A_1112], %swap3A_1115 {strides = array<i32>} : memref<4x4x1024xf32, #tpu.memory_space<vmem>>, vector<1x1x16xf32>,
        %get3A_1116 = arith.constant 1 : i32
        %get3A_1117 = arith.constant 2 : i32
        %get3A_1118 = arith.index_cast %get3A_1116 : i32 to index
        %get3A_1119 = arith.index_cast %get3A_1117 : i32 to index
        %get3A_1120 = arith.index_cast %mul3A_1009 : i32 to index
        %get3A_1121 = tpu.vector_load %arg6[%get3A_1118, %get3A_1119, %get3A_1120] {strides = array<i32>} : memref<4x4x1024xf32, #tpu.memory_space<vmem>>, vector<1x1x16xf32>,
        %get3A_1122 = vector.shape_cast %get3A_1121 : vector<1x1x16xf32> to vector<16xf32>
        %add3A_1123 = arith.addf %get3A_1122, %get3A_1083 : vector<16xf32>
        %swap3A_1124 = arith.constant 1 : i32
        %swap3A_1125 = arith.constant 2 : i32
        %swap3A_1126 = arith.index_cast %swap3A_1124 : i32 to index
        %swap3A_1127 = arith.index_cast %swap3A_1125 : i32 to index
        %swap3A_1128 = arith.index_cast %mul3A_1009 : i32 to index
        %swap3A_1129 = tpu.vector_load %arg10[%swap3A_1126, %swap3A_1127, %swap3A_1128] {strides = array<i32>} : memref<4x4x1024xf32, #tpu.memory_space<vmem>>, vector<1x1x16xf32>,
        %swap3A_1130 = vector.shape_cast %swap3A_1129 : vector<1x1x16xf32> to vector<16xf32>
        %swap3A_1131 = vector.shape_cast %add3A_1123 : vector<16xf32> to vector<1x1x16xf32>
        tpu.vector_store %arg10[%swap3A_1126, %swap3A_1127, %swap3A_1128], %swap3A_1131 {strides = array<i32>} : memref<4x4x1024xf32, #tpu.memory_space<vmem>>, vector<1x1x16xf32>,
        %get3A_1132 = arith.constant 1 : i32
        %get3A_1133 = arith.constant 3 : i32
        %get3A_1134 = arith.index_cast %get3A_1132 : i32 to index
        %get3A_1135 = arith.index_cast %get3A_1133 : i32 to index
        %get3A_1136 = arith.index_cast %mul3A_1009 : i32 to index
        %get3A_1137 = tpu.vector_load %arg6[%get3A_1134, %get3A_1135, %get3A_1136] {strides = array<i32>} : memref<4x4x1024xf32, #tpu.memory_space<vmem>>, vector<1x1x16xf32>,
        %get3A_1138 = vector.shape_cast %get3A_1137 : vector<1x1x16xf32> to vector<16xf32>
        %add3A_1139 = arith.addf %get3A_1138, %get3A_1083 : vector<16xf32>
        %swap3A_1140 = arith.constant 1 : i32
        %swap3A_1141 = arith.constant 3 : i32
        %swap3A_1142 = arith.index_cast %swap3A_1140 : i32 to index
        %swap3A_1143 = arith.index_cast %swap3A_1141 : i32 to index
        %swap3A_1144 = arith.index_cast %mul3A_1009 : i32 to index
        %swap3A_1145 = tpu.vector_load %arg10[%swap3A_1142, %swap3A_1143, %swap3A_1144] {strides = array<i32>} : memref<4x4x1024xf32, #tpu.memory_space<vmem>>, vector<1x1x16xf32>,
        %swap3A_1146 = vector.shape_cast %swap3A_1145 : vector<1x1x16xf32> to vector<16xf32>
        %swap3A_1147 = vector.shape_cast %add3A_1139 : vector<16xf32> to vector<1x1x16xf32>
        tpu.vector_store %arg10[%swap3A_1142, %swap3A_1143, %swap3A_1144], %swap3A_1147 {strides = array<i32>} : memref<4x4x1024xf32, #tpu.memory_space<vmem>>, vector<1x1x16xf32>,
        %get3A_1148 = arith.constant 2 : i32
        %get3A_1149 = arith.index_cast %get3A_1148 : i32 to index
        %get3A_1150 = arith.index_cast %mul3A_1009 : i32 to index
        %get3A_1151 = tpu.vector_load %arg8[%get3A_1149, %get3A_1150] {strides = array<i32>} : memref<4x1024xf32, #tpu.memory_space<vmem>>, vector<1x16xf32>,
        %get3A_1152 = vector.shape_cast %get3A_1151 : vector<1x16xf32> to vector<16xf32>
        %get3A_1153 = arith.constant 2 : i32
        %get3A_1154 = arith.constant 0 : i32
        %get3A_1155 = arith.index_cast %get3A_1153 : i32 to index
        %get3A_1156 = arith.index_cast %get3A_1154 : i32 to index
        %get3A_1157 = arith.index_cast %mul3A_1009 : i32 to index
        %get3A_1158 = tpu.vector_load %arg6[%get3A_1155, %get3A_1156, %get3A_1157] {strides = array<i32>} : memref<4x4x1024xf32, #tpu.memory_space<vmem>>, vector<1x1x16xf32>,
        %get3A_1159 = vector.shape_cast %get3A_1158 : vector<1x1x16xf32> to vector<16xf32>
        %add3A_1160 = arith.addf %get3A_1159, %get3A_1152 : vector<16xf32>
        %swap3A_1161 = arith.constant 2 : i32
        %swap3A_1162 = arith.constant 0 : i32
        %swap3A_1163 = arith.index_cast %swap3A_1161 : i32 to index
        %swap3A_1164 = arith.index_cast %swap3A_1162 : i32 to index
        %swap3A_1165 = arith.index_cast %mul3A_1009 : i32 to index
        %swap3A_1166 = tpu.vector_load %arg10[%swap3A_1163, %swap3A_1164, %swap3A_1165] {strides = array<i32>} : memref<4x4x1024xf32, #tpu.memory_space<vmem>>, vector<1x1x16xf32>,
        %swap3A_1167 = vector.shape_cast %swap3A_1166 : vector<1x1x16xf32> to vector<16xf32>
        %swap3A_1168 = vector.shape_cast %add3A_1160 : vector<16xf32> to vector<1x1x16xf32>
        tpu.vector_store %arg10[%swap3A_1163, %swap3A_1164, %swap3A_1165], %swap3A_1168 {strides = array<i32>} : memref<4x4x1024xf32, #tpu.memory_space<vmem>>, vector<1x1x16xf32>,
        %get3A_1169 = arith.constant 2 : i32
        %get3A_1170 = arith.constant 1 : i32
        %get3A_1171 = arith.index_cast %get3A_1169 : i32 to index
        %get3A_1172 = arith.index_cast %get3A_1170 : i32 to index
        %get3A_1173 = arith.index_cast %mul3A_1009 : i32 to index
        %get3A_1174 = tpu.vector_load %arg6[%get3A_1171, %get3A_1172, %get3A_1173] {strides = array<i32>} : memref<4x4x1024xf32, #tpu.memory_space<vmem>>, vector<1x1x16xf32>,
        %get3A_1175 = vector.shape_cast %get3A_1174 : vector<1x1x16xf32> to vector<16xf32>
        %add3A_1176 = arith.addf %get3A_1175, %get3A_1152 : vector<16xf32>
        %swap3A_1177 = arith.constant 2 : i32
        %swap3A_1178 = arith.constant 1 : i32
        %swap3A_1179 = arith.index_cast %swap3A_1177 : i32 to index
        %swap3A_1180 = arith.index_cast %swap3A_1178 : i32 to index
        %swap3A_1181 = arith.index_cast %mul3A_1009 : i32 to index
        %swap3A_1182 = tpu.vector_load %arg10[%swap3A_1179, %swap3A_1180, %swap3A_1181] {strides = array<i32>} : memref<4x4x1024xf32, #tpu.memory_space<vmem>>, vector<1x1x16xf32>,
        %swap3A_1183 = vector.shape_cast %swap3A_1182 : vector<1x1x16xf32> to vector<16xf32>
        %swap3A_1184 = vector.shape_cast %add3A_1176 : vector<16xf32> to vector<1x1x16xf32>
        tpu.vector_store %arg10[%swap3A_1179, %swap3A_1180, %swap3A_1181], %swap3A_1184 {strides = array<i32>} : memref<4x4x1024xf32, #tpu.memory_space<vmem>>, vector<1x1x16xf32>,
        %get3A_1185 = arith.constant 2 : i32
        %get3A_1186 = arith.constant 2 : i32
        %get3A_1187 = arith.index_cast %get3A_1185 : i32 to index
        %get3A_1188 = arith.index_cast %get3A_1186 : i32 to index
        %get3A_1189 = arith.index_cast %mul3A_1009 : i32 to index
        %get3A_1190 = tpu.vector_load %arg6[%get3A_1187, %get3A_1188, %get3A_1189] {strides = array<i32>} : memref<4x4x1024xf32, #tpu.memory_space<vmem>>, vector<1x1x16xf32>,
        %get3A_1191 = vector.shape_cast %get3A_1190 : vector<1x1x16xf32> to vector<16xf32>
        %add3A_1192 = arith.addf %get3A_1191, %get3A_1152 : vector<16xf32>
        %swap3A_1193 = arith.constant 2 : i32
        %swap3A_1194 = arith.constant 2 : i32
        %swap3A_1195 = arith.index_cast %swap3A_1193 : i32 to index
        %swap3A_1196 = arith.index_cast %swap3A_1194 : i32 to index
        %swap3A_1197 = arith.index_cast %mul3A_1009 : i32 to index
        %swap3A_1198 = tpu.vector_load %arg10[%swap3A_1195, %swap3A_1196, %swap3A_1197] {strides = array<i32>} : memref<4x4x1024xf32, #tpu.memory_space<vmem>>, vector<1x1x16xf32>,
        %swap3A_1199 = vector.shape_cast %swap3A_1198 : vector<1x1x16xf32> to vector<16xf32>
        %swap3A_1200 = vector.shape_cast %add3A_1192 : vector<16xf32> to vector<1x1x16xf32>
        tpu.vector_store %arg10[%swap3A_1195, %swap3A_1196, %swap3A_1197], %swap3A_1200 {strides = array<i32>} : memref<4x4x1024xf32, #tpu.memory_space<vmem>>, vector<1x1x16xf32>,
        %get3A_1201 = arith.constant 2 : i32
        %get3A_1202 = arith.constant 3 : i32
        %get3A_1203 = arith.index_cast %get3A_1201 : i32 to index
        %get3A_1204 = arith.index_cast %get3A_1202 : i32 to index
        %get3A_1205 = arith.index_cast %mul3A_1009 : i32 to index
        %get3A_1206 = tpu.vector_load %arg6[%get3A_1203, %get3A_1204, %get3A_1205] {strides = array<i32>} : memref<4x4x1024xf32, #tpu.memory_space<vmem>>, vector<1x1x16xf32>,
        %get3A_1207 = vector.shape_cast %get3A_1206 : vector<1x1x16xf32> to vector<16xf32>
        %add3A_1208 = arith.addf %get3A_1207, %get3A_1152 : vector<16xf32>
        %swap3A_1209 = arith.constant 2 : i32
        %swap3A_1210 = arith.constant 3 : i32
        %swap3A_1211 = arith.index_cast %swap3A_1209 : i32 to index
        %swap3A_1212 = arith.index_cast %swap3A_1210 : i32 to index
        %swap3A_1213 = arith.index_cast %mul3A_1009 : i32 to index
        %swap3A_1214 = tpu.vector_load %arg10[%swap3A_1211, %swap3A_1212, %swap3A_1213] {strides = array<i32>} : memref<4x4x1024xf32, #tpu.memory_space<vmem>>, vector<1x1x16xf32>,
        %swap3A_1215 = vector.shape_cast %swap3A_1214 : vector<1x1x16xf32> to vector<16xf32>
        %swap3A_1216 = vector.shape_cast %add3A_1208 : vector<16xf32> to vector<1x1x16xf32>
        tpu.vector_store %arg10[%swap3A_1211, %swap3A_1212, %swap3A_1213], %swap3A_1216 {strides = array<i32>} : memref<4x4x1024xf32, #tpu.memory_space<vmem>>, vector<1x1x16xf32>,
        %get3A_1217 = arith.constant 3 : i32
        %get3A_1218 = arith.index_cast %get3A_1217 : i32 to index
        %get3A_1219 = arith.index_cast %mul3A_1009 : i32 to index
        %get3A_1220 = tpu.vector_load %arg8[%get3A_1218, %get3A_1219] {strides = array<i32>} : memref<4x1024xf32, #tpu.memory_space<vmem>>, vector<1x16xf32>,
        %get3A_1221 = vector.shape_cast %get3A_1220 : vector<1x16xf32> to vector<16xf32>
        %get3A_1222 = arith.constant 3 : i32
        %get3A_1223 = arith.constant 0 : i32
        %get3A_1224 = arith.index_cast %get3A_1222 : i32 to index
        %get3A_1225 = arith.index_cast %get3A_1223 : i32 to index
        %get3A_1226 = arith.index_cast %mul3A_1009 : i32 to index
        %get3A_1227 = tpu.vector_load %arg6[%get3A_1224, %get3A_1225, %get3A_1226] {strides = array<i32>} : memref<4x4x1024xf32, #tpu.memory_space<vmem>>, vector<1x1x16xf32>,
        %get3A_1228 = vector.shape_cast %get3A_1227 : vector<1x1x16xf32> to vector<16xf32>
        %add3A_1229 = arith.addf %get3A_1228, %get3A_1221 : vector<16xf32>
        %swap3A_1230 = arith.constant 3 : i32
        %swap3A_1231 = arith.constant 0 : i32
        %swap3A_1232 = arith.index_cast %swap3A_1230 : i32 to index
        %swap3A_1233 = arith.index_cast %swap3A_1231 : i32 to index
        %swap3A_1234 = arith.index_cast %mul3A_1009 : i32 to index
        %swap3A_1235 = tpu.vector_load %arg10[%swap3A_1232, %swap3A_1233, %swap3A_1234] {strides = array<i32>} : memref<4x4x1024xf32, #tpu.memory_space<vmem>>, vector<1x1x16xf32>,
        %swap3A_1236 = vector.shape_cast %swap3A_1235 : vector<1x1x16xf32> to vector<16xf32>
        %swap3A_1237 = vector.shape_cast %add3A_1229 : vector<16xf32> to vector<1x1x16xf32>
        tpu.vector_store %arg10[%swap3A_1232, %swap3A_1233, %swap3A_1234], %swap3A_1237 {strides = array<i32>} : memref<4x4x1024xf32, #tpu.memory_space<vmem>>, vector<1x1x16xf32>,
        %get3A_1238 = arith.constant 3 : i32
        %get3A_1239 = arith.constant 1 : i32
        %get3A_1240 = arith.index_cast %get3A_1238 : i32 to index
        %get3A_1241 = arith.index_cast %get3A_1239 : i32 to index
        %get3A_1242 = arith.index_cast %mul3A_1009 : i32 to index
        %get3A_1243 = tpu.vector_load %arg6[%get3A_1240, %get3A_1241, %get3A_1242] {strides = array<i32>} : memref<4x4x1024xf32, #tpu.memory_space<vmem>>, vector<1x1x16xf32>,
        %get3A_1244 = vector.shape_cast %get3A_1243 : vector<1x1x16xf32> to vector<16xf32>
        %add3A_1245 = arith.addf %get3A_1244, %get3A_1221 : vector<16xf32>
        %swap3A_1246 = arith.constant 3 : i32
        %swap3A_1247 = arith.constant 1 : i32
        %swap3A_1248 = arith.index_cast %swap3A_1246 : i32 to index
        %swap3A_1249 = arith.index_cast %swap3A_1247 : i32 to index
        %swap3A_1250 = arith.index_cast %mul3A_1009 : i32 to index
        %swap3A_1251 = tpu.vector_load %arg10[%swap3A_1248, %swap3A_1249, %swap3A_1250] {strides = array<i32>} : memref<4x4x1024xf32, #tpu.memory_space<vmem>>, vector<1x1x16xf32>,
        %swap3A_1252 = vector.shape_cast %swap3A_1251 : vector<1x1x16xf32> to vector<16xf32>
        %swap3A_1253 = vector.shape_cast %add3A_1245 : vector<16xf32> to vector<1x1x16xf32>
        tpu.vector_store %arg10[%swap3A_1248, %swap3A_1249, %swap3A_1250], %swap3A_1253 {strides = array<i32>} : memref<4x4x1024xf32, #tpu.memory_space<vmem>>, vector<1x1x16xf32>,
        %get3A_1254 = arith.constant 3 : i32
        %get3A_1255 = arith.constant 2 : i32
        %get3A_1256 = arith.index_cast %get3A_1254 : i32 to index
        %get3A_1257 = arith.index_cast %get3A_1255 : i32 to index
        %get3A_1258 = arith.index_cast %mul3A_1009 : i32 to index
        %get3A_1259 = tpu.vector_load %arg6[%get3A_1256, %get3A_1257, %get3A_1258] {strides = array<i32>} : memref<4x4x1024xf32, #tpu.memory_space<vmem>>, vector<1x1x16xf32>,
        %get3A_1260 = vector.shape_cast %get3A_1259 : vector<1x1x16xf32> to vector<16xf32>
        %add3A_1261 = arith.addf %get3A_1260, %get3A_1221 : vector<16xf32>
        %swap3A_1262 = arith.constant 3 : i32
        %swap3A_1263 = arith.constant 2 : i32
        %swap3A_1264 = arith.index_cast %swap3A_1262 : i32 to index
        %swap3A_1265 = arith.index_cast %swap3A_1263 : i32 to index
        %swap3A_1266 = arith.index_cast %mul3A_1009 : i32 to index
        %swap3A_1267 = tpu.vector_load %arg10[%swap3A_1264, %swap3A_1265, %swap3A_1266] {strides = array<i32>} : memref<4x4x1024xf32, #tpu.memory_space<vmem>>, vector<1x1x16xf32>,
        %swap3A_1268 = vector.shape_cast %swap3A_1267 : vector<1x1x16xf32> to vector<16xf32>
        %swap3A_1269 = vector.shape_cast %add3A_1261 : vector<16xf32> to vector<1x1x16xf32>
        tpu.vector_store %arg10[%swap3A_1264, %swap3A_1265, %swap3A_1266], %swap3A_1269 {strides = array<i32>} : memref<4x4x1024xf32, #tpu.memory_space<vmem>>, vector<1x1x16xf32>,
        %get3A_1270 = arith.constant 3 : i32
        %get3A_1271 = arith.constant 3 : i32
        %get3A_1272 = arith.index_cast %get3A_1270 : i32 to index
        %get3A_1273 = arith.index_cast %get3A_1271 : i32 to index
        %get3A_1274 = arith.index_cast %mul3A_1009 : i32 to index
        %get3A_1275 = tpu.vector_load %arg6[%get3A_1272, %get3A_1273, %get3A_1274] {strides = array<i32>} : memref<4x4x1024xf32, #tpu.memory_space<vmem>>, vector<1x1x16xf32>,
        %get3A_1276 = vector.shape_cast %get3A_1275 : vector<1x1x16xf32> to vector<16xf32>
        %add3A_1277 = arith.addf %get3A_1276, %get3A_1221 : vector<16xf32>
        %swap3A_1278 = arith.constant 3 : i32
        %swap3A_1279 = arith.constant 3 : i32
        %swap3A_1280 = arith.index_cast %swap3A_1278 : i32 to index
        %swap3A_1281 = arith.index_cast %swap3A_1279 : i32 to index
        %swap3A_1282 = arith.index_cast %mul3A_1009 : i32 to index
        %swap3A_1283 = tpu.vector_load %arg10[%swap3A_1280, %swap3A_1281, %swap3A_1282] {strides = array<i32>} : memref<4x4x1024xf32, #tpu.memory_space<vmem>>, vector<1x1x16xf32>,
        %swap3A_1284 = vector.shape_cast %swap3A_1283 : vector<1x1x16xf32> to vector<16xf32>
        %swap3A_1285 = vector.shape_cast %add3A_1277 : vector<16xf32> to vector<1x1x16xf32>
        tpu.vector_store %arg10[%swap3A_1280, %swap3A_1281, %swap3A_1282], %swap3A_1285 {strides = array<i32>} : memref<4x4x1024xf32, #tpu.memory_space<vmem>>, vector<1x1x16xf32>,
      }
      %scan3A_149 = arith.constant 64 : i32
      %mul3A_150 = arith.constant 4 : i32
      %mul3A_151 = arith.muli %add3A_118, %mul3A_150 : i32
      %add3A_152 = arith.addi %mul3A_2, %mul3A_151 : i32
      %dma_start3A_153 = arith.constant 1 : i32
      %dma_start3A_154 = arith.constant 0 : i32
      %dma_start3A_155 = arith.constant 0 : i32
      %dma_start3A_156 = tpu.memref_slice %arg4[%add3A_152, %dma_start3A_154, %dma_start3A_155] : memref<8192x4x1024xf32, #tpu.memory_space<hbm>> -> memref<4x4x1024xf32, #tpu.memory_space<hbm>>
      %dma_start3A_157 = tpu.memref_slice %arg12[%dma_start3A_153] : memref<2x!tpu.dma_semaphore, #tpu.memory_space<semaphore_mem>> -> memref<1x!tpu.dma_semaphore, #tpu.memory_space<semaphore_mem>>
      %dma_start3A_158 = tpu.memref_squeeze %dma_start3A_157 : memref<1x!tpu.dma_semaphore, #tpu.memory_space<semaphore_mem>> -> memref<!tpu.dma_semaphore, #tpu.memory_space<semaphore_mem>>
      %dma_start3A_159 = arith.constant 0 : i32
      %dma_start3A_160 = arith.constant 0 : i32
      %dma_start3A_161 = tpu.memref_slice %arg4[%add3A_152, %dma_start3A_159, %dma_start3A_160] : memref<8192x4x1024xf32, #tpu.memory_space<hbm>> -> memref<4x4x1024xf32, #tpu.memory_space<hbm>>
      tpu.enqueue_dma source(%arg10 : memref<4x4x1024xf32, #tpu.memory_space<vmem>>) target(%dma_start3A_161 : memref<4x4x1024xf32, #tpu.memory_space<hbm>>) target_semaphore(%dma_start3A_158 : memref<!tpu.dma_semaphore, #tpu.memory_space<semaphore_mem>>)
      %add3A_162 = arith.constant 2 : i32
      %add3A_163 = arith.addi %add3A_118, %add3A_162 : i32
      %lt3A_164 = arith.constant 64 : i32
      %lt3A_165 = arith.cmpi slt, %add3A_163, %lt3A_164 : i32
      %convert_element_type3A_166 = arith.extui %lt3A_165 : i1 to i32
      %cond3A_167 = arith.constant 0 : i32
      %cond3A_168 = arith.cmpi ne, %convert_element_type3A_166, %cond3A_167 : i32
      scf.if %cond3A_168 {
        %add3A_169 = arith.constant 2 : i32
        %add3A_170 = arith.addi %add3A_118, %add3A_169 : i32
        %mul3A_171 = arith.constant 4 : i32
        %mul3A_172 = arith.muli %add3A_170, %mul3A_171 : i32
        %add3A_173 = arith.addi %mul3A_2, %mul3A_172 : i32
        %dma_start3A_174 = arith.constant 1 : i32
        %dma_start3A_175 = arith.constant 0 : i32
        %dma_start3A_176 = arith.constant 0 : i32
        %dma_start3A_177 = tpu.memref_slice %arg2[%add3A_173, %dma_start3A_175, %dma_start3A_176] : memref<8192x4x1024xf32, #tpu.memory_space<hbm>> -> memref<4x4x1024xf32, #tpu.memory_space<hbm>>
        %dma_start3A_178 = tpu.memref_slice %arg11[%dma_start3A_174] : memref<2x!tpu.dma_semaphore, #tpu.memory_space<semaphore_mem>> -> memref<1x!tpu.dma_semaphore, #tpu.memory_space<semaphore_mem>>
        %dma_start3A_179 = tpu.memref_squeeze %dma_start3A_178 : memref<1x!tpu.dma_semaphore, #tpu.memory_space<semaphore_mem>> -> memref<!tpu.dma_semaphore, #tpu.memory_space<semaphore_mem>>
        %dma_start3A_180 = arith.constant 0 : i32
        %dma_start3A_181 = arith.constant 0 : i32
        %dma_start3A_182 = tpu.memref_slice %arg2[%add3A_173, %dma_start3A_180, %dma_start3A_181] : memref<8192x4x1024xf32, #tpu.memory_space<hbm>> -> memref<4x4x1024xf32, #tpu.memory_space<hbm>>
        tpu.enqueue_dma source(%dma_start3A_182 : memref<4x4x1024xf32, #tpu.memory_space<hbm>>) target(%arg6 : memref<4x4x1024xf32, #tpu.memory_space<vmem>>) target_semaphore(%dma_start3A_179 : memref<!tpu.dma_semaphore, #tpu.memory_space<semaphore_mem>>)
        %dma_start3A_183 = arith.constant 1 : i32
        %dma_start3A_184 = arith.constant 0 : i32
        %dma_start3A_185 = tpu.memref_slice %arg3[%add3A_173, %dma_start3A_184] : memref<8192x1024xf32, #tpu.memory_space<hbm>> -> memref<4x1024xf32, #tpu.memory_space<hbm>>
        %dma_start3A_186 = tpu.memref_slice %arg11[%dma_start3A_183] : memref<2x!tpu.dma_semaphore, #tpu.memory_space<semaphore_mem>> -> memref<1x!tpu.dma_semaphore, #tpu.memory_space<semaphore_mem>>
        %dma_start3A_187 = tpu.memref_squeeze %dma_start3A_186 : memref<1x!tpu.dma_semaphore, #tpu.memory_space<semaphore_mem>> -> memref<!tpu.dma_semaphore, #tpu.memory_space<semaphore_mem>>
        %dma_start3A_188 = arith.constant 0 : i32
        %dma_start3A_189 = tpu.memref_slice %arg3[%add3A_173, %dma_start3A_188] : memref<8192x1024xf32, #tpu.memory_space<hbm>> -> memref<4x1024xf32, #tpu.memory_space<hbm>>
        tpu.enqueue_dma source(%dma_start3A_189 : memref<4x1024xf32, #tpu.memory_space<hbm>>) target(%arg8 : memref<4x1024xf32, #tpu.memory_space<vmem>>) target_semaphore(%dma_start3A_187 : memref<!tpu.dma_semaphore, #tpu.memory_space<semaphore_mem>>)
      } else {
      }
    }
    %scan3A_42 = arith.constant 32 : i32
    %dma_wait3A = arith.constant 0 : i32
    %dma_wait3A_43 = arith.constant 0 : i32
    %dma_wait3A_44 = arith.constant 0 : i32
    %dma_wait3A_45 = arith.constant 0 : i32
    %dma_wait3A_46 = tpu.memref_slice %arg4[%dma_wait3A_43, %dma_wait3A_44, %dma_wait3A_45] : memref<8192x4x1024xf32, #tpu.memory_space<hbm>> -> memref<4x4x1024xf32, #tpu.memory_space<hbm>>
    %dma_wait3A_47 = tpu.memref_slice %arg12[%dma_wait3A] : memref<2x!tpu.dma_semaphore, #tpu.memory_space<semaphore_mem>> -> memref<1x!tpu.dma_semaphore, #tpu.memory_space<semaphore_mem>>
    %dma_wait3A_48 = tpu.memref_squeeze %dma_wait3A_47 : memref<1x!tpu.dma_semaphore, #tpu.memory_space<semaphore_mem>> -> memref<!tpu.dma_semaphore, #tpu.memory_space<semaphore_mem>>
    %dma_wait3A_49 = arith.constant 0 : i32
    %dma_wait3A_50 = arith.constant 0 : i32
    %dma_wait3A_51 = arith.constant 0 : i32
    %dma_wait3A_52 = tpu.memref_slice %arg4[%dma_wait3A_49, %dma_wait3A_50, %dma_wait3A_51] : memref<8192x4x1024xf32, #tpu.memory_space<hbm>> -> memref<4x4x1024xf32, #tpu.memory_space<hbm>>
    tpu.wait_dma2 semaphore(%dma_wait3A_48 : memref<!tpu.dma_semaphore, #tpu.memory_space<semaphore_mem>>) src(%arg9 : memref<4x4x1024xf32, #tpu.memory_space<vmem>>) dst(%dma_wait3A_52 : memref<4x4x1024xf32, #tpu.memory_space<hbm>>)
    %dma_wait3A_53 = arith.constant 1 : i32
    %dma_wait3A_54 = arith.constant 0 : i32
    %dma_wait3A_55 = arith.constant 0 : i32
    %dma_wait3A_56 = arith.constant 0 : i32
    %dma_wait3A_57 = tpu.memref_slice %arg4[%dma_wait3A_54, %dma_wait3A_55, %dma_wait3A_56] : memref<8192x4x1024xf32, #tpu.memory_space<hbm>> -> memref<4x4x1024xf32, #tpu.memory_space<hbm>>
    %dma_wait3A_58 = tpu.memref_slice %arg12[%dma_wait3A_53] : memref<2x!tpu.dma_semaphore, #tpu.memory_space<semaphore_mem>> -> memref<1x!tpu.dma_semaphore, #tpu.memory_space<semaphore_mem>>
    %dma_wait3A_59 = tpu.memref_squeeze %dma_wait3A_58 : memref<1x!tpu.dma_semaphore, #tpu.memory_space<semaphore_mem>> -> memref<!tpu.dma_semaphore, #tpu.memory_space<semaphore_mem>>
    %dma_wait3A_60 = arith.constant 0 : i32
    %dma_wait3A_61 = arith.constant 0 : i32
    %dma_wait3A_62 = arith.constant 0 : i32
    %dma_wait3A_63 = tpu.memref_slice %arg4[%dma_wait3A_60, %dma_wait3A_61, %dma_wait3A_62] : memref<8192x4x1024xf32, #tpu.memory_space<hbm>> -> memref<4x4x1024xf32, #tpu.memory_space<hbm>>
    tpu.wait_dma2 semaphore(%dma_wait3A_59 : memref<!tpu.dma_semaphore, #tpu.memory_space<semaphore_mem>>) src(%arg10 : memref<4x4x1024xf32, #tpu.memory_space<vmem>>) dst(%dma_wait3A_63 : memref<4x4x1024xf32, #tpu.memory_space<hbm>>)
    return
  }
}

</mosaic_0001>

<sc_bundles>
// kernel: kernel.3.cloned.1.call-start
scs
__scs_entry_jumppad:
0x0: {  	(pc) =	sbr.rel $0x88, $3  }
0x1: {  	(tag) =	ssettag $0x0;
	lr =	simm.s32 $0x1  }
0x2: {  	[smem:$0x3F9F] =	sst lr;
	_ =	strace $0xD0000000  }
0x3: {  	_ = 	snop  }
0x4: {  	_ = 	snop  }
0x5: {  	_ = 	snop  }
0x6: {  	_ = 	snop  }
0x7: {  	_ = 	snop  }
__scs_overlays_trampoline_lowered:
0x8: {  	[smem:$0x3FAE] =	sst s0  }
0x9: {  	[smem:$0x3FAF] =	sst s1  }
0xa: {  	[smem:$0x3FB0] =	sst s2  }
0xb: {  	[smem:$0x3FB1] =	sst s3  }
0xc: {  	[smem:$0x3FB2] =	sst s4  }
0xd: {  	[smem:$0x3FB3] =	sst s5  }
0xe: {  	[smem:$0x3FB4] =	sst s6  }
0xf: {  	[smem:$0x3FB5] =	sst s7  }
0x10: {  	[smem:$0x3FB6] =	sst s8  }
0x11: {  	[smem:$0x3FB7] =	sst s9;
	s0 =	simm.s32 @!p0 $0x0  }
0x12: {  	s1 =	sld [smem:$0x3F9D];
	s0 =	simm.s32 @p0 $0x1  }
0x13: {  	[smem:$0x3FB8] =	sst s0;
	s0 =	simm.s32 @!p1 $0x0  }
0x14: {  	s2 =	sld [smem:$0x3F9C];
	s0 =	simm.s32 @p1 $0x1  }
0x15: {  	[smem:$0x3FB9] =	sst s0;
	s0 =	simm.s32 @!p2 $0x0  }
0x16: {  	s3 =	sld [smem:$0x3FDB];
	s0 =	simm.s32 @p2 $0x1  }
0x17: {  	s4 =	simm.s32 $0x1BF5;
	[smem:$0x3FBB] =	sst s0  }
0x18: {  	s0 =	sld [smem:$0x3F9E];
	_ =	swait.ge [sflag:s4], $0x0  }
0x19: {  	s7 =	sld [smem:$0x3F9F]  }
0x1a: {  	s8 =	sadd.s32 $0xFFFFE003, lr  }
0x1b: {  	s9 =	sadd.s32 $0xFFFFFEF7, lr;
	s5 =	simm.s32 $0xFFFFFFFF;
	p2 =	slt.u32 s8, $0xFFFFF086  }
0x1c: {  	p1 =	slt.u32 s9, $0xF7A;
	s5 =	simm.s32 @!p2 $0x0  }
0x1d: {  	s5 =	simm.s32 @p1 $0x1;
	p0 =	seq.s32 s7, s2  }
0x1e: {  	s7 =	smul.u32 @!p0 $0xF7A, s2;
	p2 =	seq.s32 @!p0 s5, $0x0  }
0x1f: {  	s9 =	smul.u32 $0xF7A, s1;
	s8 =	simm.s32 @!p0 $0x1BF5;
	p2 =	por !p2, p0  }
0x20: {  	[sflag:s8] =	ssyncset.s32 @!p0 $0xFFFFF086;
	s6 =	sadd.s32 @!p0 s3, s7;
	s7 =	simm.s32 @!p0 $0x108  }
0x21: {  	s3 =	sadd.s32 s3, s9;
	s6 =	sadd.s32 @!p0 $0x88, s6;
	s7 =	simm.s32 @p2 $0x1082  }
0x22: {  	[simem:s7], [sflag:s8] =	dma.local @!p0 [hbm:s6], $0xF7A  }
0x23: {  	s9 =	sor.u32 $0xD0000000, s2;
	s6 =	simm.s32 $0x108;
	_ =	swait.ge @!p0 [sflag:s8], $0x0  }
0x24: {  	s3 =	sadd.s32 $0x88, s3;
	s6 =	simm.s32 @!p1 $0x1082;
	[sflag:s4] =	ssyncset.s32 $0xFFFFF086  }
0x25: {  	[simem:s6], [sflag:s4] =	dma.local [hbm:s3], $0xF7A  }
0x26: {  	[smem:$0x3F9F] =	sst s1;
	(tag) =	ssettag s2;
	_ =	strace s9  }
0x27: {  	s1 =	sld [smem:$0x3FAF]  }
0x28: {  	s2 =	sld [smem:$0x3FB0]  }
0x29: {  	s4 =	sld [smem:$0x3FB2]  }
0x2a: {  	p0 =	seq.s32 s5, $0x0;
	s5 =	sld [smem:$0x3FB3]  }
0x2b: {  	s6 =	sld [smem:$0x3FB4]  }
0x2c: {  	s7 =	sld [smem:$0x3FB5]  }
0x2d: {  	s3 =	simm.s32 $0x108;
	s8 =	sld [smem:$0x3FB6]  }
0x2e: {  	s3 =	simm.s32 @!p0 $0x1082;
	s9 =	sld [smem:$0x3FB7]  }
0x2f: {  	lr =	sadd.s32 s0, s3;
	s0 =	sld [smem:$0x3FAE]  }
0x30: {  	s3 =	sld [smem:$0x3FB1]  }
0x31: {  	[smem:$0x3FBA] =	sst s10  }
0x32: {  	s10 =	sld [smem:$0x3FB8];
	_ =	sdelay $0x3  }
0x33: {  	p0 =	seq.s32 s10, $0x1;
	s10 =	sld [smem:$0x3FBA];
	_ =	sdelay $0x3  }
0x34: {  	[smem:$0x3FBA] =	sst s10  }
0x35: {  	s10 =	sld [smem:$0x3FB9];
	_ =	sdelay $0x3  }
0x36: {  	p1 =	seq.s32 s10, $0x1;
	s10 =	sld [smem:$0x3FBA];
	_ =	sdelay $0x3  }
0x37: {  	[smem:$0x3FBA] =	sst s10  }
0x38: {  	s10 =	sld [smem:$0x3FBB]  }
0x39: {  	_ = 	snop;
	(pc) =	sbr.ind lr, $3  }
0x3a: {  	_ = 	snop  }
0x3b: {  	_ = 	snop  }
0x3c: {  	p2 =	seq.s32 s10, $0x1;
	s10 =	sld [smem:$0x3FBA]  }
0x3d: {  	_ =	shalt  }
0x3e: {  	_ =	shalt  }
0x3f: {  	_ =	shalt  }
0x40: {  	_ =	shalt  }
0x41: {  	_ =	shalt  }
0x42: {  	_ =	shalt  }
0x43: {  	_ =	shalt  }
0x44: {  	_ =	shalt  }
0x45: {  	_ =	shalt  }
0x46: {  	_ =	shalt  }
0x47: {  	_ =	shalt  }
0x48: {  	_ =	shalt  }
0x49: {  	_ =	shalt  }
0x4a: {  	_ =	shalt  }
0x4b: {  	_ =	shalt  }
0x4c: {  	_ =	shalt  }
0x4d: {  	_ =	shalt  }
0x4e: {  	_ =	shalt  }
0x4f: {  	_ =	shalt  }
0x50: {  	_ =	shalt  }
0x51: {  	_ =	shalt  }
0x52: {  	_ =	shalt  }
0x53: {  	_ =	shalt  }
0x54: {  	_ =	shalt  }
0x55: {  	_ =	shalt  }
0x56: {  	_ =	shalt  }
0x57: {  	_ =	shalt  }
0x58: {  	_ =	shalt  }
0x59: {  	_ =	shalt  }
0x5a: {  	_ =	shalt  }
0x5b: {  	_ =	shalt  }
0x5c: {  	_ =	shalt  }
0x5d: {  	_ =	shalt  }
0x5e: {  	_ =	shalt  }
0x5f: {  	_ =	shalt  }
0x60: {  	_ =	shalt  }
0x61: {  	_ =	shalt  }
0x62: {  	_ =	shalt  }
0x63: {  	_ =	shalt  }
0x64: {  	_ =	shalt  }
0x65: {  	_ =	shalt  }
0x66: {  	_ =	shalt  }
0x67: {  	_ =	shalt  }
0x68: {  	_ =	shalt  }
0x69: {  	_ =	shalt  }
0x6a: {  	_ =	shalt  }
0x6b: {  	_ =	shalt  }
0x6c: {  	_ =	shalt  }
0x6d: {  	_ =	shalt  }
0x6e: {  	_ =	shalt  }
0x6f: {  	_ =	shalt  }
0x70: {  	_ =	shalt  }
0x71: {  	_ =	shalt  }
0x72: {  	_ =	shalt  }
0x73: {  	_ =	shalt  }
0x74: {  	_ =	shalt  }
0x75: {  	_ =	shalt  }
0x76: {  	_ =	shalt  }
0x77: {  	_ =	shalt  }
0x78: {  	_ =	shalt  }
0x79: {  	_ =	shalt  }
0x7a: {  	_ =	shalt  }
0x7b: {  	_ =	shalt  }
0x7c: {  	_ =	shalt  }
0x7d: {  	_ =	shalt  }
0x7e: {  	_ =	shalt  }
0x7f: {  	_ =	shalt  }
0x80: {  	_ =	shalt  }
0x81: {  	_ =	shalt  }
0x82: {  	_ =	shalt  }
0x83: {  	_ =	shalt  }
0x84: {  	_ =	shalt  }
0x85: {  	_ =	shalt  }
0x86: {  	_ =	shalt  }
0x87: {  	_ =	shalt  }
.Lfunc_end0:
.L_simem_size_0:
called_computation_lowered:
.L_overlay_start_0:
0x88: {  	s2 =	sld [smem:$0x3FD9]  }
0x89: {  	s3 =	sld [smem:$0x3FFE];
	_ =	sdelay $0x1  }
0x8a: {  	s1 =	srdreg.scid  }
0x8b: {  	s0 =	sand.u32 $0x1, s1  }
0x8c: {  	s18 =	sshll.u32 s0, $0xA;
	s2 =	sadd.s32 s3, s2  }
0x8d: {  	s2 =	sadd.s32 s2, s18  }
0x8e: {  	[smem:$0x3FC6] =	sst s2  }
0x8f: {  	_ = 	snop  }
0x90: {  	s2 =	sld [smem:$0x3FC9]  }
0x91: {  	s19 =	sld [smem:$0x3FC8]  }
0x92: {  	s4 =	sld [smem:$0x3FD0];
	(tm) =	ssettm $0x1  }
0x93: {  	s5 =	sld [smem:$0x3FFB];
	_ =	sdelay $0x3  }
0x94: {  	_ =	strace s5  }
0x95: {  	s5 =	sld [smem:$0x3FFC];
	_ =	sdelay $0x3  }
0x96: {  	_ =	strace s5  }
0x97: {  	s5 =	sld [smem:$0x3FFD];
	_ =	sdelay $0x3  }
0x98: {  	_ =	strace s5  }
0x99: {  	_ =	strace $0x8FFFFFFF  }
0x9a: {  	s20 =	sld [smem:$0x3FDB];
	_ =	sdelay $0x1  }
0x9b: {  	s6 =	simm.s32 $_scs_section_size  }
0x9c: {  	s7 =	simm.s32 $_size__tile_overlayer_lowered;
	s8 =	simm.s32 $_tile_overlayer_lowered  }
0x9d: {  	s23 =	simm.s32 $0x1BFF;
	s22 =	sshll.u32 s8, $0x1;
	s5 =	sadd.s32 s6, s20  }
0x9e: {  	s9 =	simm.s32 $0x0;
	s21 =	sshll.u32 s7, $0x1;
	s7 =	sadd.s32 s22, s5  }
0x9f: {  	[timem:s9], [sflag:s23] =	dma.local [hbm:s7], s21  }
0xa0: {  	_ =	swait.ge [sflag:s23], s21  }
0xa1: {  	s6 =	ssub.s32 $0x0, s21;
	[sflag:s23] =	ssyncset.done $0x0  }
0xa2: {  	[sflag:s23] =	ssyncadd.s32 s6;
	_ =	sdelay $0x1  }
0xa3: {  	s24 =	simm.s32 $0x1B8B  }
0xa4: {  	_ =	swait.ge [sflag:s24], $0x1  }
0xa5: {  	[sflag:s24] =	ssyncset.done $0x0  }
0xa6: {  	s25 =	simm.s32 $0x1B8E;
	[sflag:s24] =	ssyncadd.s32 $0xFFFFFFFF  }
0xa7: {  	s26 =	simm.s32 $execute0_lowered;
	[smem:$0x3FD2] =	sst s25  }
0xa8: {  	s6 =	sshll.u32 s26, $0x1;
	_ =	strace $0x80000046;
	[dreg:$0x1] =	wrdreg $0xFFFFFFFF  }
0xa9: {  	s28 =	simm.s32 $_size_execute0_lowered;
	s5 =	sadd.s32 s5, s6;
	[dreg:$0x0] =	wrdreg $0x0  }
0xaa: {  	s6 =	sshll.u32 s28, $0x1;
	[dreg:$0x2] =	wrdreg s5  }
0xab: {  	[dreg:$0x3] =	wrdreg s6  }
0xac: {  	[dreg:$0x4] =	wrdreg $0xC0  }
0xad: {  	_ =	task [dreg:s9], $0x5FFFF  }
0xae: {  	[dreg:$0x1] =	wrdreg $0xFFFFFFFF  }
0xaf: {  	[dreg:$0x0] =	wrdreg $0x60  }
0xb0: {  	[dreg:$0x2] =	wrdreg s2  }
0xb1: {  	[dreg:$0x3] =	wrdreg s19  }
0xb2: {  	[dreg:$0x4] =	wrdreg s4  }
0xb3: {  	[dreg:$0x5] =	wrdreg $0x9  }
0xb4: {  	_ =	task.clear_ibuf [dreg:s9], $0x6FFFF;
	_ =	strace $0x90000046  }
0xb5: {  	s29 =	simm.s32 $0x9;
	_ =	strace $0x80000048  }
0xb6: {  	_ =	swait.ge [sflag:s29], $0x1  }
0xb7: {  	[sflag:s29] =	ssyncadd.s32 $0xFFFFFFFF  }
0xb8: {  	_ =	strace $0x90000048  }
0xb9: {  	_ =	sfence  }
0xba: {  	s30 =	sld [smem:$0x0];
	_ =	sdelay $0x2  }
0xbb: {  	s31 =	sshll.u32 s1, $0xD;
	s1 =	sshrl.u32 s1, $0x2  }
0xbc: {  	s3 =	sand.u32 $0x4000, s31;
	s1 =	sadd.s32 s1, s30  }
0xbd: {  	s0 =	sor.u32 s3, s0;
	s1 =	sshll.u32 s1, $0x11  }
0xbe: {  	s0 =	sor.u32 s1, s0  }
0xbf: {  	s0 =	sadd.s32 $0x8F2B, s0  }
0xc0: {  	[sflag:s0] =	ssyncadd.remote.s32 $0x1  }
0xc1: {  	_ =	sfence.sel $0xFFFF  }
0xc2: {  	[dreg:$0x0] =	wrdreg $0xFFFFFFFF;
	(pc) =	sbr.abs _section_cstart, $3  }
0xc3: {  	[dreg:$0x1] =	wrdreg $0xFFFFFFFF  }
0xc4: {  	_ =	task.clear_ibuf [dreg:s9], $0x2FFFF;
	_ =	strace $0x9FFFFFFF  }
0xc5: {  	(tm) =	ssettm $0x7FFFFFFF  }
tec
execute0_lowered:
.L_overlay_start_1:
0x0: {  	(tag) =	ssettag $0x1  }
0x1: {  	s1 =	rddreg [dreg:$0x0]  }
0x2: {  	s2 =	rddreg [dreg:$0x1]  }
0x3: {  	s3 =	rddreg [dreg:$0x2];
	s5 =	simm.s32 $0x0  }
0x4: {  	s0 =	srdreg.scid;
	s6 =	stileid.u32;
	s16 =	simm.s32 $0x200  }
0x5: {  	s17 =	simm.s32 $0x400;
	s19 =	simm.s32 $0x4000;
	s20 =	simm.s32 $0x9000  }
0x6: {  	s21 =	simm.s32 $0x1;
	s22 =	simm.s32 $0xA000;
	s23 =	simm.s32 $0x2  }
0x7: {  	s24 =	simm.s32 $0xE000;
	s25 =	simm.s32 $0x3;
	s0 =	sand.u32 $0x1, s0  }
0x8: {  	s6 =	sshll.u32 s6, $0x9;
	s4 =	ssub.s32 $0x2, s0;
	s0 =	sshll.u32 s0, $0x8  }
0x9: {  	s28 =	simm.s32 $0x0;
	[smem:$0x7FF] =	sst s5;
	s6 =	sor.u32 s0, s6  }
0xa: {  	_ =	strace $0x80000047;
	s7 =	sshrl.u32 s4, $0x1;
	s8 =	sshll.u32 s6, $0x7  }
0xb: {  	s26 =	ssub.s32 s4, s7;
	s29 =	sshll.u32 s6, $0x9;
	s9 =	sadd.s32 s2, s8  }
.Ltmp0:
0xc: {  	s30 =	sadd.s32 s1, s29;
	[dreg:$0x5] =	wrdreg s9;
	(pc) =	sbr.rel .LBB2_1-.Ltmp0, $4  }
0xd: {  	s13 =	sor.u32 $0x8, s6;
	s0 =	smax.u32 s26, $0x1;
	[dreg:$0x4] =	wrdreg s30  }
0xe: {  	s9 =	sadd.s32 $0x40, s2;
	s7 =	sadd.s32 $0x800, s30;
	[dreg:$0x8] =	wrdreg s0  }
0xf: {  	s14 =	sor.u32 $0xC, s6;
	[dreg:$0x6] =	wrdreg s7;
	s31 =	sadd.s32 s8, s9  }
0x10: {  	s12 =	sadd.s32 s3, s29;
	s26 =	simm.s32 $0x4;
	[dreg:$0x7] =	wrdreg s31  }
.LBB2_8:
0x11: {  	_ =	swait.ge [sflag:s25], $0x4000  }
0x12: {  	[sflag:s25] =	ssyncset.done $0x0  }
0x13: {  	[sflag:s25] =	ssyncadd.s32 $0xFFFFC000  }
0x14: {  	_ =	swait.ge [sflag:s26], $0x4000  }
0x15: {  	s28 =	sadd.s32 $0x1, s28;
	s0 =	rddreg [dreg:$0x8]  }
0x16: {  	p0 =	sne.s32 s28, s0  }
.Ltmp1:
0x17: {  	_ = 	snop;
	(pc) =	sbr.rel @!p0 .LBB2_9-.Ltmp1, $3  }
0x18: {  	_ =	sdelay $0x1  }
0x19: {  	[sflag:s26] =	ssyncset.done $0x0  }
0x1a: {  	[sflag:s26] =	ssyncadd.s32 $0xFFFFC000  }
.LBB2_1:
0x1b: {  	s0 =	rddreg [dreg:$0x4]  }
0x1c: {  	[tilespmem:s5], [sflag:$0x1] =	stream.linear.gather [hbm4b:s0+s5], $0x4000, $0x38;
	[tilespmem:$0x12000] =	vst v63  }
0x1d: {  	s18 =	rddreg [dreg:$0x5];
	s4 =	simm.s32 $0x8000  }
0x1e: {  	[tilespmem:s4], [sflag:$0x1] =	stream.strided.gather [hbm4b:s18+s16], $0x1000, s17, s16, $0x38;
	[tilespmem:$0x12000] =	vst v63  }
0x1f: {  	s30 =	rddreg [dreg:$0x6]  }
0x20: {  	[tilespmem:s19], [sflag:$0x2] =	stream.linear.gather [hbm4b:s30+s5], $0x4000, $0x38;
	[tilespmem:$0x12000] =	vst v63  }
0x21: {  	s31 =	rddreg [dreg:$0x7];
	s29 =	simm.s32 $0x0  }
0x22: {  	[tilespmem:s20], [sflag:$0x2] =	stream.strided.gather [hbm4b:s31+s16], $0x1000, s17, s16, $0x38;
	[tilespmem:$0x12000] =	vst v63  }
.LBB2_2:
0x23: {  	_ =	swait.ge [sflag:s21], $0x4000  }
0x24: {  	[sflag:s21] =	ssyncset.done $0x0  }
0x25: {  	[sflag:s21] =	ssyncadd.s32 $0xFFFFC000  }
0x26: {  	_ =	swait.ge [sflag:s21], $0x1000  }
0x27: {  	p0 =	seq.s32 s29, $0x0;
	[sflag:s21] =	ssyncset.done $0x0  }
0x28: {  	s0 =	simm.s32 @!p0 $0x3;
	[sflag:s21] =	ssyncadd.s32 $0xFFFFF000  }
0x29: {  	s30 =	sshll.u32 s29, $0x3;
	_ =	swait.ge @!p0 [sflag:s0], $0x4000  }
0x2a: {  	s31 =	simm.s32 $0xFFFFFFFC;
	p1 =	por $0x0, $0x0;
	[sflag:s0] =	ssyncset.done @!p0 $0x0  }
0x2b: {  	s4 =	simm.s32 $0x0;
	[sflag:s0] =	ssyncadd.s32 @!p0 $0xFFFFC000;
	s0 =	simm.s32 $0x0  }
.LBB2_3:
0x2c: {  	s8 =	sand.u32 $0x40, s0;
	s18 =	sand.u32 $0xE00, s4  }
0x2d: {  	s18 =	sor.u32 s8, s18  }
0x2e: {  	v0 =	vld [tilespmem:s18+$0x8000]  }
0x2f: {  	v1 =	vld [tilespmem:s18+$0x0]  }
0x30: {  	v2 =	vld [tilespmem:s18+$0x80];
	_ =	sdelay $0x2  }
0x31: {  	s8 =	simm.s32 $0x1  }
0x32: {  	s8 =	simm.s32 @!p1 $0x0;
	v1 =	vadd.f32 v1, v0  }
0x33: {  	s8 =	sshll.u32 s8, $0x6;
	v2 =	vadd.f32 v2, v0  }
0x34: {  	s8 =	sadd.s32 s8, s4;
	[tilespmem:s18+$0xA000] =	vst v1  }
0x35: {  	s10 =	sor.u32 $0x100, s8;
	[tilespmem:s18+$0xA080] =	vst v2  }
0x36: {  	v1 =	vld [tilespmem:s10+$0x0];
	_ =	sdelay $0x4  }
0x37: {  	v1 =	vadd.f32 v1, v0;
	_ =	sdelay $0x1  }
0x38: {  	s11 =	sor.u32 $0x180, s8;
	[tilespmem:s10+$0xA000] =	vst v1  }
0x39: {  	v1 =	vld [tilespmem:s11+$0x0];
	_ =	sdelay $0x4  }
0x3a: {  	v0 =	vadd.f32 v1, v0;
	_ =	sdelay $0x1  }
0x3b: {  	[tilespmem:s11+$0xA000] =	vst v0  }
0x3c: {  	v0 =	vld [tilespmem:s18+$0x8080]  }
0x3d: {  	v34 =	vld [tilespmem:s18+$0x1000]  }
0x3e: {  	v35 =	vld [tilespmem:s18+$0x1080];
	_ =	sdelay $0x3  }
0x3f: {  	v1 =	vadd.f32 v34, v0  }
0x40: {  	v2 =	vadd.f32 v35, v0  }
0x41: {  	[tilespmem:s18+$0xB000] =	vst v1  }
0x42: {  	s15 =	sor.u32 $0x1100, s8;
	[tilespmem:s18+$0xB080] =	vst v2  }
0x43: {  	v1 =	vld [tilespmem:s15+$0x0];
	_ =	sdelay $0x4  }
0x44: {  	v1 =	vadd.f32 v1, v0;
	_ =	sdelay $0x1  }
0x45: {  	s7 =	sor.u32 $0x1180, s8;
	[tilespmem:s15+$0xA000] =	vst v1  }
0x46: {  	v1 =	vld [tilespmem:s7+$0x0];
	_ =	sdelay $0x4  }
0x47: {  	v0 =	vadd.f32 v1, v0;
	_ =	sdelay $0x1  }
0x48: {  	[tilespmem:s7+$0xA000] =	vst v0  }
0x49: {  	v0 =	vld [tilespmem:s10+$0x8000]  }
0x4a: {  	v36 =	vld [tilespmem:s18+$0x2000]  }
0x4b: {  	v37 =	vld [tilespmem:s18+$0x2080];
	_ =	sdelay $0x3  }
0x4c: {  	v1 =	vadd.f32 v36, v0  }
0x4d: {  	v2 =	vadd.f32 v37, v0  }
0x4e: {  	[tilespmem:s18+$0xC000] =	vst v1  }
0x4f: {  	s15 =	sor.u32 $0x2100, s8;
	[tilespmem:s18+$0xC080] =	vst v2  }
0x50: {  	v1 =	vld [tilespmem:s15+$0x0];
	_ =	sdelay $0x4  }
0x51: {  	v1 =	vadd.f32 v1, v0;
	_ =	sdelay $0x1  }
0x52: {  	s7 =	sor.u32 $0x2180, s8;
	[tilespmem:s15+$0xA000] =	vst v1  }
0x53: {  	v1 =	vld [tilespmem:s7+$0x0];
	_ =	sdelay $0x4  }
0x54: {  	v0 =	vadd.f32 v1, v0;
	_ =	sdelay $0x1  }
0x55: {  	[tilespmem:s7+$0xA000] =	vst v0  }
0x56: {  	v0 =	vld [tilespmem:s11+$0x8000]  }
0x57: {  	v38 =	vld [tilespmem:s18+$0x3000]  }
0x58: {  	v39 =	vld [tilespmem:s18+$0x3080];
	_ =	sdelay $0x3  }
0x59: {  	v1 =	vadd.f32 v38, v0  }
0x5a: {  	v2 =	vadd.f32 v39, v0  }
0x5b: {  	[tilespmem:s18+$0xD000] =	vst v1  }
0x5c: {  	s15 =	sor.u32 $0x3100, s8;
	[tilespmem:s18+$0xD080] =	vst v2  }
0x5d: {  	v1 =	vld [tilespmem:s15+$0x0];
	_ =	sdelay $0x4  }
0x5e: {  	v1 =	vadd.f32 v1, v0;
	_ =	sdelay $0x1  }
0x5f: {  	s7 =	sor.u32 $0x3180, s8;
	[tilespmem:s15+$0xA000] =	vst v1  }
0x60: {  	v1 =	vld [tilespmem:s7+$0x0];
	_ =	sdelay $0x4  }
0x61: {  	v0 =	vadd.f32 v1, v0;
	_ =	sdelay $0x1  }
0x62: {  	[tilespmem:s7+$0xA000] =	vst v0  }
0x63: {  	v0 =	vld [tilespmem:s18+$0x8010]  }
0x64: {  	v40 =	vld [tilespmem:s18+$0x10]  }
0x65: {  	v41 =	vld [tilespmem:s18+$0x90];
	_ =	sdelay $0x3  }
0x66: {  	v1 =	vadd.f32 v40, v0  }
0x67: {  	v2 =	vadd.f32 v41, v0  }
0x68: {  	s10 =	sadd.s32 $0x10, s8;
	[tilespmem:s18+$0xA010] =	vst v1  }
0x69: {  	s11 =	sor.u32 $0x100, s10;
	[tilespmem:s18+$0xA090] =	vst v2  }
0x6a: {  	v1 =	vld [tilespmem:s11+$0x0];
	_ =	sdelay $0x4  }
0x6b: {  	v1 =	vadd.f32 v1, v0;
	_ =	sdelay $0x1  }
0x6c: {  	s15 =	sor.u32 $0x180, s10;
	[tilespmem:s11+$0xA000] =	vst v1  }
0x6d: {  	v1 =	vld [tilespmem:s15+$0x0];
	_ =	sdelay $0x4  }
0x6e: {  	v0 =	vadd.f32 v1, v0;
	_ =	sdelay $0x1  }
0x6f: {  	[tilespmem:s15+$0xA000] =	vst v0  }
0x70: {  	v0 =	vld [tilespmem:s18+$0x8090]  }
0x71: {  	v42 =	vld [tilespmem:s18+$0x1010]  }
0x72: {  	v43 =	vld [tilespmem:s18+$0x1090];
	_ =	sdelay $0x3  }
0x73: {  	v1 =	vadd.f32 v42, v0  }
0x74: {  	v2 =	vadd.f32 v43, v0  }
0x75: {  	[tilespmem:s18+$0xB010] =	vst v1  }
0x76: {  	s7 =	sor.u32 $0x1100, s10;
	[tilespmem:s18+$0xB090] =	vst v2  }
0x77: {  	v1 =	vld [tilespmem:s7+$0x0];
	_ =	sdelay $0x4  }
0x78: {  	v1 =	vadd.f32 v1, v0;
	_ =	sdelay $0x1  }
0x79: {  	[tilespmem:s7+$0xA000] =	vst v1;
	s7 =	sor.u32 $0x1180, s10  }
0x7a: {  	v1 =	vld [tilespmem:s7+$0x0];
	_ =	sdelay $0x4  }
0x7b: {  	v0 =	vadd.f32 v1, v0;
	_ =	sdelay $0x1  }
0x7c: {  	[tilespmem:s7+$0xA000] =	vst v0  }
0x7d: {  	v0 =	vld [tilespmem:s11+$0x8000]  }
0x7e: {  	v44 =	vld [tilespmem:s18+$0x2010]  }
0x7f: {  	v45 =	vld [tilespmem:s18+$0x2090];
	_ =	sdelay $0x3  }
0x80: {  	v1 =	vadd.f32 v44, v0  }
0x81: {  	v2 =	vadd.f32 v45, v0  }
0x82: {  	[tilespmem:s18+$0xC010] =	vst v1  }
0x83: {  	s11 =	sor.u32 $0x2100, s10;
	[tilespmem:s18+$0xC090] =	vst v2  }
0x84: {  	v1 =	vld [tilespmem:s11+$0x0];
	_ =	sdelay $0x4  }
0x85: {  	v1 =	vadd.f32 v1, v0;
	_ =	sdelay $0x1  }
0x86: {  	[tilespmem:s11+$0xA000] =	vst v1;
	s11 =	sor.u32 $0x2180, s10  }
0x87: {  	v1 =	vld [tilespmem:s11+$0x0];
	_ =	sdelay $0x4  }
0x88: {  	v0 =	vadd.f32 v1, v0;
	_ =	sdelay $0x1  }
0x89: {  	[tilespmem:s11+$0xA000] =	vst v0  }
0x8a: {  	v0 =	vld [tilespmem:s15+$0x8000]  }
0x8b: {  	v46 =	vld [tilespmem:s18+$0x3010]  }
0x8c: {  	v47 =	vld [tilespmem:s18+$0x3090];
	_ =	sdelay $0x3  }
0x8d: {  	v1 =	vadd.f32 v46, v0  }
0x8e: {  	v2 =	vadd.f32 v47, v0  }
0x8f: {  	[tilespmem:s18+$0xD010] =	vst v1  }
0x90: {  	s15 =	sor.u32 $0x3100, s10;
	[tilespmem:s18+$0xD090] =	vst v2  }
0x91: {  	v1 =	vld [tilespmem:s15+$0x0];
	_ =	sdelay $0x4  }
0x92: {  	v1 =	vadd.f32 v1, v0;
	_ =	sdelay $0x1  }
0x93: {  	s11 =	sor.u32 $0x3180, s10;
	[tilespmem:s15+$0xA000] =	vst v1  }
0x94: {  	v1 =	vld [tilespmem:s11+$0x0];
	_ =	sdelay $0x4  }
0x95: {  	v0 =	vadd.f32 v1, v0;
	_ =	sdelay $0x1  }
0x96: {  	[tilespmem:s11+$0xA000] =	vst v0  }
0x97: {  	v0 =	vld [tilespmem:s18+$0x8020]  }
0x98: {  	v48 =	vld [tilespmem:s18+$0x20]  }
0x99: {  	v49 =	vld [tilespmem:s18+$0xA0];
	_ =	sdelay $0x3  }
0x9a: {  	v1 =	vadd.f32 v48, v0  }
0x9b: {  	v2 =	vadd.f32 v49, v0  }
0x9c: {  	s7 =	sadd.s32 $0x20, s8;
	[tilespmem:s18+$0xA020] =	vst v1  }
0x9d: {  	s10 =	sor.u32 $0x100, s7;
	[tilespmem:s18+$0xA0A0] =	vst v2  }
0x9e: {  	v1 =	vld [tilespmem:s10+$0x0];
	_ =	sdelay $0x4  }
0x9f: {  	v1 =	vadd.f32 v1, v0;
	_ =	sdelay $0x1  }
0xa0: {  	s11 =	sor.u32 $0x180, s7;
	[tilespmem:s10+$0xA000] =	vst v1  }
0xa1: {  	v1 =	vld [tilespmem:s11+$0x0];
	_ =	sdelay $0x4  }
0xa2: {  	v0 =	vadd.f32 v1, v0;
	_ =	sdelay $0x1  }
0xa3: {  	[tilespmem:s11+$0xA000] =	vst v0  }
0xa4: {  	v0 =	vld [tilespmem:s18+$0x80A0]  }
0xa5: {  	v50 =	vld [tilespmem:s18+$0x1020]  }
0xa6: {  	v51 =	vld [tilespmem:s18+$0x10A0];
	_ =	sdelay $0x3  }
0xa7: {  	v1 =	vadd.f32 v50, v0  }
0xa8: {  	v2 =	vadd.f32 v51, v0  }
0xa9: {  	[tilespmem:s18+$0xB020] =	vst v1  }
0xaa: {  	s15 =	sor.u32 $0x1100, s7;
	[tilespmem:s18+$0xB0A0] =	vst v2  }
0xab: {  	v1 =	vld [tilespmem:s15+$0x0];
	_ =	sdelay $0x4  }
0xac: {  	v1 =	vadd.f32 v1, v0;
	_ =	sdelay $0x1  }
0xad: {  	[tilespmem:s15+$0xA000] =	vst v1;
	s15 =	sor.u32 $0x1180, s7  }
0xae: {  	v1 =	vld [tilespmem:s15+$0x0];
	_ =	sdelay $0x4  }
0xaf: {  	v0 =	vadd.f32 v1, v0;
	_ =	sdelay $0x1  }
0xb0: {  	[tilespmem:s15+$0xA000] =	vst v0  }
0xb1: {  	v0 =	vld [tilespmem:s10+$0x8000]  }
0xb2: {  	v52 =	vld [tilespmem:s18+$0x2020]  }
0xb3: {  	v53 =	vld [tilespmem:s18+$0x20A0];
	_ =	sdelay $0x3  }
0xb4: {  	v1 =	vadd.f32 v52, v0  }
0xb5: {  	v2 =	vadd.f32 v53, v0  }
0xb6: {  	[tilespmem:s18+$0xC020] =	vst v1  }
0xb7: {  	s15 =	sor.u32 $0x2100, s7;
	[tilespmem:s18+$0xC0A0] =	vst v2  }
0xb8: {  	v1 =	vld [tilespmem:s15+$0x0];
	_ =	sdelay $0x4  }
0xb9: {  	v1 =	vadd.f32 v1, v0;
	_ =	sdelay $0x1  }
0xba: {  	[tilespmem:s15+$0xA000] =	vst v1;
	s15 =	sor.u32 $0x2180, s7  }
0xbb: {  	v1 =	vld [tilespmem:s15+$0x0];
	_ =	sdelay $0x4  }
0xbc: {  	v0 =	vadd.f32 v1, v0;
	_ =	sdelay $0x1  }
0xbd: {  	[tilespmem:s15+$0xA000] =	vst v0  }
0xbe: {  	v0 =	vld [tilespmem:s11+$0x8000]  }
0xbf: {  	v54 =	vld [tilespmem:s18+$0x3020]  }
0xc0: {  	v55 =	vld [tilespmem:s18+$0x30A0];
	_ =	sdelay $0x3  }
0xc1: {  	v1 =	vadd.f32 v54, v0  }
0xc2: {  	v2 =	vadd.f32 v55, v0  }
0xc3: {  	[tilespmem:s18+$0xD020] =	vst v1  }
0xc4: {  	s11 =	sor.u32 $0x3100, s7;
	[tilespmem:s18+$0xD0A0] =	vst v2  }
0xc5: {  	v1 =	vld [tilespmem:s11+$0x0];
	_ =	sdelay $0x4  }
0xc6: {  	v1 =	vadd.f32 v1, v0;
	_ =	sdelay $0x1  }
0xc7: {  	s7 =	sor.u32 $0x3180, s7;
	[tilespmem:s11+$0xA000] =	vst v1  }
0xc8: {  	v1 =	vld [tilespmem:s7+$0x0];
	_ =	sdelay $0x4  }
0xc9: {  	v0 =	vadd.f32 v1, v0;
	_ =	sdelay $0x1  }
0xca: {  	[tilespmem:s7+$0xA000] =	vst v0  }
0xcb: {  	v0 =	vld [tilespmem:s18+$0x8030]  }
0xcc: {  	v56 =	vld [tilespmem:s18+$0x30]  }
0xcd: {  	v57 =	vld [tilespmem:s18+$0xB0];
	_ =	sdelay $0x3  }
0xce: {  	v1 =	vadd.f32 v56, v0  }
0xcf: {  	v2 =	vadd.f32 v57, v0  }
0xd0: {  	s7 =	sadd.s32 $0x30, s8;
	[tilespmem:s18+$0xA030] =	vst v1  }
0xd1: {  	s8 =	sor.u32 $0x100, s7;
	[tilespmem:s18+$0xA0B0] =	vst v2  }
0xd2: {  	v1 =	vld [tilespmem:s8+$0x0];
	_ =	sdelay $0x4  }
0xd3: {  	v1 =	vadd.f32 v1, v0;
	_ =	sdelay $0x1  }
0xd4: {  	s10 =	sor.u32 $0x180, s7;
	[tilespmem:s8+$0xA000] =	vst v1  }
0xd5: {  	v1 =	vld [tilespmem:s10+$0x0];
	_ =	sdelay $0x4  }
0xd6: {  	v0 =	vadd.f32 v1, v0;
	_ =	sdelay $0x1  }
0xd7: {  	[tilespmem:s10+$0xA000] =	vst v0  }
0xd8: {  	v0 =	vld [tilespmem:s18+$0x80B0]  }
0xd9: {  	v58 =	vld [tilespmem:s18+$0x1030]  }
0xda: {  	v59 =	vld [tilespmem:s18+$0x10B0];
	_ =	sdelay $0x3  }
0xdb: {  	v1 =	vadd.f32 v58, v0  }
0xdc: {  	v2 =	vadd.f32 v59, v0  }
0xdd: {  	[tilespmem:s18+$0xB030] =	vst v1  }
0xde: {  	s15 =	sor.u32 $0x1100, s7;
	[tilespmem:s18+$0xB0B0] =	vst v2  }
0xdf: {  	v1 =	vld [tilespmem:s15+$0x0];
	_ =	sdelay $0x4  }
0xe0: {  	v1 =	vadd.f32 v1, v0;
	_ =	sdelay $0x1  }
0xe1: {  	[tilespmem:s15+$0xA000] =	vst v1;
	s15 =	sor.u32 $0x1180, s7  }
0xe2: {  	v1 =	vld [tilespmem:s15+$0x0];
	_ =	sdelay $0x4  }
0xe3: {  	v0 =	vadd.f32 v1, v0;
	_ =	sdelay $0x1  }
0xe4: {  	[tilespmem:s15+$0xA000] =	vst v0  }
0xe5: {  	v0 =	vld [tilespmem:s8+$0x8000]  }
0xe6: {  	v60 =	vld [tilespmem:s18+$0x2030]  }
0xe7: {  	v61 =	vld [tilespmem:s18+$0x20B0];
	_ =	sdelay $0x3  }
0xe8: {  	v1 =	vadd.f32 v60, v0  }
0xe9: {  	v2 =	vadd.f32 v61, v0  }
0xea: {  	[tilespmem:s18+$0xC030] =	vst v1  }
0xeb: {  	s11 =	sor.u32 $0x2100, s7;
	[tilespmem:s18+$0xC0B0] =	vst v2  }
0xec: {  	v1 =	vld [tilespmem:s11+$0x0];
	_ =	sdelay $0x4  }
0xed: {  	v1 =	vadd.f32 v1, v0;
	_ =	sdelay $0x1  }
0xee: {  	s15 =	sor.u32 $0x2180, s7;
	[tilespmem:s11+$0xA000] =	vst v1  }
0xef: {  	v1 =	vld [tilespmem:s15+$0x0];
	_ =	sdelay $0x4  }
0xf0: {  	v0 =	vadd.f32 v1, v0;
	_ =	sdelay $0x1  }
0xf1: {  	[tilespmem:s15+$0xA000] =	vst v0  }
0xf2: {  	v0 =	vld [tilespmem:s10+$0x8000]  }
0xf3: {  	v62 =	vld [tilespmem:s18+$0x3030]  }
0xf4: {  	v63 =	vld [tilespmem:s18+$0x30B0];
	_ =	sdelay $0x3  }
0xf5: {  	v1 =	vadd.f32 v62, v0  }
0xf6: {  	v2 =	vadd.f32 v63, v0  }
0xf7: {  	[tilespmem:s18+$0xD030] =	vst v1  }
0xf8: {  	[tilespmem:s18+$0xD0B0] =	vst v2;
	s18 =	sor.u32 $0x3100, s7  }
0xf9: {  	v1 =	vld [tilespmem:s18+$0x0];
	_ =	sdelay $0x4  }
0xfa: {  	v1 =	vadd.f32 v1, v0;
	_ =	sdelay $0x1  }
0xfb: {  	s7 =	sor.u32 $0x3180, s7;
	[tilespmem:s18+$0xA000] =	vst v1  }
0xfc: {  	v1 =	vld [tilespmem:s7+$0x0]  }
0xfd: {  	s31 =	sadd.s32 $0x4, s31  }
0xfe: {  	p2 =	slt.u32 s31, $0x3C  }
.Ltmp2:
0xff: {  	_ = 	snop;
	(pc) =	sbr.rel @p2 .LBB2_3-.Ltmp2, $3  }
0x100: {  	_ = 	snop  }
0x101: {  	v0 =	vadd.f32 v1, v0;
	_ =	sdelay $0x1  }
0x102: {  	s0 =	sadd.s32 $0x40, s0;
	p1 =	por !p1, !p1;
	s4 =	sadd.s32 $0x100, s4;
	[tilespmem:s7+$0xA000] =	vst v0  }
0x103: {  	s0 =	sshll.u32 s29, $0xC  }
0x104: {  	p1 =	seq.s32 s29, $0x1F;
	s0 =	sadd.s32 s0, s12  }
0x105: {  	[hbm4b:s0+s5] =	stream.linear.scatter [tilespmem:s22], [sflag:$0x3], $0x4000, $0x38;
	[tilespmem:$0x12000] =	vst v63  }
0x106: {  	s0 =	sadd.s32 @!p1 s30, s13  }
0x107: {  	s7 =	simm.s32 @!p1 $0x0;
	s4 =	sshll.u32 @!p1 s0, $0x9  }
0x108: {  	s8 =	simm.s32 @!p1 $0x8000;
	s0 =	sshll.u32 @!p1 s0, $0x7;
	s4 =	sadd.s32 @!p1 s1, s4  }
0x109: {  	[tilespmem:s7], [sflag:$0x1] =	stream.linear.gather @!p1 [hbm4b:s4+s7], $0x4000, $0x38;
	[tilespmem:$0x12000] =	vst v63  }
0x10a: {  	s0 =	sadd.s32 @!p1 s2, s0;
	s4 =	simm.s32 @!p1 $0x200;
	s7 =	simm.s32 @!p1 $0x400  }
0x10b: {  	[tilespmem:s8], [sflag:$0x1] =	stream.strided.gather @!p1 [hbm4b:s0+s4], $0x1000, s7, s4, $0x38;
	[tilespmem:$0x12000] =	vst v63  }
0x10c: {  	_ =	swait.ge [sflag:s23], $0x4000  }
0x10d: {  	[sflag:s23] =	ssyncset.done $0x0  }
0x10e: {  	[sflag:s23] =	ssyncadd.s32 $0xFFFFC000  }
0x10f: {  	_ =	swait.ge [sflag:s23], $0x1000  }
0x110: {  	[sflag:s23] =	ssyncset.done $0x0  }
0x111: {  	s0 =	simm.s32 @!p0 $0x4;
	[sflag:s23] =	ssyncadd.s32 $0xFFFFF000  }
0x112: {  	_ =	swait.ge @!p0 [sflag:s0], $0x4000  }
0x113: {  	s31 =	simm.s32 $0xFFFFFFFC;
	s4 =	simm.s32 $0x0;
	[sflag:s0] =	ssyncset.done @!p0 $0x0  }
0x114: {  	[sflag:s0] =	ssyncadd.s32 @!p0 $0xFFFFC000;
	p0 =	por $0x0, $0x0;
	s0 =	simm.s32 $0x0  }
.LBB2_5:
0x115: {  	s7 =	sand.u32 $0x40, s0;
	s8 =	sand.u32 $0xE00, s4  }
0x116: {  	s18 =	sor.u32 s7, s8  }
0x117: {  	v0 =	vld [tilespmem:s18+$0x9000]  }
0x118: {  	v1 =	vld [tilespmem:s18+$0x4000]  }
0x119: {  	v2 =	vld [tilespmem:s18+$0x4080];
	_ =	sdelay $0x2  }
0x11a: {  	s7 =	simm.s32 $0x1  }
0x11b: {  	s7 =	simm.s32 @!p0 $0x0;
	v1 =	vadd.f32 v1, v0  }
0x11c: {  	s7 =	sshll.u32 s7, $0x6;
	v2 =	vadd.f32 v2, v0  }
0x11d: {  	s8 =	sadd.s32 s7, s4;
	[tilespmem:s18+$0xE000] =	vst v1  }
0x11e: {  	s7 =	sor.u32 $0x100, s8;
	[tilespmem:s18+$0xE080] =	vst v2  }
0x11f: {  	v1 =	vld [tilespmem:s7+$0x4000];
	_ =	sdelay $0x4  }
0x120: {  	v1 =	vadd.f32 v1, v0;
	_ =	sdelay $0x1  }
0x121: {  	s10 =	sor.u32 $0x180, s8;
	[tilespmem:s7+$0xE000] =	vst v1  }
0x122: {  	v1 =	vld [tilespmem:s10+$0x4000];
	_ =	sdelay $0x4  }
0x123: {  	v0 =	vadd.f32 v1, v0;
	_ =	sdelay $0x1  }
0x124: {  	[tilespmem:s10+$0xE000] =	vst v0  }
0x125: {  	v0 =	vld [tilespmem:s18+$0x9080]  }
0x126: {  	v34 =	vld [tilespmem:s18+$0x5000]  }
0x127: {  	v35 =	vld [tilespmem:s18+$0x5080];
	_ =	sdelay $0x3  }
0x128: {  	v1 =	vadd.f32 v34, v0  }
0x129: {  	v2 =	vadd.f32 v35, v0  }
0x12a: {  	[tilespmem:s18+$0xF000] =	vst v1  }
0x12b: {  	s11 =	sor.u32 $0x1100, s8;
	[tilespmem:s18+$0xF080] =	vst v2  }
0x12c: {  	v1 =	vld [tilespmem:s11+$0x4000];
	_ =	sdelay $0x4  }
0x12d: {  	v1 =	vadd.f32 v1, v0;
	_ =	sdelay $0x1  }
0x12e: {  	s15 =	sor.u32 $0x1180, s8;
	[tilespmem:s11+$0xE000] =	vst v1  }
0x12f: {  	v1 =	vld [tilespmem:s15+$0x4000];
	_ =	sdelay $0x4  }
0x130: {  	v0 =	vadd.f32 v1, v0;
	_ =	sdelay $0x1  }
0x131: {  	[tilespmem:s15+$0xE000] =	vst v0  }
0x132: {  	v0 =	vld [tilespmem:s7+$0x9000]  }
0x133: {  	v36 =	vld [tilespmem:s18+$0x6000]  }
0x134: {  	v37 =	vld [tilespmem:s18+$0x6080];
	_ =	sdelay $0x3  }
0x135: {  	v1 =	vadd.f32 v36, v0  }
0x136: {  	v2 =	vadd.f32 v37, v0  }
0x137: {  	[tilespmem:s18+$0x10000] =	vst v1  }
0x138: {  	s11 =	sor.u32 $0x2100, s8;
	[tilespmem:s18+$0x10080] =	vst v2  }
0x139: {  	v1 =	vld [tilespmem:s11+$0x4000];
	_ =	sdelay $0x4  }
0x13a: {  	v1 =	vadd.f32 v1, v0;
	_ =	sdelay $0x1  }
0x13b: {  	s15 =	sor.u32 $0x2180, s8;
	[tilespmem:s11+$0xE000] =	vst v1  }
0x13c: {  	v1 =	vld [tilespmem:s15+$0x4000];
	_ =	sdelay $0x4  }
0x13d: {  	v0 =	vadd.f32 v1, v0;
	_ =	sdelay $0x1  }
0x13e: {  	[tilespmem:s15+$0xE000] =	vst v0  }
0x13f: {  	v0 =	vld [tilespmem:s10+$0x9000]  }
0x140: {  	v38 =	vld [tilespmem:s18+$0x7000]  }
0x141: {  	v39 =	vld [tilespmem:s18+$0x7080];
	_ =	sdelay $0x3  }
0x142: {  	v1 =	vadd.f32 v38, v0  }
0x143: {  	v2 =	vadd.f32 v39, v0  }
0x144: {  	[tilespmem:s18+$0x11000] =	vst v1  }
0x145: {  	s10 =	sor.u32 $0x3100, s8;
	[tilespmem:s18+$0x11080] =	vst v2  }
0x146: {  	v1 =	vld [tilespmem:s10+$0x4000];
	_ =	sdelay $0x4  }
0x147: {  	v1 =	vadd.f32 v1, v0;
	_ =	sdelay $0x1  }
0x148: {  	s11 =	sor.u32 $0x3180, s8;
	[tilespmem:s10+$0xE000] =	vst v1  }
0x149: {  	v1 =	vld [tilespmem:s11+$0x4000];
	_ =	sdelay $0x4  }
0x14a: {  	v0 =	vadd.f32 v1, v0;
	_ =	sdelay $0x1  }
0x14b: {  	[tilespmem:s11+$0xE000] =	vst v0  }
0x14c: {  	v0 =	vld [tilespmem:s18+$0x9010]  }
0x14d: {  	v40 =	vld [tilespmem:s18+$0x4010]  }
0x14e: {  	v41 =	vld [tilespmem:s18+$0x4090];
	_ =	sdelay $0x3  }
0x14f: {  	v1 =	vadd.f32 v40, v0  }
0x150: {  	v2 =	vadd.f32 v41, v0  }
0x151: {  	s7 =	sadd.s32 $0x10, s8;
	[tilespmem:s18+$0xE010] =	vst v1  }
0x152: {  	s10 =	sor.u32 $0x100, s7;
	[tilespmem:s18+$0xE090] =	vst v2  }
0x153: {  	v1 =	vld [tilespmem:s10+$0x4000];
	_ =	sdelay $0x4  }
0x154: {  	v1 =	vadd.f32 v1, v0;
	_ =	sdelay $0x1  }
0x155: {  	s11 =	sor.u32 $0x180, s7;
	[tilespmem:s10+$0xE000] =	vst v1  }
0x156: {  	v1 =	vld [tilespmem:s11+$0x4000];
	_ =	sdelay $0x4  }
0x157: {  	v0 =	vadd.f32 v1, v0;
	_ =	sdelay $0x1  }
0x158: {  	[tilespmem:s11+$0xE000] =	vst v0  }
0x159: {  	v0 =	vld [tilespmem:s18+$0x9090]  }
0x15a: {  	v42 =	vld [tilespmem:s18+$0x5010]  }
0x15b: {  	v43 =	vld [tilespmem:s18+$0x5090];
	_ =	sdelay $0x3  }
0x15c: {  	v1 =	vadd.f32 v42, v0  }
0x15d: {  	v2 =	vadd.f32 v43, v0  }
0x15e: {  	[tilespmem:s18+$0xF010] =	vst v1  }
0x15f: {  	s15 =	sor.u32 $0x1100, s7;
	[tilespmem:s18+$0xF090] =	vst v2  }
0x160: {  	v1 =	vld [tilespmem:s15+$0x4000];
	_ =	sdelay $0x4  }
0x161: {  	v1 =	vadd.f32 v1, v0;
	_ =	sdelay $0x1  }
0x162: {  	[tilespmem:s15+$0xE000] =	vst v1;
	s15 =	sor.u32 $0x1180, s7  }
0x163: {  	v1 =	vld [tilespmem:s15+$0x4000];
	_ =	sdelay $0x4  }
0x164: {  	v0 =	vadd.f32 v1, v0;
	_ =	sdelay $0x1  }
0x165: {  	[tilespmem:s15+$0xE000] =	vst v0  }
0x166: {  	v0 =	vld [tilespmem:s10+$0x9000]  }
0x167: {  	v44 =	vld [tilespmem:s18+$0x6010]  }
0x168: {  	v45 =	vld [tilespmem:s18+$0x6090];
	_ =	sdelay $0x3  }
0x169: {  	v1 =	vadd.f32 v44, v0  }
0x16a: {  	v2 =	vadd.f32 v45, v0  }
0x16b: {  	[tilespmem:s18+$0x10010] =	vst v1  }
0x16c: {  	s15 =	sor.u32 $0x2100, s7;
	[tilespmem:s18+$0x10090] =	vst v2  }
0x16d: {  	v1 =	vld [tilespmem:s15+$0x4000];
	_ =	sdelay $0x4  }
0x16e: {  	v1 =	vadd.f32 v1, v0;
	_ =	sdelay $0x1  }
0x16f: {  	[tilespmem:s15+$0xE000] =	vst v1;
	s15 =	sor.u32 $0x2180, s7  }
0x170: {  	v1 =	vld [tilespmem:s15+$0x4000];
	_ =	sdelay $0x4  }
0x171: {  	v0 =	vadd.f32 v1, v0;
	_ =	sdelay $0x1  }
0x172: {  	[tilespmem:s15+$0xE000] =	vst v0  }
0x173: {  	v0 =	vld [tilespmem:s11+$0x9000]  }
0x174: {  	v46 =	vld [tilespmem:s18+$0x7010]  }
0x175: {  	v47 =	vld [tilespmem:s18+$0x7090];
	_ =	sdelay $0x3  }
0x176: {  	v1 =	vadd.f32 v46, v0  }
0x177: {  	v2 =	vadd.f32 v47, v0  }
0x178: {  	[tilespmem:s18+$0x11010] =	vst v1  }
0x179: {  	s11 =	sor.u32 $0x3100, s7;
	[tilespmem:s18+$0x11090] =	vst v2  }
0x17a: {  	v1 =	vld [tilespmem:s11+$0x4000];
	_ =	sdelay $0x4  }
0x17b: {  	v1 =	vadd.f32 v1, v0;
	_ =	sdelay $0x1  }
0x17c: {  	s7 =	sor.u32 $0x3180, s7;
	[tilespmem:s11+$0xE000] =	vst v1  }
0x17d: {  	v1 =	vld [tilespmem:s7+$0x4000];
	_ =	sdelay $0x4  }
0x17e: {  	v0 =	vadd.f32 v1, v0;
	_ =	sdelay $0x1  }
0x17f: {  	[tilespmem:s7+$0xE000] =	vst v0  }
0x180: {  	v0 =	vld [tilespmem:s18+$0x9020]  }
0x181: {  	v48 =	vld [tilespmem:s18+$0x4020]  }
0x182: {  	v49 =	vld [tilespmem:s18+$0x40A0];
	_ =	sdelay $0x3  }
0x183: {  	v1 =	vadd.f32 v48, v0  }
0x184: {  	v2 =	vadd.f32 v49, v0  }
0x185: {  	s7 =	sadd.s32 $0x20, s8;
	[tilespmem:s18+$0xE020] =	vst v1  }
0x186: {  	s10 =	sor.u32 $0x100, s7;
	[tilespmem:s18+$0xE0A0] =	vst v2  }
0x187: {  	v1 =	vld [tilespmem:s10+$0x4000];
	_ =	sdelay $0x4  }
0x188: {  	v1 =	vadd.f32 v1, v0;
	_ =	sdelay $0x1  }
0x189: {  	s11 =	sor.u32 $0x180, s7;
	[tilespmem:s10+$0xE000] =	vst v1  }
0x18a: {  	v1 =	vld [tilespmem:s11+$0x4000];
	_ =	sdelay $0x4  }
0x18b: {  	v0 =	vadd.f32 v1, v0;
	_ =	sdelay $0x1  }
0x18c: {  	[tilespmem:s11+$0xE000] =	vst v0  }
0x18d: {  	v0 =	vld [tilespmem:s18+$0x90A0]  }
0x18e: {  	v50 =	vld [tilespmem:s18+$0x5020]  }
0x18f: {  	v51 =	vld [tilespmem:s18+$0x50A0];
	_ =	sdelay $0x3  }
0x190: {  	v1 =	vadd.f32 v50, v0  }
0x191: {  	v2 =	vadd.f32 v51, v0  }
0x192: {  	[tilespmem:s18+$0xF020] =	vst v1  }
0x193: {  	s15 =	sor.u32 $0x1100, s7;
	[tilespmem:s18+$0xF0A0] =	vst v2  }
0x194: {  	v1 =	vld [tilespmem:s15+$0x4000];
	_ =	sdelay $0x4  }
0x195: {  	v1 =	vadd.f32 v1, v0;
	_ =	sdelay $0x1  }
0x196: {  	[tilespmem:s15+$0xE000] =	vst v1;
	s15 =	sor.u32 $0x1180, s7  }
0x197: {  	v1 =	vld [tilespmem:s15+$0x4000];
	_ =	sdelay $0x4  }
0x198: {  	v0 =	vadd.f32 v1, v0;
	_ =	sdelay $0x1  }
0x199: {  	[tilespmem:s15+$0xE000] =	vst v0  }
0x19a: {  	v0 =	vld [tilespmem:s10+$0x9000]  }
0x19b: {  	v52 =	vld [tilespmem:s18+$0x6020]  }
0x19c: {  	v53 =	vld [tilespmem:s18+$0x60A0];
	_ =	sdelay $0x3  }
0x19d: {  	v1 =	vadd.f32 v52, v0  }
0x19e: {  	v2 =	vadd.f32 v53, v0  }
0x19f: {  	[tilespmem:s18+$0x10020] =	vst v1  }
0x1a0: {  	s15 =	sor.u32 $0x2100, s7;
	[tilespmem:s18+$0x100A0] =	vst v2  }
0x1a1: {  	v1 =	vld [tilespmem:s15+$0x4000];
	_ =	sdelay $0x4  }
0x1a2: {  	v1 =	vadd.f32 v1, v0;
	_ =	sdelay $0x1  }
0x1a3: {  	[tilespmem:s15+$0xE000] =	vst v1;
	s15 =	sor.u32 $0x2180, s7  }
0x1a4: {  	v1 =	vld [tilespmem:s15+$0x4000];
	_ =	sdelay $0x4  }
0x1a5: {  	v0 =	vadd.f32 v1, v0;
	_ =	sdelay $0x1  }
0x1a6: {  	[tilespmem:s15+$0xE000] =	vst v0  }
0x1a7: {  	v0 =	vld [tilespmem:s11+$0x9000]  }
0x1a8: {  	v54 =	vld [tilespmem:s18+$0x7020]  }
0x1a9: {  	v55 =	vld [tilespmem:s18+$0x70A0];
	_ =	sdelay $0x3  }
0x1aa: {  	v1 =	vadd.f32 v54, v0  }
0x1ab: {  	v2 =	vadd.f32 v55, v0  }
0x1ac: {  	[tilespmem:s18+$0x11020] =	vst v1  }
0x1ad: {  	s11 =	sor.u32 $0x3100, s7;
	[tilespmem:s18+$0x110A0] =	vst v2  }
0x1ae: {  	v1 =	vld [tilespmem:s11+$0x4000];
	_ =	sdelay $0x4  }
0x1af: {  	v1 =	vadd.f32 v1, v0;
	_ =	sdelay $0x1  }
0x1b0: {  	s7 =	sor.u32 $0x3180, s7;
	[tilespmem:s11+$0xE000] =	vst v1  }
0x1b1: {  	v1 =	vld [tilespmem:s7+$0x4000];
	_ =	sdelay $0x4  }
0x1b2: {  	v0 =	vadd.f32 v1, v0;
	_ =	sdelay $0x1  }
0x1b3: {  	[tilespmem:s7+$0xE000] =	vst v0  }
0x1b4: {  	v0 =	vld [tilespmem:s18+$0x9030]  }
0x1b5: {  	v56 =	vld [tilespmem:s18+$0x4030]  }
0x1b6: {  	v57 =	vld [tilespmem:s18+$0x40B0];
	_ =	sdelay $0x3  }
0x1b7: {  	v1 =	vadd.f32 v56, v0  }
0x1b8: {  	v2 =	vadd.f32 v57, v0  }
0x1b9: {  	s7 =	sadd.s32 $0x30, s8;
	[tilespmem:s18+$0xE030] =	vst v1  }
0x1ba: {  	s8 =	sor.u32 $0x100, s7;
	[tilespmem:s18+$0xE0B0] =	vst v2  }
0x1bb: {  	v1 =	vld [tilespmem:s8+$0x4000];
	_ =	sdelay $0x4  }
0x1bc: {  	v1 =	vadd.f32 v1, v0;
	_ =	sdelay $0x1  }
0x1bd: {  	s10 =	sor.u32 $0x180, s7;
	[tilespmem:s8+$0xE000] =	vst v1  }
0x1be: {  	v1 =	vld [tilespmem:s10+$0x4000];
	_ =	sdelay $0x4  }
0x1bf: {  	v0 =	vadd.f32 v1, v0;
	_ =	sdelay $0x1  }
0x1c0: {  	[tilespmem:s10+$0xE000] =	vst v0  }
0x1c1: {  	v0 =	vld [tilespmem:s18+$0x90B0]  }
0x1c2: {  	v58 =	vld [tilespmem:s18+$0x5030]  }
0x1c3: {  	v59 =	vld [tilespmem:s18+$0x50B0];
	_ =	sdelay $0x3  }
0x1c4: {  	v1 =	vadd.f32 v58, v0  }
0x1c5: {  	v2 =	vadd.f32 v59, v0  }
0x1c6: {  	[tilespmem:s18+$0xF030] =	vst v1  }
0x1c7: {  	s15 =	sor.u32 $0x1100, s7;
	[tilespmem:s18+$0xF0B0] =	vst v2  }
0x1c8: {  	v1 =	vld [tilespmem:s15+$0x4000];
	_ =	sdelay $0x4  }
0x1c9: {  	v1 =	vadd.f32 v1, v0;
	_ =	sdelay $0x1  }
0x1ca: {  	[tilespmem:s15+$0xE000] =	vst v1;
	s15 =	sor.u32 $0x1180, s7  }
0x1cb: {  	v1 =	vld [tilespmem:s15+$0x4000];
	_ =	sdelay $0x4  }
0x1cc: {  	v0 =	vadd.f32 v1, v0;
	_ =	sdelay $0x1  }
0x1cd: {  	[tilespmem:s15+$0xE000] =	vst v0  }
0x1ce: {  	v0 =	vld [tilespmem:s8+$0x9000]  }
0x1cf: {  	v60 =	vld [tilespmem:s18+$0x6030]  }
0x1d0: {  	v61 =	vld [tilespmem:s18+$0x60B0];
	_ =	sdelay $0x3  }
0x1d1: {  	v1 =	vadd.f32 v60, v0  }
0x1d2: {  	v2 =	vadd.f32 v61, v0  }
0x1d3: {  	[tilespmem:s18+$0x10030] =	vst v1  }
0x1d4: {  	s11 =	sor.u32 $0x2100, s7;
	[tilespmem:s18+$0x100B0] =	vst v2  }
0x1d5: {  	v1 =	vld [tilespmem:s11+$0x4000];
	_ =	sdelay $0x4  }
0x1d6: {  	v1 =	vadd.f32 v1, v0;
	_ =	sdelay $0x1  }
0x1d7: {  	s15 =	sor.u32 $0x2180, s7;
	[tilespmem:s11+$0xE000] =	vst v1  }
0x1d8: {  	v1 =	vld [tilespmem:s15+$0x4000];
	_ =	sdelay $0x4  }
0x1d9: {  	v0 =	vadd.f32 v1, v0;
	_ =	sdelay $0x1  }
0x1da: {  	[tilespmem:s15+$0xE000] =	vst v0  }
0x1db: {  	v0 =	vld [tilespmem:s10+$0x9000]  }
0x1dc: {  	v62 =	vld [tilespmem:s18+$0x7030]  }
0x1dd: {  	v63 =	vld [tilespmem:s18+$0x70B0];
	_ =	sdelay $0x3  }
0x1de: {  	v1 =	vadd.f32 v62, v0  }
0x1df: {  	v2 =	vadd.f32 v63, v0  }
0x1e0: {  	[tilespmem:s18+$0x11030] =	vst v1  }
0x1e1: {  	[tilespmem:s18+$0x110B0] =	vst v2;
	s18 =	sor.u32 $0x3100, s7  }
0x1e2: {  	v1 =	vld [tilespmem:s18+$0x4000];
	_ =	sdelay $0x4  }
0x1e3: {  	v1 =	vadd.f32 v1, v0;
	_ =	sdelay $0x1  }
0x1e4: {  	s7 =	sor.u32 $0x3180, s7;
	[tilespmem:s18+$0xE000] =	vst v1  }
0x1e5: {  	v1 =	vld [tilespmem:s7+$0x4000]  }
0x1e6: {  	s31 =	sadd.s32 $0x4, s31  }
0x1e7: {  	p2 =	slt.u32 s31, $0x3C  }
.Ltmp3:
0x1e8: {  	_ = 	snop;
	(pc) =	sbr.rel @p2 .LBB2_5-.Ltmp3, $3  }
0x1e9: {  	_ = 	snop  }
0x1ea: {  	v0 =	vadd.f32 v1, v0;
	_ =	sdelay $0x1  }
0x1eb: {  	s0 =	sadd.s32 $0x40, s0;
	p0 =	por !p0, !p0;
	s4 =	sadd.s32 $0x100, s4;
	[tilespmem:s7+$0xE000] =	vst v0  }
.Ltmp4:
0x1ec: {  	s0 =	sadd.s32 s30, s6;
	(pc) =	sbr.rel @p1 .LBB2_8-.Ltmp4, $4  }
0x1ed: {  	s0 =	sshll.u32 s0, $0x9  }
0x1ee: {  	s0 =	sadd.s32 s3, s0  }
0x1ef: {  	s0 =	sadd.s32 $0x800, s0  }
0x1f0: {  	[hbm4b:s0+s5] =	stream.linear.scatter [tilespmem:s24], [sflag:$0x4], $0x4000, $0x38;
	[tilespmem:$0x12000] =	vst v63  }
0x1f1: {  	s0 =	sadd.s32 s30, s14  }
.Ltmp5:
0x1f2: {  	s4 =	sshll.u32 s0, $0x9;
	s0 =	sshll.u32 s0, $0x7;
	(pc) =	sbr.rel .LBB2_2-.Ltmp5, $4  }
0x1f3: {  	s4 =	sadd.s32 s1, s4;
	s0 =	sand.u32 $0x1FFC00, s0  }
0x1f4: {  	[tilespmem:s19], [sflag:$0x2] =	stream.linear.gather [hbm4b:s4+s5], $0x4000, $0x38;
	[tilespmem:$0x12000] =	vst v63  }
0x1f5: {  	s29 =	sadd.s32 $0x1, s29;
	s0 =	sadd.s32 s0, s9  }
0x1f6: {  	[tilespmem:s20], [sflag:$0x2] =	stream.strided.gather [hbm4b:s0+s16], $0x1000, s17, s16, $0x38;
	[tilespmem:$0x12000] =	vst v63  }
.LBB2_9:
0x1f7: {  	_ =	sfence.sel $0x180000  }
0x1f8: {  	[bflag:$0x0] =	sbarrier.arrive $0xFFFF  }
0x1f9: {  	_ =	strace $0x90000047  }
0x1fa: {  	s0 =	stileid.u32;
	[bflag:$0x2] =	sbarrier.arrive $0xFFFF  }
0x1fb: {  	p0 =	sne.s32 s0, $0x0;
	s0 =	rddreg [dreg:$0x3]  }
0x1fc: {  	s0 =	sadd.s32 @!p0 $0x100000, s0  }
0x1fd: {  	[sflag:s0] =	ssyncadd.tile.s32 @!p0 $0x1;
	_ =	shalt  }
.Lfunc_end2:
_tile_overlayer_lowered:
.L_overlay_start_2:
0x1fe: {  	(tag) =	ssettag $0x2  }
0x1ff: {  	s0 =	rddreg [dreg:$0x0];
	s2 =	stileid.u32  }
0x200: {  	s1 =	rddreg [dreg:$0x1];
	p0 =	sne.s32 s2, $0x0  }
0x201: {  	s3 =	rddreg [dreg:$0x2];
	[bflag:$0x3] =	sbarrier.arrive $0xFFFF;
	s2 =	simm.s32 @!p0 $0x1C05  }
0x202: {  	[timem:s3], [sflag:s2] =	dma.local @!p0 [hbm:s0], s1  }
0x203: {  	s0 =	simm.s32 @!p0 $0x5  }
0x204: {  	_ =	swait.ge @!p0 [sflag:s0], s1  }
0x205: {  	s1 =	ssub.s32 @!p0 $0x0, s1;
	[sflag:s0] =	ssyncset.done @!p0 $0x0  }
0x206: {  	[sflag:s0] =	ssyncadd.s32 @!p0 s1  }
0x207: {  	[bflag:$0x3] =	sbarrier.arrive $0xFFFF  }
0x208: {  	_ =	shalt  }

</sc_bundles>
